<compile_context>
chip_gen: v7x
topology: tpu7x:2x2x1
jax: 0.10.2.dev20260603
libtpu: 0.0.44.dev20260713+nightly
codegen_flags: <defaults>
</compile_context>

<pallas_src>
import jax
import jax.numpy as jnp
from jax import lax
from jax.experimental import pallas as pl
from jax.experimental.pallas import tpu as pltpu
from jax.experimental.pallas import tpu_sc as plsc

N_ENTITIES = 100000
N_RELATIONS = 500
EMBED_DIM = 64
BATCH = 1024

_NC = 2
_NS = 16
_NL = 16
_NW = _NC * _NS
_B_PER_W = BATCH // _NW


def _sc_gather_body(heads_hbm, rels_hbm, ent_hbm, rel_hbm, out_hbm,
                    hidx_v, ridx_v, e_v, r_v, sem):
    wid = lax.axis_index("s") * _NC + lax.axis_index("c")
    base = wid * _B_PER_W
    pltpu.sync_copy(heads_hbm.at[pl.ds(base, _B_PER_W)], hidx_v)
    pltpu.sync_copy(rels_hbm.at[pl.ds(base, _B_PER_W)], ridx_v)
    cp_e = pltpu.async_copy(ent_hbm.at[hidx_v], e_v, sem)
    cp_r = pltpu.async_copy(rel_hbm.at[ridx_v], r_v, sem)
    cp_e.wait()
    cp_r.wait()
    for i in range(_B_PER_W):
        for c in range(EMBED_DIM // _NL):
            sl = pl.ds(c * _NL, _NL)
            e_v[i, sl] = e_v[i, sl] + r_v[i, sl]
    pltpu.sync_copy(e_v, out_hbm.at[pl.ds(base, _B_PER_W)])


def _sc_gather_hr(heads, relations, entity_emb, relation_emb):
    mesh = plsc.VectorSubcoreMesh(core_axis_name="c", subcore_axis_name="s")
    fn = pl.kernel(
        _sc_gather_body, mesh=mesh,
        compiler_params=pltpu.CompilerParams(use_tc_tiling_on_sc=False),
        out_type=jax.ShapeDtypeStruct((BATCH, EMBED_DIM), jnp.float32),
        scratch_types=[
            pltpu.VMEM((_B_PER_W,), jnp.int32),
            pltpu.VMEM((_B_PER_W,), jnp.int32),
            pltpu.VMEM((_B_PER_W, EMBED_DIM), jnp.float32),
            pltpu.VMEM((_B_PER_W, EMBED_DIM), jnp.float32),
            pltpu.SemaphoreType.DMA,
        ],
    )
    return fn(heads, relations, entity_emb, relation_emb)


_TN = 2048
_NBLK = (N_ENTITIES + _TN - 1) // _TN
_DA = EMBED_DIM + 2


def _tc_score_body(hr_ref, e_ref, outT_ref, pred_ref,
                   a_sc, b_sc, best_val, best_idx):
    j = pl.program_id(0)

    @pl.when(j == 0)
    def _():
        hr = hr_ref[...]
        a_sc[:, 0:EMBED_DIM] = 2.0 * hr
        a_sc[:, EMBED_DIM:EMBED_DIM + 1] = jnp.full((BATCH, 1), -1.0,
                                                    jnp.float32)
        a_sc[:, EMBED_DIM + 1:_DA] = -jnp.sum(hr * hr, axis=1, keepdims=True)
        best_val[...] = jnp.full((8, BATCH), -jnp.inf, jnp.float32)
        best_idx[...] = jnp.zeros((8, BATCH), jnp.int32)

    e = e_ref[...]
    b_sc[:, 0:EMBED_DIM] = e
    b_sc[:, EMBED_DIM:EMBED_DIM + 1] = jnp.sum(e * e, axis=1, keepdims=True)
    b_sc[:, EMBED_DIM + 1:_DA] = jnp.full((_TN, 1), 1.0, jnp.float32)

    scoresT = lax.dot_general(b_sc[...], a_sc[...], (((1,), (1,)), ((), ())),
                              precision=lax.Precision.HIGHEST,
                              preferred_element_type=jnp.float32)
    outT_ref[...] = scoresT

    row = j * _TN + lax.broadcasted_iota(jnp.int32, (_TN, BATCH), 0)
    big = jnp.int32(2**31 - 1)

    def _fold(local_max, local_arg):
        lm8 = jnp.broadcast_to(local_max, (8, BATCH))
        la8 = jnp.broadcast_to(local_arg, (8, BATCH))
        better = lm8 > best_val[...]
        best_val[...] = jnp.where(better, lm8, best_val[...])
        best_idx[...] = jnp.where(better, la8, best_idx[...])

    @pl.when(j < _NBLK - 1)
    def _():
        lm = jnp.max(scoresT, axis=0, keepdims=True)
        la = jnp.min(jnp.where(scoresT == lm, row, big), axis=0,
                     keepdims=True)
        _fold(lm, la)

    @pl.when(j == _NBLK - 1)
    def _():
        valid = row < N_ENTITIES
        s_m = jnp.where(valid, scoresT, -jnp.inf)
        lm = jnp.max(s_m, axis=0, keepdims=True)
        la = jnp.min(jnp.where(s_m == lm, row, big), axis=0, keepdims=True)
        _fold(lm, la)

    pred_ref[...] = best_idx[...]


def _tc_score(hr, entity_emb):
    return pl.pallas_call(
        _tc_score_body,
        grid=(_NBLK,),
        compiler_params=pltpu.CompilerParams(
            vmem_limit_bytes=60 * 1024 * 1024),
        in_specs=[
            pl.BlockSpec((BATCH, EMBED_DIM), lambda j: (0, 0)),
            pl.BlockSpec((_TN, EMBED_DIM), lambda j: (j, 0)),
        ],
        out_specs=(
            pl.BlockSpec((_TN, BATCH), lambda j: (j, 0)),
            pl.BlockSpec((8, BATCH), lambda j: (0, 0)),
        ),
        out_shape=(
            jax.ShapeDtypeStruct((N_ENTITIES, BATCH), jnp.float32),
            jax.ShapeDtypeStruct((8, BATCH), jnp.int32),
        ),
        scratch_shapes=[
            pltpu.VMEM((BATCH, _DA), jnp.float32),
            pltpu.VMEM((_TN, _DA), jnp.float32),
            pltpu.VMEM((8, BATCH), jnp.float32),
            pltpu.VMEM((8, BATCH), jnp.int32),
        ],
    )(hr, entity_emb)


def kernel(queries, entity_emb, relation_emb):
    heads = queries[:, 0].astype(jnp.int32)
    relations = queries[:, 1].astype(jnp.int32)
    hr = _sc_gather_hr(heads, relations, entity_emb, relation_emb)
    scores_t, pred8 = _tc_score(hr, entity_emb)
    return scores_t.T, pred8[0]

# --- scband reference (transcript-rebuilt; emitter-appended) ---
"""Pipeline reference for scband-knowledge-graph-reasoner-81003083202651 (READ-ONLY COPY).

The authoritative reference and input builder live on the scoring server;
editing this copy changes nothing except your own understanding.
"""

import jax, jax.numpy as jnp
import numpy as np

N_ENTITIES = 100000
N_RELATIONS = 500
EMBED_DIM = 64
BATCH = 1024


def setup_inputs(seed: int = 0) -> dict:
    key = jax.random.key(seed)
    k1, k2, k3 = jax.random.split(key, 3)
    queries = jax.random.randint(k1, (BATCH, 3), 0, N_RELATIONS, dtype=jnp.int64) if jax.config.jax_enable_x64 else jax.random.randint(k1, (BATCH, 3), 0, N_RELATIONS).astype(jnp.int32)
    entity_emb = jax.random.normal(k2, (N_ENTITIES, EMBED_DIM), dtype=jnp.float32)
    relation_emb = jax.random.normal(k3, (N_RELATIONS, EMBED_DIM), dtype=jnp.float32)
    return {"queries": queries, "entity_emb": entity_emb, "relation_emb": relation_emb}


def reference(queries, entity_emb, relation_emb):
    # Faithful to the torch forward: for every candidate tail entity t,
    # score(h, r, t) = -||E[h] + R[r] - E[t]||^2, vectorized over all tails.
    heads = queries[:, 0]
    relations = queries[:, 1]
    h = jnp.take(entity_emb, heads, axis=0)          # [B, D] gather
    r = jnp.take(relation_emb, relations, axis=0)    # [B, D] gather
    hr = h + r                                       # [B, D]
    # ||hr - t||^2 = ||hr||^2 - 2 hr.t + ||t||^2 (exact expansion, avoids [B,N,D] blowup)
    hr_sq = jnp.sum(hr * hr, axis=-1, keepdims=True)           # [B, 1]
    t_sq = jnp.sum(entity_emb * entity_emb, axis=-1)           # [N]
    cross = hr @ entity_emb.T                                  # [B, N]
    all_scores = -(hr_sq - 2.0 * cross + t_sq[None, :])        # [B, N]
    predictions = jnp.argmax(all_scores, axis=-1)              # [B]
    return all_scores, predictions

if __name__ == "__main__":
    import jax
    _d = setup_inputs()
    print(jax.jit(kernel)(*tuple(_d.values())))

</pallas_src>

<mosaic_0001>
#map = affine_map<(d0, d1) -> (0)>
#map1 = affine_map<(d0, d1) -> (0, 0)>
module attributes {stable_mosaic.version = 14 : i64} {
  func.func @_sc_gather_body(%arg0: i32, %arg1: i32, %arg2: memref<1024xi32, #tpu.memory_space<hbm>>, %arg3: memref<1024xi32, #tpu.memory_space<hbm>>, %arg4: memref<100000x64xf32, #tpu.memory_space<hbm>>, %arg5: memref<500x64xf32, #tpu.memory_space<hbm>>, %arg6: memref<1024x64xf32, #tpu.memory_space<hbm>>, %arg7: memref<32xi32, #tpu.memory_space<vmem>>, %arg8: memref<32xi32, #tpu.memory_space<vmem>>, %arg9: memref<32x64xf32, #tpu.memory_space<vmem>>, %arg10: memref<32x64xf32, #tpu.memory_space<vmem>>, %arg11: memref<!tpu.dma_semaphore, #tpu.memory_space<semaphore_mem>>) attributes {dimension_semantics = [#tpu.dimension_semantics<core_parallel>, #tpu.dimension_semantics<subcore_parallel>], iteration_bounds = array<i64: 2, 16>, scalar_prefetch = 0 : i64, scratch_operands = 5 : i64, tpu.core_type = #tpu.core_type<sc_vector_subcore>, window_params = [{transform_indices = #map}, {transform_indices = #map}, {transform_indices = #map1}, {transform_indices = #map1}, {transform_indices = #map1}]} {
    %mul3A = arith.constant 2 : i32
    %mul3A_0 = arith.muli %arg1, %mul3A : i32
    %add3A = arith.addi %mul3A_0, %arg0 : i32
    %mul3A_1 = arith.constant 32 : i32
    %mul3A_2 = arith.muli %add3A, %mul3A_1 : i32
    "tpu.region"() ({
      %run_scoped3A = tpu.sem_alloc : memref<!tpu.dma_semaphore, #tpu.memory_space<semaphore_mem>>
      %dma_start3A_2187 = tpu.memref_slice %arg2[%mul3A_2] : memref<1024xi32, #tpu.memory_space<hbm>> -> memref<32xi32, #tpu.memory_space<hbm>>
      %dma_start3A_2188 = tpu.memref_slice %arg2[%mul3A_2] : memref<1024xi32, #tpu.memory_space<hbm>> -> memref<32xi32, #tpu.memory_space<hbm>>
      tpu.enqueue_dma source(%dma_start3A_2188 : memref<32xi32, #tpu.memory_space<hbm>>) target(%arg7 : memref<32xi32, #tpu.memory_space<vmem>>) target_semaphore(%run_scoped3A : memref<!tpu.dma_semaphore, #tpu.memory_space<semaphore_mem>>)
      %dma_wait3A_2189 = tpu.memref_slice %arg2[%mul3A_2] : memref<1024xi32, #tpu.memory_space<hbm>> -> memref<32xi32, #tpu.memory_space<hbm>>
      %dma_wait3A_2190 = tpu.memref_slice %arg2[%mul3A_2] : memref<1024xi32, #tpu.memory_space<hbm>> -> memref<32xi32, #tpu.memory_space<hbm>>
      tpu.wait_dma2 semaphore(%run_scoped3A : memref<!tpu.dma_semaphore, #tpu.memory_space<semaphore_mem>>) src(%dma_wait3A_2190 : memref<32xi32, #tpu.memory_space<hbm>>) dst(%arg7 : memref<32xi32, #tpu.memory_space<vmem>>)
      tpu.yield
    }) : () -> ()
    "tpu.region"() ({
      %run_scoped3A = tpu.sem_alloc : memref<!tpu.dma_semaphore, #tpu.memory_space<semaphore_mem>>
      %dma_start3A_2187 = tpu.memref_slice %arg3[%mul3A_2] : memref<1024xi32, #tpu.memory_space<hbm>> -> memref<32xi32, #tpu.memory_space<hbm>>
      %dma_start3A_2188 = tpu.memref_slice %arg3[%mul3A_2] : memref<1024xi32, #tpu.memory_space<hbm>> -> memref<32xi32, #tpu.memory_space<hbm>>
      tpu.enqueue_dma source(%dma_start3A_2188 : memref<32xi32, #tpu.memory_space<hbm>>) target(%arg8 : memref<32xi32, #tpu.memory_space<vmem>>) target_semaphore(%run_scoped3A : memref<!tpu.dma_semaphore, #tpu.memory_space<semaphore_mem>>)
      %dma_wait3A_2189 = tpu.memref_slice %arg3[%mul3A_2] : memref<1024xi32, #tpu.memory_space<hbm>> -> memref<32xi32, #tpu.memory_space<hbm>>
      %dma_wait3A_2190 = tpu.memref_slice %arg3[%mul3A_2] : memref<1024xi32, #tpu.memory_space<hbm>> -> memref<32xi32, #tpu.memory_space<hbm>>
      tpu.wait_dma2 semaphore(%run_scoped3A : memref<!tpu.dma_semaphore, #tpu.memory_space<semaphore_mem>>) src(%dma_wait3A_2190 : memref<32xi32, #tpu.memory_space<hbm>>) dst(%arg8 : memref<32xi32, #tpu.memory_space<vmem>>)
      tpu.yield
    }) : () -> ()
    %dma_start3A = arith.constant 0 : i32
    %dma_start3A_3 = arith.constant 0 : i32
    %dma_start3A_4 = tpu.memref_slice %arg4[%dma_start3A, %dma_start3A_3] : memref<100000x64xf32, #tpu.memory_space<hbm>> -> memref<100000x64xf32, #tpu.memory_space<hbm>>
    tpu.enqueue_indirect_dma source(%dma_start3A_4 : memref<100000x64xf32, #tpu.memory_space<hbm>>) target(%arg9 : memref<32x64xf32, #tpu.memory_space<vmem>>) offsets(%arg7 : memref<32xi32, #tpu.memory_space<vmem>>) semaphore(%arg11 : memref<!tpu.dma_semaphore, #tpu.memory_space<semaphore_mem>>)
    %dma_start3A_5 = arith.constant 0 : i32
    %dma_start3A_6 = arith.constant 0 : i32
    %dma_start3A_7 = tpu.memref_slice %arg5[%dma_start3A_5, %dma_start3A_6] : memref<500x64xf32, #tpu.memory_space<hbm>> -> memref<500x64xf32, #tpu.memory_space<hbm>>
    tpu.enqueue_indirect_dma source(%dma_start3A_7 : memref<500x64xf32, #tpu.memory_space<hbm>>) target(%arg10 : memref<32x64xf32, #tpu.memory_space<vmem>>) offsets(%arg8 : memref<32xi32, #tpu.memory_space<vmem>>) semaphore(%arg11 : memref<!tpu.dma_semaphore, #tpu.memory_space<semaphore_mem>>)
    %dma_wait3A = arith.constant 0 : i32
    %dma_wait3A_8 = arith.constant 0 : i32
    %dma_wait3A_9 = tpu.memref_slice %arg4[%dma_wait3A, %dma_wait3A_8] : memref<100000x64xf32, #tpu.memory_space<hbm>> -> memref<100000x64xf32, #tpu.memory_space<hbm>>
    tpu.wait_indirect_dma semaphore(%arg11 : memref<!tpu.dma_semaphore, #tpu.memory_space<semaphore_mem>>) src(%dma_wait3A_9 : memref<100000x64xf32, #tpu.memory_space<hbm>>) dst(%arg9 : memref<32x64xf32, #tpu.memory_space<vmem>>)
    %dma_wait3A_10 = arith.constant 0 : i32
    %dma_wait3A_11 = arith.constant 0 : i32
    %dma_wait3A_12 = tpu.memref_slice %arg5[%dma_wait3A_10, %dma_wait3A_11] : memref<500x64xf32, #tpu.memory_space<hbm>> -> memref<500x64xf32, #tpu.memory_space<hbm>>
    tpu.wait_indirect_dma semaphore(%arg11 : memref<!tpu.dma_semaphore, #tpu.memory_space<semaphore_mem>>) src(%dma_wait3A_12 : memref<500x64xf32, #tpu.memory_space<hbm>>) dst(%arg10 : memref<32x64xf32, #tpu.memory_space<vmem>>)
    %get3A = arith.constant 0 : i32
    %get3A_13 = arith.index_cast %get3A : i32 to index
    %get3A_14 = arith.constant 0 : index
    %get3A_15 = tpu.vector_load %arg9[%get3A_13, %get3A_14] {strides = array<i32>} : memref<32x64xf32, #tpu.memory_space<vmem>>, vector<1x16xf32>,
    %get3A_16 = vector.shape_cast %get3A_15 : vector<1x16xf32> to vector<16xf32>
    %get3A_17 = arith.constant 0 : i32
    %get3A_18 = arith.index_cast %get3A_17 : i32 to index
    %get3A_19 = arith.constant 0 : index
    %get3A_20 = tpu.vector_load %arg10[%get3A_18, %get3A_19] {strides = array<i32>} : memref<32x64xf32, #tpu.memory_space<vmem>>, vector<1x16xf32>,
    %get3A_21 = vector.shape_cast %get3A_20 : vector<1x16xf32> to vector<16xf32>
    %add3A_22 = arith.addf %get3A_16, %get3A_21 : vector<16xf32>
    %swap3A = arith.constant 0 : i32
    %swap3A_23 = arith.index_cast %swap3A : i32 to index
    %swap3A_24 = arith.constant 0 : index
    %swap3A_25 = tpu.vector_load %arg9[%swap3A_23, %swap3A_24] {strides = array<i32>} : memref<32x64xf32, #tpu.memory_space<vmem>>, vector<1x16xf32>,
    %swap3A_26 = vector.shape_cast %swap3A_25 : vector<1x16xf32> to vector<16xf32>
    %swap3A_27 = vector.shape_cast %add3A_22 : vector<16xf32> to vector<1x16xf32>
    tpu.vector_store %arg9[%swap3A_23, %swap3A_24], %swap3A_27 {strides = array<i32>} : memref<32x64xf32, #tpu.memory_space<vmem>>, vector<1x16xf32>,
    %get3A_28 = arith.constant 0 : i32
    %get3A_29 = arith.index_cast %get3A_28 : i32 to index
    %get3A_30 = arith.constant 16 : index
    %get3A_31 = tpu.vector_load %arg9[%get3A_29, %get3A_30] {strides = array<i32>} : memref<32x64xf32, #tpu.memory_space<vmem>>, vector<1x16xf32>,
    %get3A_32 = vector.shape_cast %get3A_31 : vector<1x16xf32> to vector<16xf32>
    %get3A_33 = arith.constant 0 : i32
    %get3A_34 = arith.index_cast %get3A_33 : i32 to index
    %get3A_35 = arith.constant 16 : index
    %get3A_36 = tpu.vector_load %arg10[%get3A_34, %get3A_35] {strides = array<i32>} : memref<32x64xf32, #tpu.memory_space<vmem>>, vector<1x16xf32>,
    %get3A_37 = vector.shape_cast %get3A_36 : vector<1x16xf32> to vector<16xf32>
    %add3A_38 = arith.addf %get3A_32, %get3A_37 : vector<16xf32>
    %swap3A_39 = arith.constant 0 : i32
    %swap3A_40 = arith.index_cast %swap3A_39 : i32 to index
    %swap3A_41 = arith.constant 16 : index
    %swap3A_42 = tpu.vector_load %arg9[%swap3A_40, %swap3A_41] {strides = array<i32>} : memref<32x64xf32, #tpu.memory_space<vmem>>, vector<1x16xf32>,
    %swap3A_43 = vector.shape_cast %swap3A_42 : vector<1x16xf32> to vector<16xf32>
    %swap3A_44 = vector.shape_cast %add3A_38 : vector<16xf32> to vector<1x16xf32>
    tpu.vector_store %arg9[%swap3A_40, %swap3A_41], %swap3A_44 {strides = array<i32>} : memref<32x64xf32, #tpu.memory_space<vmem>>, vector<1x16xf32>,
    %get3A_45 = arith.constant 0 : i32
    %get3A_46 = arith.index_cast %get3A_45 : i32 to index
    %get3A_47 = arith.constant 32 : index
    %get3A_48 = tpu.vector_load %arg9[%get3A_46, %get3A_47] {strides = array<i32>} : memref<32x64xf32, #tpu.memory_space<vmem>>, vector<1x16xf32>,
    %get3A_49 = vector.shape_cast %get3A_48 : vector<1x16xf32> to vector<16xf32>
    %get3A_50 = arith.constant 0 : i32
    %get3A_51 = arith.index_cast %get3A_50 : i32 to index
    %get3A_52 = arith.constant 32 : index
    %get3A_53 = tpu.vector_load %arg10[%get3A_51, %get3A_52] {strides = array<i32>} : memref<32x64xf32, #tpu.memory_space<vmem>>, vector<1x16xf32>,
    %get3A_54 = vector.shape_cast %get3A_53 : vector<1x16xf32> to vector<16xf32>
    %add3A_55 = arith.addf %get3A_49, %get3A_54 : vector<16xf32>
    %swap3A_56 = arith.constant 0 : i32
    %swap3A_57 = arith.index_cast %swap3A_56 : i32 to index
    %swap3A_58 = arith.constant 32 : index
    %swap3A_59 = tpu.vector_load %arg9[%swap3A_57, %swap3A_58] {strides = array<i32>} : memref<32x64xf32, #tpu.memory_space<vmem>>, vector<1x16xf32>,
    %swap3A_60 = vector.shape_cast %swap3A_59 : vector<1x16xf32> to vector<16xf32>
    %swap3A_61 = vector.shape_cast %add3A_55 : vector<16xf32> to vector<1x16xf32>
    tpu.vector_store %arg9[%swap3A_57, %swap3A_58], %swap3A_61 {strides = array<i32>} : memref<32x64xf32, #tpu.memory_space<vmem>>, vector<1x16xf32>,
    %get3A_62 = arith.constant 0 : i32
    %get3A_63 = arith.index_cast %get3A_62 : i32 to index
    %get3A_64 = arith.constant 48 : index
    %get3A_65 = tpu.vector_load %arg9[%get3A_63, %get3A_64] {strides = array<i32>} : memref<32x64xf32, #tpu.memory_space<vmem>>, vector<1x16xf32>,
    %get3A_66 = vector.shape_cast %get3A_65 : vector<1x16xf32> to vector<16xf32>
    %get3A_67 = arith.constant 0 : i32
    %get3A_68 = arith.index_cast %get3A_67 : i32 to index
    %get3A_69 = arith.constant 48 : index
    %get3A_70 = tpu.vector_load %arg10[%get3A_68, %get3A_69] {strides = array<i32>} : memref<32x64xf32, #tpu.memory_space<vmem>>, vector<1x16xf32>,
    %get3A_71 = vector.shape_cast %get3A_70 : vector<1x16xf32> to vector<16xf32>
    %add3A_72 = arith.addf %get3A_66, %get3A_71 : vector<16xf32>
    %swap3A_73 = arith.constant 0 : i32
    %swap3A_74 = arith.index_cast %swap3A_73 : i32 to index
    %swap3A_75 = arith.constant 48 : index
    %swap3A_76 = tpu.vector_load %arg9[%swap3A_74, %swap3A_75] {strides = array<i32>} : memref<32x64xf32, #tpu.memory_space<vmem>>, vector<1x16xf32>,
    %swap3A_77 = vector.shape_cast %swap3A_76 : vector<1x16xf32> to vector<16xf32>
    %swap3A_78 = vector.shape_cast %add3A_72 : vector<16xf32> to vector<1x16xf32>
    tpu.vector_store %arg9[%swap3A_74, %swap3A_75], %swap3A_78 {strides = array<i32>} : memref<32x64xf32, #tpu.memory_space<vmem>>, vector<1x16xf32>,
    %get3A_79 = arith.constant 1 : i32
    %get3A_80 = arith.index_cast %get3A_79 : i32 to index
    %get3A_81 = arith.constant 0 : index
    %get3A_82 = tpu.vector_load %arg9[%get3A_80, %get3A_81] {strides = array<i32>} : memref<32x64xf32, #tpu.memory_space<vmem>>, vector<1x16xf32>,
    %get3A_83 = vector.shape_cast %get3A_82 : vector<1x16xf32> to vector<16xf32>
    %get3A_84 = arith.constant 1 : i32
    %get3A_85 = arith.index_cast %get3A_84 : i32 to index
    %get3A_86 = arith.constant 0 : index
    %get3A_87 = tpu.vector_load %arg10[%get3A_85, %get3A_86] {strides = array<i32>} : memref<32x64xf32, #tpu.memory_space<vmem>>, vector<1x16xf32>,
    %get3A_88 = vector.shape_cast %get3A_87 : vector<1x16xf32> to vector<16xf32>
    %add3A_89 = arith.addf %get3A_83, %get3A_88 : vector<16xf32>
    %swap3A_90 = arith.constant 1 : i32
    %swap3A_91 = arith.index_cast %swap3A_90 : i32 to index
    %swap3A_92 = arith.constant 0 : index
    %swap3A_93 = tpu.vector_load %arg9[%swap3A_91, %swap3A_92] {strides = array<i32>} : memref<32x64xf32, #tpu.memory_space<vmem>>, vector<1x16xf32>,
    %swap3A_94 = vector.shape_cast %swap3A_93 : vector<1x16xf32> to vector<16xf32>
    %swap3A_95 = vector.shape_cast %add3A_89 : vector<16xf32> to vector<1x16xf32>
    tpu.vector_store %arg9[%swap3A_91, %swap3A_92], %swap3A_95 {strides = array<i32>} : memref<32x64xf32, #tpu.memory_space<vmem>>, vector<1x16xf32>,
    %get3A_96 = arith.constant 1 : i32
    %get3A_97 = arith.index_cast %get3A_96 : i32 to index
    %get3A_98 = arith.constant 16 : index
    %get3A_99 = tpu.vector_load %arg9[%get3A_97, %get3A_98] {strides = array<i32>} : memref<32x64xf32, #tpu.memory_space<vmem>>, vector<1x16xf32>,
    %get3A_100 = vector.shape_cast %get3A_99 : vector<1x16xf32> to vector<16xf32>
    %get3A_101 = arith.constant 1 : i32
    %get3A_102 = arith.index_cast %get3A_101 : i32 to index
    %get3A_103 = arith.constant 16 : index
    %get3A_104 = tpu.vector_load %arg10[%get3A_102, %get3A_103] {strides = array<i32>} : memref<32x64xf32, #tpu.memory_space<vmem>>, vector<1x16xf32>,
    %get3A_105 = vector.shape_cast %get3A_104 : vector<1x16xf32> to vector<16xf32>
    %add3A_106 = arith.addf %get3A_100, %get3A_105 : vector<16xf32>
    %swap3A_107 = arith.constant 1 : i32
    %swap3A_108 = arith.index_cast %swap3A_107 : i32 to index
    %swap3A_109 = arith.constant 16 : index
    %swap3A_110 = tpu.vector_load %arg9[%swap3A_108, %swap3A_109] {strides = array<i32>} : memref<32x64xf32, #tpu.memory_space<vmem>>, vector<1x16xf32>,
    %swap3A_111 = vector.shape_cast %swap3A_110 : vector<1x16xf32> to vector<16xf32>
    %swap3A_112 = vector.shape_cast %add3A_106 : vector<16xf32> to vector<1x16xf32>
    tpu.vector_store %arg9[%swap3A_108, %swap3A_109], %swap3A_112 {strides = array<i32>} : memref<32x64xf32, #tpu.memory_space<vmem>>, vector<1x16xf32>,
    %get3A_113 = arith.constant 1 : i32
    %get3A_114 = arith.index_cast %get3A_113 : i32 to index
    %get3A_115 = arith.constant 32 : index
    %get3A_116 = tpu.vector_load %arg9[%get3A_114, %get3A_115] {strides = array<i32>} : memref<32x64xf32, #tpu.memory_space<vmem>>, vector<1x16xf32>,
    %get3A_117 = vector.shape_cast %get3A_116 : vector<1x16xf32> to vector<16xf32>
    %get3A_118 = arith.constant 1 : i32
    %get3A_119 = arith.index_cast %get3A_118 : i32 to index
    %get3A_120 = arith.constant 32 : index
    %get3A_121 = tpu.vector_load %arg10[%get3A_119, %get3A_120] {strides = array<i32>} : memref<32x64xf32, #tpu.memory_space<vmem>>, vector<1x16xf32>,
    %get3A_122 = vector.shape_cast %get3A_121 : vector<1x16xf32> to vector<16xf32>
    %add3A_123 = arith.addf %get3A_117, %get3A_122 : vector<16xf32>
    %swap3A_124 = arith.constant 1 : i32
    %swap3A_125 = arith.index_cast %swap3A_124 : i32 to index
    %swap3A_126 = arith.constant 32 : index
    %swap3A_127 = tpu.vector_load %arg9[%swap3A_125, %swap3A_126] {strides = array<i32>} : memref<32x64xf32, #tpu.memory_space<vmem>>, vector<1x16xf32>,
    %swap3A_128 = vector.shape_cast %swap3A_127 : vector<1x16xf32> to vector<16xf32>
    %swap3A_129 = vector.shape_cast %add3A_123 : vector<16xf32> to vector<1x16xf32>
    tpu.vector_store %arg9[%swap3A_125, %swap3A_126], %swap3A_129 {strides = array<i32>} : memref<32x64xf32, #tpu.memory_space<vmem>>, vector<1x16xf32>,
    %get3A_130 = arith.constant 1 : i32
    %get3A_131 = arith.index_cast %get3A_130 : i32 to index
    %get3A_132 = arith.constant 48 : index
    %get3A_133 = tpu.vector_load %arg9[%get3A_131, %get3A_132] {strides = array<i32>} : memref<32x64xf32, #tpu.memory_space<vmem>>, vector<1x16xf32>,
    %get3A_134 = vector.shape_cast %get3A_133 : vector<1x16xf32> to vector<16xf32>
    %get3A_135 = arith.constant 1 : i32
    %get3A_136 = arith.index_cast %get3A_135 : i32 to index
    %get3A_137 = arith.constant 48 : index
    %get3A_138 = tpu.vector_load %arg10[%get3A_136, %get3A_137] {strides = array<i32>} : memref<32x64xf32, #tpu.memory_space<vmem>>, vector<1x16xf32>,
    %get3A_139 = vector.shape_cast %get3A_138 : vector<1x16xf32> to vector<16xf32>
    %add3A_140 = arith.addf %get3A_134, %get3A_139 : vector<16xf32>
    %swap3A_141 = arith.constant 1 : i32
    %swap3A_142 = arith.index_cast %swap3A_141 : i32 to index
    %swap3A_143 = arith.constant 48 : index
    %swap3A_144 = tpu.vector_load %arg9[%swap3A_142, %swap3A_143] {strides = array<i32>} : memref<32x64xf32, #tpu.memory_space<vmem>>, vector<1x16xf32>,
    %swap3A_145 = vector.shape_cast %swap3A_144 : vector<1x16xf32> to vector<16xf32>
    %swap3A_146 = vector.shape_cast %add3A_140 : vector<16xf32> to vector<1x16xf32>
    tpu.vector_store %arg9[%swap3A_142, %swap3A_143], %swap3A_146 {strides = array<i32>} : memref<32x64xf32, #tpu.memory_space<vmem>>, vector<1x16xf32>,
    %get3A_147 = arith.constant 2 : i32
    %get3A_148 = arith.index_cast %get3A_147 : i32 to index
    %get3A_149 = arith.constant 0 : index
    %get3A_150 = tpu.vector_load %arg9[%get3A_148, %get3A_149] {strides = array<i32>} : memref<32x64xf32, #tpu.memory_space<vmem>>, vector<1x16xf32>,
    %get3A_151 = vector.shape_cast %get3A_150 : vector<1x16xf32> to vector<16xf32>
    %get3A_152 = arith.constant 2 : i32
    %get3A_153 = arith.index_cast %get3A_152 : i32 to index
    %get3A_154 = arith.constant 0 : index
    %get3A_155 = tpu.vector_load %arg10[%get3A_153, %get3A_154] {strides = array<i32>} : memref<32x64xf32, #tpu.memory_space<vmem>>, vector<1x16xf32>,
    %get3A_156 = vector.shape_cast %get3A_155 : vector<1x16xf32> to vector<16xf32>
    %add3A_157 = arith.addf %get3A_151, %get3A_156 : vector<16xf32>
    %swap3A_158 = arith.constant 2 : i32
    %swap3A_159 = arith.index_cast %swap3A_158 : i32 to index
    %swap3A_160 = arith.constant 0 : index
    %swap3A_161 = tpu.vector_load %arg9[%swap3A_159, %swap3A_160] {strides = array<i32>} : memref<32x64xf32, #tpu.memory_space<vmem>>, vector<1x16xf32>,
    %swap3A_162 = vector.shape_cast %swap3A_161 : vector<1x16xf32> to vector<16xf32>
    %swap3A_163 = vector.shape_cast %add3A_157 : vector<16xf32> to vector<1x16xf32>
    tpu.vector_store %arg9[%swap3A_159, %swap3A_160], %swap3A_163 {strides = array<i32>} : memref<32x64xf32, #tpu.memory_space<vmem>>, vector<1x16xf32>,
    %get3A_164 = arith.constant 2 : i32
    %get3A_165 = arith.index_cast %get3A_164 : i32 to index
    %get3A_166 = arith.constant 16 : index
    %get3A_167 = tpu.vector_load %arg9[%get3A_165, %get3A_166] {strides = array<i32>} : memref<32x64xf32, #tpu.memory_space<vmem>>, vector<1x16xf32>,
    %get3A_168 = vector.shape_cast %get3A_167 : vector<1x16xf32> to vector<16xf32>
    %get3A_169 = arith.constant 2 : i32
    %get3A_170 = arith.index_cast %get3A_169 : i32 to index
    %get3A_171 = arith.constant 16 : index
    %get3A_172 = tpu.vector_load %arg10[%get3A_170, %get3A_171] {strides = array<i32>} : memref<32x64xf32, #tpu.memory_space<vmem>>, vector<1x16xf32>,
    %get3A_173 = vector.shape_cast %get3A_172 : vector<1x16xf32> to vector<16xf32>
    %add3A_174 = arith.addf %get3A_168, %get3A_173 : vector<16xf32>
    %swap3A_175 = arith.constant 2 : i32
    %swap3A_176 = arith.index_cast %swap3A_175 : i32 to index
    %swap3A_177 = arith.constant 16 : index
    %swap3A_178 = tpu.vector_load %arg9[%swap3A_176, %swap3A_177] {strides = array<i32>} : memref<32x64xf32, #tpu.memory_space<vmem>>, vector<1x16xf32>,
    %swap3A_179 = vector.shape_cast %swap3A_178 : vector<1x16xf32> to vector<16xf32>
    %swap3A_180 = vector.shape_cast %add3A_174 : vector<16xf32> to vector<1x16xf32>
    tpu.vector_store %arg9[%swap3A_176, %swap3A_177], %swap3A_180 {strides = array<i32>} : memref<32x64xf32, #tpu.memory_space<vmem>>, vector<1x16xf32>,
    %get3A_181 = arith.constant 2 : i32
    %get3A_182 = arith.index_cast %get3A_181 : i32 to index
    %get3A_183 = arith.constant 32 : index
    %get3A_184 = tpu.vector_load %arg9[%get3A_182, %get3A_183] {strides = array<i32>} : memref<32x64xf32, #tpu.memory_space<vmem>>, vector<1x16xf32>,
    %get3A_185 = vector.shape_cast %get3A_184 : vector<1x16xf32> to vector<16xf32>
    %get3A_186 = arith.constant 2 : i32
    %get3A_187 = arith.index_cast %get3A_186 : i32 to index
    %get3A_188 = arith.constant 32 : index
    %get3A_189 = tpu.vector_load %arg10[%get3A_187, %get3A_188] {strides = array<i32>} : memref<32x64xf32, #tpu.memory_space<vmem>>, vector<1x16xf32>,
    %get3A_190 = vector.shape_cast %get3A_189 : vector<1x16xf32> to vector<16xf32>
    %add3A_191 = arith.addf %get3A_185, %get3A_190 : vector<16xf32>
    %swap3A_192 = arith.constant 2 : i32
    %swap3A_193 = arith.index_cast %swap3A_192 : i32 to index
    %swap3A_194 = arith.constant 32 : index
    %swap3A_195 = tpu.vector_load %arg9[%swap3A_193, %swap3A_194] {strides = array<i32>} : memref<32x64xf32, #tpu.memory_space<vmem>>, vector<1x16xf32>,
    %swap3A_196 = vector.shape_cast %swap3A_195 : vector<1x16xf32> to vector<16xf32>
    %swap3A_197 = vector.shape_cast %add3A_191 : vector<16xf32> to vector<1x16xf32>
    tpu.vector_store %arg9[%swap3A_193, %swap3A_194], %swap3A_197 {strides = array<i32>} : memref<32x64xf32, #tpu.memory_space<vmem>>, vector<1x16xf32>,
    %get3A_198 = arith.constant 2 : i32
    %get3A_199 = arith.index_cast %get3A_198 : i32 to index
    %get3A_200 = arith.constant 48 : index
    %get3A_201 = tpu.vector_load %arg9[%get3A_199, %get3A_200] {strides = array<i32>} : memref<32x64xf32, #tpu.memory_space<vmem>>, vector<1x16xf32>,
    %get3A_202 = vector.shape_cast %get3A_201 : vector<1x16xf32> to vector<16xf32>
    %get3A_203 = arith.constant 2 : i32
    %get3A_204 = arith.index_cast %get3A_203 : i32 to index
    %get3A_205 = arith.constant 48 : index
    %get3A_206 = tpu.vector_load %arg10[%get3A_204, %get3A_205] {strides = array<i32>} : memref<32x64xf32, #tpu.memory_space<vmem>>, vector<1x16xf32>,
    %get3A_207 = vector.shape_cast %get3A_206 : vector<1x16xf32> to vector<16xf32>
    %add3A_208 = arith.addf %get3A_202, %get3A_207 : vector<16xf32>
    %swap3A_209 = arith.constant 2 : i32
    %swap3A_210 = arith.index_cast %swap3A_209 : i32 to index
    %swap3A_211 = arith.constant 48 : index
    %swap3A_212 = tpu.vector_load %arg9[%swap3A_210, %swap3A_211] {strides = array<i32>} : memref<32x64xf32, #tpu.memory_space<vmem>>, vector<1x16xf32>,
    %swap3A_213 = vector.shape_cast %swap3A_212 : vector<1x16xf32> to vector<16xf32>
    %swap3A_214 = vector.shape_cast %add3A_208 : vector<16xf32> to vector<1x16xf32>
    tpu.vector_store %arg9[%swap3A_210, %swap3A_211], %swap3A_214 {strides = array<i32>} : memref<32x64xf32, #tpu.memory_space<vmem>>, vector<1x16xf32>,
    %get3A_215 = arith.constant 3 : i32
    %get3A_216 = arith.index_cast %get3A_215 : i32 to index
    %get3A_217 = arith.constant 0 : index
    %get3A_218 = tpu.vector_load %arg9[%get3A_216, %get3A_217] {strides = array<i32>} : memref<32x64xf32, #tpu.memory_space<vmem>>, vector<1x16xf32>,
    %get3A_219 = vector.shape_cast %get3A_218 : vector<1x16xf32> to vector<16xf32>
    %get3A_220 = arith.constant 3 : i32
    %get3A_221 = arith.index_cast %get3A_220 : i32 to index
    %get3A_222 = arith.constant 0 : index
    %get3A_223 = tpu.vector_load %arg10[%get3A_221, %get3A_222] {strides = array<i32>} : memref<32x64xf32, #tpu.memory_space<vmem>>, vector<1x16xf32>,
    %get3A_224 = vector.shape_cast %get3A_223 : vector<1x16xf32> to vector<16xf32>
    %add3A_225 = arith.addf %get3A_219, %get3A_224 : vector<16xf32>
    %swap3A_226 = arith.constant 3 : i32
    %swap3A_227 = arith.index_cast %swap3A_226 : i32 to index
    %swap3A_228 = arith.constant 0 : index
    %swap3A_229 = tpu.vector_load %arg9[%swap3A_227, %swap3A_228] {strides = array<i32>} : memref<32x64xf32, #tpu.memory_space<vmem>>, vector<1x16xf32>,
    %swap3A_230 = vector.shape_cast %swap3A_229 : vector<1x16xf32> to vector<16xf32>
    %swap3A_231 = vector.shape_cast %add3A_225 : vector<16xf32> to vector<1x16xf32>
    tpu.vector_store %arg9[%swap3A_227, %swap3A_228], %swap3A_231 {strides = array<i32>} : memref<32x64xf32, #tpu.memory_space<vmem>>, vector<1x16xf32>,
    %get3A_232 = arith.constant 3 : i32
    %get3A_233 = arith.index_cast %get3A_232 : i32 to index
    %get3A_234 = arith.constant 16 : index
    %get3A_235 = tpu.vector_load %arg9[%get3A_233, %get3A_234] {strides = array<i32>} : memref<32x64xf32, #tpu.memory_space<vmem>>, vector<1x16xf32>,
    %get3A_236 = vector.shape_cast %get3A_235 : vector<1x16xf32> to vector<16xf32>
    %get3A_237 = arith.constant 3 : i32
    %get3A_238 = arith.index_cast %get3A_237 : i32 to index
    %get3A_239 = arith.constant 16 : index
    %get3A_240 = tpu.vector_load %arg10[%get3A_238, %get3A_239] {strides = array<i32>} : memref<32x64xf32, #tpu.memory_space<vmem>>, vector<1x16xf32>,
    %get3A_241 = vector.shape_cast %get3A_240 : vector<1x16xf32> to vector<16xf32>
    %add3A_242 = arith.addf %get3A_236, %get3A_241 : vector<16xf32>
    %swap3A_243 = arith.constant 3 : i32
    %swap3A_244 = arith.index_cast %swap3A_243 : i32 to index
    %swap3A_245 = arith.constant 16 : index
    %swap3A_246 = tpu.vector_load %arg9[%swap3A_244, %swap3A_245] {strides = array<i32>} : memref<32x64xf32, #tpu.memory_space<vmem>>, vector<1x16xf32>,
    %swap3A_247 = vector.shape_cast %swap3A_246 : vector<1x16xf32> to vector<16xf32>
    %swap3A_248 = vector.shape_cast %add3A_242 : vector<16xf32> to vector<1x16xf32>
    tpu.vector_store %arg9[%swap3A_244, %swap3A_245], %swap3A_248 {strides = array<i32>} : memref<32x64xf32, #tpu.memory_space<vmem>>, vector<1x16xf32>,
    %get3A_249 = arith.constant 3 : i32
    %get3A_250 = arith.index_cast %get3A_249 : i32 to index
    %get3A_251 = arith.constant 32 : index
    %get3A_252 = tpu.vector_load %arg9[%get3A_250, %get3A_251] {strides = array<i32>} : memref<32x64xf32, #tpu.memory_space<vmem>>, vector<1x16xf32>,
    %get3A_253 = vector.shape_cast %get3A_252 : vector<1x16xf32> to vector<16xf32>
    %get3A_254 = arith.constant 3 : i32
    %get3A_255 = arith.index_cast %get3A_254 : i32 to index
    %get3A_256 = arith.constant 32 : index
    %get3A_257 = tpu.vector_load %arg10[%get3A_255, %get3A_256] {strides = array<i32>} : memref<32x64xf32, #tpu.memory_space<vmem>>, vector<1x16xf32>,
    %get3A_258 = vector.shape_cast %get3A_257 : vector<1x16xf32> to vector<16xf32>
    %add3A_259 = arith.addf %get3A_253, %get3A_258 : vector<16xf32>
    %swap3A_260 = arith.constant 3 : i32
    %swap3A_261 = arith.index_cast %swap3A_260 : i32 to index
    %swap3A_262 = arith.constant 32 : index
    %swap3A_263 = tpu.vector_load %arg9[%swap3A_261, %swap3A_262] {strides = array<i32>} : memref<32x64xf32, #tpu.memory_space<vmem>>, vector<1x16xf32>,
    %swap3A_264 = vector.shape_cast %swap3A_263 : vector<1x16xf32> to vector<16xf32>
    %swap3A_265 = vector.shape_cast %add3A_259 : vector<16xf32> to vector<1x16xf32>
    tpu.vector_store %arg9[%swap3A_261, %swap3A_262], %swap3A_265 {strides = array<i32>} : memref<32x64xf32, #tpu.memory_space<vmem>>, vector<1x16xf32>,
    %get3A_266 = arith.constant 3 : i32
    %get3A_267 = arith.index_cast %get3A_266 : i32 to index
    %get3A_268 = arith.constant 48 : index
    %get3A_269 = tpu.vector_load %arg9[%get3A_267, %get3A_268] {strides = array<i32>} : memref<32x64xf32, #tpu.memory_space<vmem>>, vector<1x16xf32>,
    %get3A_270 = vector.shape_cast %get3A_269 : vector<1x16xf32> to vector<16xf32>
    %get3A_271 = arith.constant 3 : i32
    %get3A_272 = arith.index_cast %get3A_271 : i32 to index
    %get3A_273 = arith.constant 48 : index
    %get3A_274 = tpu.vector_load %arg10[%get3A_272, %get3A_273] {strides = array<i32>} : memref<32x64xf32, #tpu.memory_space<vmem>>, vector<1x16xf32>,
    %get3A_275 = vector.shape_cast %get3A_274 : vector<1x16xf32> to vector<16xf32>
    %add3A_276 = arith.addf %get3A_270, %get3A_275 : vector<16xf32>
    %swap3A_277 = arith.constant 3 : i32
    %swap3A_278 = arith.index_cast %swap3A_277 : i32 to index
    %swap3A_279 = arith.constant 48 : index
    %swap3A_280 = tpu.vector_load %arg9[%swap3A_278, %swap3A_279] {strides = array<i32>} : memref<32x64xf32, #tpu.memory_space<vmem>>, vector<1x16xf32>,
    %swap3A_281 = vector.shape_cast %swap3A_280 : vector<1x16xf32> to vector<16xf32>
    %swap3A_282 = vector.shape_cast %add3A_276 : vector<16xf32> to vector<1x16xf32>
    tpu.vector_store %arg9[%swap3A_278, %swap3A_279], %swap3A_282 {strides = array<i32>} : memref<32x64xf32, #tpu.memory_space<vmem>>, vector<1x16xf32>,
    %get3A_283 = arith.constant 4 : i32
    %get3A_284 = arith.index_cast %get3A_283 : i32 to index
    %get3A_285 = arith.constant 0 : index
    %get3A_286 = tpu.vector_load %arg9[%get3A_284, %get3A_285] {strides = array<i32>} : memref<32x64xf32, #tpu.memory_space<vmem>>, vector<1x16xf32>,
    %get3A_287 = vector.shape_cast %get3A_286 : vector<1x16xf32> to vector<16xf32>
    %get3A_288 = arith.constant 4 : i32
    %get3A_289 = arith.index_cast %get3A_288 : i32 to index
    %get3A_290 = arith.constant 0 : index
    %get3A_291 = tpu.vector_load %arg10[%get3A_289, %get3A_290] {strides = array<i32>} : memref<32x64xf32, #tpu.memory_space<vmem>>, vector<1x16xf32>,
    %get3A_292 = vector.shape_cast %get3A_291 : vector<1x16xf32> to vector<16xf32>
    %add3A_293 = arith.addf %get3A_287, %get3A_292 : vector<16xf32>
    %swap3A_294 = arith.constant 4 : i32
    %swap3A_295 = arith.index_cast %swap3A_294 : i32 to index
    %swap3A_296 = arith.constant 0 : index
    %swap3A_297 = tpu.vector_load %arg9[%swap3A_295, %swap3A_296] {strides = array<i32>} : memref<32x64xf32, #tpu.memory_space<vmem>>, vector<1x16xf32>,
    %swap3A_298 = vector.shape_cast %swap3A_297 : vector<1x16xf32> to vector<16xf32>
    %swap3A_299 = vector.shape_cast %add3A_293 : vector<16xf32> to vector<1x16xf32>
    tpu.vector_store %arg9[%swap3A_295, %swap3A_296], %swap3A_299 {strides = array<i32>} : memref<32x64xf32, #tpu.memory_space<vmem>>, vector<1x16xf32>,
    %get3A_300 = arith.constant 4 : i32
    %get3A_301 = arith.index_cast %get3A_300 : i32 to index
    %get3A_302 = arith.constant 16 : index
    %get3A_303 = tpu.vector_load %arg9[%get3A_301, %get3A_302] {strides = array<i32>} : memref<32x64xf32, #tpu.memory_space<vmem>>, vector<1x16xf32>,
    %get3A_304 = vector.shape_cast %get3A_303 : vector<1x16xf32> to vector<16xf32>
    %get3A_305 = arith.constant 4 : i32
    %get3A_306 = arith.index_cast %get3A_305 : i32 to index
    %get3A_307 = arith.constant 16 : index
    %get3A_308 = tpu.vector_load %arg10[%get3A_306, %get3A_307] {strides = array<i32>} : memref<32x64xf32, #tpu.memory_space<vmem>>, vector<1x16xf32>,
    %get3A_309 = vector.shape_cast %get3A_308 : vector<1x16xf32> to vector<16xf32>
    %add3A_310 = arith.addf %get3A_304, %get3A_309 : vector<16xf32>
    %swap3A_311 = arith.constant 4 : i32
    %swap3A_312 = arith.index_cast %swap3A_311 : i32 to index
    %swap3A_313 = arith.constant 16 : index
    %swap3A_314 = tpu.vector_load %arg9[%swap3A_312, %swap3A_313] {strides = array<i32>} : memref<32x64xf32, #tpu.memory_space<vmem>>, vector<1x16xf32>,
    %swap3A_315 = vector.shape_cast %swap3A_314 : vector<1x16xf32> to vector<16xf32>
    %swap3A_316 = vector.shape_cast %add3A_310 : vector<16xf32> to vector<1x16xf32>
    tpu.vector_store %arg9[%swap3A_312, %swap3A_313], %swap3A_316 {strides = array<i32>} : memref<32x64xf32, #tpu.memory_space<vmem>>, vector<1x16xf32>,
    %get3A_317 = arith.constant 4 : i32
    %get3A_318 = arith.index_cast %get3A_317 : i32 to index
    %get3A_319 = arith.constant 32 : index
    %get3A_320 = tpu.vector_load %arg9[%get3A_318, %get3A_319] {strides = array<i32>} : memref<32x64xf32, #tpu.memory_space<vmem>>, vector<1x16xf32>,
    %get3A_321 = vector.shape_cast %get3A_320 : vector<1x16xf32> to vector<16xf32>
    %get3A_322 = arith.constant 4 : i32
    %get3A_323 = arith.index_cast %get3A_322 : i32 to index
    %get3A_324 = arith.constant 32 : index
    %get3A_325 = tpu.vector_load %arg10[%get3A_323, %get3A_324] {strides = array<i32>} : memref<32x64xf32, #tpu.memory_space<vmem>>, vector<1x16xf32>,
    %get3A_326 = vector.shape_cast %get3A_325 : vector<1x16xf32> to vector<16xf32>
    %add3A_327 = arith.addf %get3A_321, %get3A_326 : vector<16xf32>
    %swap3A_328 = arith.constant 4 : i32
    %swap3A_329 = arith.index_cast %swap3A_328 : i32 to index
    %swap3A_330 = arith.constant 32 : index
    %swap3A_331 = tpu.vector_load %arg9[%swap3A_329, %swap3A_330] {strides = array<i32>} : memref<32x64xf32, #tpu.memory_space<vmem>>, vector<1x16xf32>,
    %swap3A_332 = vector.shape_cast %swap3A_331 : vector<1x16xf32> to vector<16xf32>
    %swap3A_333 = vector.shape_cast %add3A_327 : vector<16xf32> to vector<1x16xf32>
    tpu.vector_store %arg9[%swap3A_329, %swap3A_330], %swap3A_333 {strides = array<i32>} : memref<32x64xf32, #tpu.memory_space<vmem>>, vector<1x16xf32>,
    %get3A_334 = arith.constant 4 : i32
    %get3A_335 = arith.index_cast %get3A_334 : i32 to index
    %get3A_336 = arith.constant 48 : index
    %get3A_337 = tpu.vector_load %arg9[%get3A_335, %get3A_336] {strides = array<i32>} : memref<32x64xf32, #tpu.memory_space<vmem>>, vector<1x16xf32>,
    %get3A_338 = vector.shape_cast %get3A_337 : vector<1x16xf32> to vector<16xf32>
    %get3A_339 = arith.constant 4 : i32
    %get3A_340 = arith.index_cast %get3A_339 : i32 to index
    %get3A_341 = arith.constant 48 : index
    %get3A_342 = tpu.vector_load %arg10[%get3A_340, %get3A_341] {strides = array<i32>} : memref<32x64xf32, #tpu.memory_space<vmem>>, vector<1x16xf32>,
    %get3A_343 = vector.shape_cast %get3A_342 : vector<1x16xf32> to vector<16xf32>
    %add3A_344 = arith.addf %get3A_338, %get3A_343 : vector<16xf32>
    %swap3A_345 = arith.constant 4 : i32
    %swap3A_346 = arith.index_cast %swap3A_345 : i32 to index
    %swap3A_347 = arith.constant 48 : index
    %swap3A_348 = tpu.vector_load %arg9[%swap3A_346, %swap3A_347] {strides = array<i32>} : memref<32x64xf32, #tpu.memory_space<vmem>>, vector<1x16xf32>,
    %swap3A_349 = vector.shape_cast %swap3A_348 : vector<1x16xf32> to vector<16xf32>
    %swap3A_350 = vector.shape_cast %add3A_344 : vector<16xf32> to vector<1x16xf32>
    tpu.vector_store %arg9[%swap3A_346, %swap3A_347], %swap3A_350 {strides = array<i32>} : memref<32x64xf32, #tpu.memory_space<vmem>>, vector<1x16xf32>,
    %get3A_351 = arith.constant 5 : i32
    %get3A_352 = arith.index_cast %get3A_351 : i32 to index
    %get3A_353 = arith.constant 0 : index
    %get3A_354 = tpu.vector_load %arg9[%get3A_352, %get3A_353] {strides = array<i32>} : memref<32x64xf32, #tpu.memory_space<vmem>>, vector<1x16xf32>,
    %get3A_355 = vector.shape_cast %get3A_354 : vector<1x16xf32> to vector<16xf32>
    %get3A_356 = arith.constant 5 : i32
    %get3A_357 = arith.index_cast %get3A_356 : i32 to index
    %get3A_358 = arith.constant 0 : index
    %get3A_359 = tpu.vector_load %arg10[%get3A_357, %get3A_358] {strides = array<i32>} : memref<32x64xf32, #tpu.memory_space<vmem>>, vector<1x16xf32>,
    %get3A_360 = vector.shape_cast %get3A_359 : vector<1x16xf32> to vector<16xf32>
    %add3A_361 = arith.addf %get3A_355, %get3A_360 : vector<16xf32>
    %swap3A_362 = arith.constant 5 : i32
    %swap3A_363 = arith.index_cast %swap3A_362 : i32 to index
    %swap3A_364 = arith.constant 0 : index
    %swap3A_365 = tpu.vector_load %arg9[%swap3A_363, %swap3A_364] {strides = array<i32>} : memref<32x64xf32, #tpu.memory_space<vmem>>, vector<1x16xf32>,
    %swap3A_366 = vector.shape_cast %swap3A_365 : vector<1x16xf32> to vector<16xf32>
    %swap3A_367 = vector.shape_cast %add3A_361 : vector<16xf32> to vector<1x16xf32>
    tpu.vector_store %arg9[%swap3A_363, %swap3A_364], %swap3A_367 {strides = array<i32>} : memref<32x64xf32, #tpu.memory_space<vmem>>, vector<1x16xf32>,
    %get3A_368 = arith.constant 5 : i32
    %get3A_369 = arith.index_cast %get3A_368 : i32 to index
    %get3A_370 = arith.constant 16 : index
    %get3A_371 = tpu.vector_load %arg9[%get3A_369, %get3A_370] {strides = array<i32>} : memref<32x64xf32, #tpu.memory_space<vmem>>, vector<1x16xf32>,
    %get3A_372 = vector.shape_cast %get3A_371 : vector<1x16xf32> to vector<16xf32>
    %get3A_373 = arith.constant 5 : i32
    %get3A_374 = arith.index_cast %get3A_373 : i32 to index
    %get3A_375 = arith.constant 16 : index
    %get3A_376 = tpu.vector_load %arg10[%get3A_374, %get3A_375] {strides = array<i32>} : memref<32x64xf32, #tpu.memory_space<vmem>>, vector<1x16xf32>,
    %get3A_377 = vector.shape_cast %get3A_376 : vector<1x16xf32> to vector<16xf32>
    %add3A_378 = arith.addf %get3A_372, %get3A_377 : vector<16xf32>
    %swap3A_379 = arith.constant 5 : i32
    %swap3A_380 = arith.index_cast %swap3A_379 : i32 to index
    %swap3A_381 = arith.constant 16 : index
    %swap3A_382 = tpu.vector_load %arg9[%swap3A_380, %swap3A_381] {strides = array<i32>} : memref<32x64xf32, #tpu.memory_space<vmem>>, vector<1x16xf32>,
    %swap3A_383 = vector.shape_cast %swap3A_382 : vector<1x16xf32> to vector<16xf32>
    %swap3A_384 = vector.shape_cast %add3A_378 : vector<16xf32> to vector<1x16xf32>
    tpu.vector_store %arg9[%swap3A_380, %swap3A_381], %swap3A_384 {strides = array<i32>} : memref<32x64xf32, #tpu.memory_space<vmem>>, vector<1x16xf32>,
    %get3A_385 = arith.constant 5 : i32
    %get3A_386 = arith.index_cast %get3A_385 : i32 to index
    %get3A_387 = arith.constant 32 : index
    %get3A_388 = tpu.vector_load %arg9[%get3A_386, %get3A_387] {strides = array<i32>} : memref<32x64xf32, #tpu.memory_space<vmem>>, vector<1x16xf32>,
    %get3A_389 = vector.shape_cast %get3A_388 : vector<1x16xf32> to vector<16xf32>
    %get3A_390 = arith.constant 5 : i32
    %get3A_391 = arith.index_cast %get3A_390 : i32 to index
    %get3A_392 = arith.constant 32 : index
    %get3A_393 = tpu.vector_load %arg10[%get3A_391, %get3A_392] {strides = array<i32>} : memref<32x64xf32, #tpu.memory_space<vmem>>, vector<1x16xf32>,
    %get3A_394 = vector.shape_cast %get3A_393 : vector<1x16xf32> to vector<16xf32>
    %add3A_395 = arith.addf %get3A_389, %get3A_394 : vector<16xf32>
    %swap3A_396 = arith.constant 5 : i32
    %swap3A_397 = arith.index_cast %swap3A_396 : i32 to index
    %swap3A_398 = arith.constant 32 : index
    %swap3A_399 = tpu.vector_load %arg9[%swap3A_397, %swap3A_398] {strides = array<i32>} : memref<32x64xf32, #tpu.memory_space<vmem>>, vector<1x16xf32>,
    %swap3A_400 = vector.shape_cast %swap3A_399 : vector<1x16xf32> to vector<16xf32>
    %swap3A_401 = vector.shape_cast %add3A_395 : vector<16xf32> to vector<1x16xf32>
    tpu.vector_store %arg9[%swap3A_397, %swap3A_398], %swap3A_401 {strides = array<i32>} : memref<32x64xf32, #tpu.memory_space<vmem>>, vector<1x16xf32>,
    %get3A_402 = arith.constant 5 : i32
    %get3A_403 = arith.index_cast %get3A_402 : i32 to index
    %get3A_404 = arith.constant 48 : index
    %get3A_405 = tpu.vector_load %arg9[%get3A_403, %get3A_404] {strides = array<i32>} : memref<32x64xf32, #tpu.memory_space<vmem>>, vector<1x16xf32>,
    %get3A_406 = vector.shape_cast %get3A_405 : vector<1x16xf32> to vector<16xf32>
    %get3A_407 = arith.constant 5 : i32
    %get3A_408 = arith.index_cast %get3A_407 : i32 to index
    %get3A_409 = arith.constant 48 : index
    %get3A_410 = tpu.vector_load %arg10[%get3A_408, %get3A_409] {strides = array<i32>} : memref<32x64xf32, #tpu.memory_space<vmem>>, vector<1x16xf32>,
    %get3A_411 = vector.shape_cast %get3A_410 : vector<1x16xf32> to vector<16xf32>
    %add3A_412 = arith.addf %get3A_406, %get3A_411 : vector<16xf32>
    %swap3A_413 = arith.constant 5 : i32
    %swap3A_414 = arith.index_cast %swap3A_413 : i32 to index
    %swap3A_415 = arith.constant 48 : index
    %swap3A_416 = tpu.vector_load %arg9[%swap3A_414, %swap3A_415] {strides = array<i32>} : memref<32x64xf32, #tpu.memory_space<vmem>>, vector<1x16xf32>,
    %swap3A_417 = vector.shape_cast %swap3A_416 : vector<1x16xf32> to vector<16xf32>
    %swap3A_418 = vector.shape_cast %add3A_412 : vector<16xf32> to vector<1x16xf32>
    tpu.vector_store %arg9[%swap3A_414, %swap3A_415], %swap3A_418 {strides = array<i32>} : memref<32x64xf32, #tpu.memory_space<vmem>>, vector<1x16xf32>,
    %get3A_419 = arith.constant 6 : i32
    %get3A_420 = arith.index_cast %get3A_419 : i32 to index
    %get3A_421 = arith.constant 0 : index
    %get3A_422 = tpu.vector_load %arg9[%get3A_420, %get3A_421] {strides = array<i32>} : memref<32x64xf32, #tpu.memory_space<vmem>>, vector<1x16xf32>,
    %get3A_423 = vector.shape_cast %get3A_422 : vector<1x16xf32> to vector<16xf32>
    %get3A_424 = arith.constant 6 : i32
    %get3A_425 = arith.index_cast %get3A_424 : i32 to index
    %get3A_426 = arith.constant 0 : index
    %get3A_427 = tpu.vector_load %arg10[%get3A_425, %get3A_426] {strides = array<i32>} : memref<32x64xf32, #tpu.memory_space<vmem>>, vector<1x16xf32>,
    %get3A_428 = vector.shape_cast %get3A_427 : vector<1x16xf32> to vector<16xf32>
    %add3A_429 = arith.addf %get3A_423, %get3A_428 : vector<16xf32>
    %swap3A_430 = arith.constant 6 : i32
    %swap3A_431 = arith.index_cast %swap3A_430 : i32 to index
    %swap3A_432 = arith.constant 0 : index
    %swap3A_433 = tpu.vector_load %arg9[%swap3A_431, %swap3A_432] {strides = array<i32>} : memref<32x64xf32, #tpu.memory_space<vmem>>, vector<1x16xf32>,
    %swap3A_434 = vector.shape_cast %swap3A_433 : vector<1x16xf32> to vector<16xf32>
    %swap3A_435 = vector.shape_cast %add3A_429 : vector<16xf32> to vector<1x16xf32>
    tpu.vector_store %arg9[%swap3A_431, %swap3A_432], %swap3A_435 {strides = array<i32>} : memref<32x64xf32, #tpu.memory_space<vmem>>, vector<1x16xf32>,
    %get3A_436 = arith.constant 6 : i32
    %get3A_437 = arith.index_cast %get3A_436 : i32 to index
    %get3A_438 = arith.constant 16 : index
    %get3A_439 = tpu.vector_load %arg9[%get3A_437, %get3A_438] {strides = array<i32>} : memref<32x64xf32, #tpu.memory_space<vmem>>, vector<1x16xf32>,
    %get3A_440 = vector.shape_cast %get3A_439 : vector<1x16xf32> to vector<16xf32>
    %get3A_441 = arith.constant 6 : i32
    %get3A_442 = arith.index_cast %get3A_441 : i32 to index
    %get3A_443 = arith.constant 16 : index
    %get3A_444 = tpu.vector_load %arg10[%get3A_442, %get3A_443] {strides = array<i32>} : memref<32x64xf32, #tpu.memory_space<vmem>>, vector<1x16xf32>,
    %get3A_445 = vector.shape_cast %get3A_444 : vector<1x16xf32> to vector<16xf32>
    %add3A_446 = arith.addf %get3A_440, %get3A_445 : vector<16xf32>
    %swap3A_447 = arith.constant 6 : i32
    %swap3A_448 = arith.index_cast %swap3A_447 : i32 to index
    %swap3A_449 = arith.constant 16 : index
    %swap3A_450 = tpu.vector_load %arg9[%swap3A_448, %swap3A_449] {strides = array<i32>} : memref<32x64xf32, #tpu.memory_space<vmem>>, vector<1x16xf32>,
    %swap3A_451 = vector.shape_cast %swap3A_450 : vector<1x16xf32> to vector<16xf32>
    %swap3A_452 = vector.shape_cast %add3A_446 : vector<16xf32> to vector<1x16xf32>
    tpu.vector_store %arg9[%swap3A_448, %swap3A_449], %swap3A_452 {strides = array<i32>} : memref<32x64xf32, #tpu.memory_space<vmem>>, vector<1x16xf32>,
    %get3A_453 = arith.constant 6 : i32
    %get3A_454 = arith.index_cast %get3A_453 : i32 to index
    %get3A_455 = arith.constant 32 : index
    %get3A_456 = tpu.vector_load %arg9[%get3A_454, %get3A_455] {strides = array<i32>} : memref<32x64xf32, #tpu.memory_space<vmem>>, vector<1x16xf32>,
    %get3A_457 = vector.shape_cast %get3A_456 : vector<1x16xf32> to vector<16xf32>
    %get3A_458 = arith.constant 6 : i32
    %get3A_459 = arith.index_cast %get3A_458 : i32 to index
    %get3A_460 = arith.constant 32 : index
    %get3A_461 = tpu.vector_load %arg10[%get3A_459, %get3A_460] {strides = array<i32>} : memref<32x64xf32, #tpu.memory_space<vmem>>, vector<1x16xf32>,
    %get3A_462 = vector.shape_cast %get3A_461 : vector<1x16xf32> to vector<16xf32>
    %add3A_463 = arith.addf %get3A_457, %get3A_462 : vector<16xf32>
    %swap3A_464 = arith.constant 6 : i32
    %swap3A_465 = arith.index_cast %swap3A_464 : i32 to index
    %swap3A_466 = arith.constant 32 : index
    %swap3A_467 = tpu.vector_load %arg9[%swap3A_465, %swap3A_466] {strides = array<i32>} : memref<32x64xf32, #tpu.memory_space<vmem>>, vector<1x16xf32>,
    %swap3A_468 = vector.shape_cast %swap3A_467 : vector<1x16xf32> to vector<16xf32>
    %swap3A_469 = vector.shape_cast %add3A_463 : vector<16xf32> to vector<1x16xf32>
    tpu.vector_store %arg9[%swap3A_465, %swap3A_466], %swap3A_469 {strides = array<i32>} : memref<32x64xf32, #tpu.memory_space<vmem>>, vector<1x16xf32>,
    %get3A_470 = arith.constant 6 : i32
    %get3A_471 = arith.index_cast %get3A_470 : i32 to index
    %get3A_472 = arith.constant 48 : index
    %get3A_473 = tpu.vector_load %arg9[%get3A_471, %get3A_472] {strides = array<i32>} : memref<32x64xf32, #tpu.memory_space<vmem>>, vector<1x16xf32>,
    %get3A_474 = vector.shape_cast %get3A_473 : vector<1x16xf32> to vector<16xf32>
    %get3A_475 = arith.constant 6 : i32
    %get3A_476 = arith.index_cast %get3A_475 : i32 to index
    %get3A_477 = arith.constant 48 : index
    %get3A_478 = tpu.vector_load %arg10[%get3A_476, %get3A_477] {strides = array<i32>} : memref<32x64xf32, #tpu.memory_space<vmem>>, vector<1x16xf32>,
    %get3A_479 = vector.shape_cast %get3A_478 : vector<1x16xf32> to vector<16xf32>
    %add3A_480 = arith.addf %get3A_474, %get3A_479 : vector<16xf32>
    %swap3A_481 = arith.constant 6 : i32
    %swap3A_482 = arith.index_cast %swap3A_481 : i32 to index
    %swap3A_483 = arith.constant 48 : index
    %swap3A_484 = tpu.vector_load %arg9[%swap3A_482, %swap3A_483] {strides = array<i32>} : memref<32x64xf32, #tpu.memory_space<vmem>>, vector<1x16xf32>,
    %swap3A_485 = vector.shape_cast %swap3A_484 : vector<1x16xf32> to vector<16xf32>
    %swap3A_486 = vector.shape_cast %add3A_480 : vector<16xf32> to vector<1x16xf32>
    tpu.vector_store %arg9[%swap3A_482, %swap3A_483], %swap3A_486 {strides = array<i32>} : memref<32x64xf32, #tpu.memory_space<vmem>>, vector<1x16xf32>,
    %get3A_487 = arith.constant 7 : i32
    %get3A_488 = arith.index_cast %get3A_487 : i32 to index
    %get3A_489 = arith.constant 0 : index
    %get3A_490 = tpu.vector_load %arg9[%get3A_488, %get3A_489] {strides = array<i32>} : memref<32x64xf32, #tpu.memory_space<vmem>>, vector<1x16xf32>,
    %get3A_491 = vector.shape_cast %get3A_490 : vector<1x16xf32> to vector<16xf32>
    %get3A_492 = arith.constant 7 : i32
    %get3A_493 = arith.index_cast %get3A_492 : i32 to index
    %get3A_494 = arith.constant 0 : index
    %get3A_495 = tpu.vector_load %arg10[%get3A_493, %get3A_494] {strides = array<i32>} : memref<32x64xf32, #tpu.memory_space<vmem>>, vector<1x16xf32>,
    %get3A_496 = vector.shape_cast %get3A_495 : vector<1x16xf32> to vector<16xf32>
    %add3A_497 = arith.addf %get3A_491, %get3A_496 : vector<16xf32>
    %swap3A_498 = arith.constant 7 : i32
    %swap3A_499 = arith.index_cast %swap3A_498 : i32 to index
    %swap3A_500 = arith.constant 0 : index
    %swap3A_501 = tpu.vector_load %arg9[%swap3A_499, %swap3A_500] {strides = array<i32>} : memref<32x64xf32, #tpu.memory_space<vmem>>, vector<1x16xf32>,
    %swap3A_502 = vector.shape_cast %swap3A_501 : vector<1x16xf32> to vector<16xf32>
    %swap3A_503 = vector.shape_cast %add3A_497 : vector<16xf32> to vector<1x16xf32>
    tpu.vector_store %arg9[%swap3A_499, %swap3A_500], %swap3A_503 {strides = array<i32>} : memref<32x64xf32, #tpu.memory_space<vmem>>, vector<1x16xf32>,
    %get3A_504 = arith.constant 7 : i32
    %get3A_505 = arith.index_cast %get3A_504 : i32 to index
    %get3A_506 = arith.constant 16 : index
    %get3A_507 = tpu.vector_load %arg9[%get3A_505, %get3A_506] {strides = array<i32>} : memref<32x64xf32, #tpu.memory_space<vmem>>, vector<1x16xf32>,
    %get3A_508 = vector.shape_cast %get3A_507 : vector<1x16xf32> to vector<16xf32>
    %get3A_509 = arith.constant 7 : i32
    %get3A_510 = arith.index_cast %get3A_509 : i32 to index
    %get3A_511 = arith.constant 16 : index
    %get3A_512 = tpu.vector_load %arg10[%get3A_510, %get3A_511] {strides = array<i32>} : memref<32x64xf32, #tpu.memory_space<vmem>>, vector<1x16xf32>,
    %get3A_513 = vector.shape_cast %get3A_512 : vector<1x16xf32> to vector<16xf32>
    %add3A_514 = arith.addf %get3A_508, %get3A_513 : vector<16xf32>
    %swap3A_515 = arith.constant 7 : i32
    %swap3A_516 = arith.index_cast %swap3A_515 : i32 to index
    %swap3A_517 = arith.constant 16 : index
    %swap3A_518 = tpu.vector_load %arg9[%swap3A_516, %swap3A_517] {strides = array<i32>} : memref<32x64xf32, #tpu.memory_space<vmem>>, vector<1x16xf32>,
    %swap3A_519 = vector.shape_cast %swap3A_518 : vector<1x16xf32> to vector<16xf32>
    %swap3A_520 = vector.shape_cast %add3A_514 : vector<16xf32> to vector<1x16xf32>
    tpu.vector_store %arg9[%swap3A_516, %swap3A_517], %swap3A_520 {strides = array<i32>} : memref<32x64xf32, #tpu.memory_space<vmem>>, vector<1x16xf32>,
    %get3A_521 = arith.constant 7 : i32
    %get3A_522 = arith.index_cast %get3A_521 : i32 to index
    %get3A_523 = arith.constant 32 : index
    %get3A_524 = tpu.vector_load %arg9[%get3A_522, %get3A_523] {strides = array<i32>} : memref<32x64xf32, #tpu.memory_space<vmem>>, vector<1x16xf32>,
    %get3A_525 = vector.shape_cast %get3A_524 : vector<1x16xf32> to vector<16xf32>
    %get3A_526 = arith.constant 7 : i32
    %get3A_527 = arith.index_cast %get3A_526 : i32 to index
    %get3A_528 = arith.constant 32 : index
    %get3A_529 = tpu.vector_load %arg10[%get3A_527, %get3A_528] {strides = array<i32>} : memref<32x64xf32, #tpu.memory_space<vmem>>, vector<1x16xf32>,
    %get3A_530 = vector.shape_cast %get3A_529 : vector<1x16xf32> to vector<16xf32>
    %add3A_531 = arith.addf %get3A_525, %get3A_530 : vector<16xf32>
    %swap3A_532 = arith.constant 7 : i32
    %swap3A_533 = arith.index_cast %swap3A_532 : i32 to index
    %swap3A_534 = arith.constant 32 : index
    %swap3A_535 = tpu.vector_load %arg9[%swap3A_533, %swap3A_534] {strides = array<i32>} : memref<32x64xf32, #tpu.memory_space<vmem>>, vector<1x16xf32>,
    %swap3A_536 = vector.shape_cast %swap3A_535 : vector<1x16xf32> to vector<16xf32>
    %swap3A_537 = vector.shape_cast %add3A_531 : vector<16xf32> to vector<1x16xf32>
    tpu.vector_store %arg9[%swap3A_533, %swap3A_534], %swap3A_537 {strides = array<i32>} : memref<32x64xf32, #tpu.memory_space<vmem>>, vector<1x16xf32>,
    %get3A_538 = arith.constant 7 : i32
    %get3A_539 = arith.index_cast %get3A_538 : i32 to index
    %get3A_540 = arith.constant 48 : index
    %get3A_541 = tpu.vector_load %arg9[%get3A_539, %get3A_540] {strides = array<i32>} : memref<32x64xf32, #tpu.memory_space<vmem>>, vector<1x16xf32>,
    %get3A_542 = vector.shape_cast %get3A_541 : vector<1x16xf32> to vector<16xf32>
    %get3A_543 = arith.constant 7 : i32
    %get3A_544 = arith.index_cast %get3A_543 : i32 to index
    %get3A_545 = arith.constant 48 : index
    %get3A_546 = tpu.vector_load %arg10[%get3A_544, %get3A_545] {strides = array<i32>} : memref<32x64xf32, #tpu.memory_space<vmem>>, vector<1x16xf32>,
    %get3A_547 = vector.shape_cast %get3A_546 : vector<1x16xf32> to vector<16xf32>
    %add3A_548 = arith.addf %get3A_542, %get3A_547 : vector<16xf32>
    %swap3A_549 = arith.constant 7 : i32
    %swap3A_550 = arith.index_cast %swap3A_549 : i32 to index
    %swap3A_551 = arith.constant 48 : index
    %swap3A_552 = tpu.vector_load %arg9[%swap3A_550, %swap3A_551] {strides = array<i32>} : memref<32x64xf32, #tpu.memory_space<vmem>>, vector<1x16xf32>,
    %swap3A_553 = vector.shape_cast %swap3A_552 : vector<1x16xf32> to vector<16xf32>
    %swap3A_554 = vector.shape_cast %add3A_548 : vector<16xf32> to vector<1x16xf32>
    tpu.vector_store %arg9[%swap3A_550, %swap3A_551], %swap3A_554 {strides = array<i32>} : memref<32x64xf32, #tpu.memory_space<vmem>>, vector<1x16xf32>,
    %get3A_555 = arith.constant 8 : i32
    %get3A_556 = arith.index_cast %get3A_555 : i32 to index
    %get3A_557 = arith.constant 0 : index
    %get3A_558 = tpu.vector_load %arg9[%get3A_556, %get3A_557] {strides = array<i32>} : memref<32x64xf32, #tpu.memory_space<vmem>>, vector<1x16xf32>,
    %get3A_559 = vector.shape_cast %get3A_558 : vector<1x16xf32> to vector<16xf32>
    %get3A_560 = arith.constant 8 : i32
    %get3A_561 = arith.index_cast %get3A_560 : i32 to index
    %get3A_562 = arith.constant 0 : index
    %get3A_563 = tpu.vector_load %arg10[%get3A_561, %get3A_562] {strides = array<i32>} : memref<32x64xf32, #tpu.memory_space<vmem>>, vector<1x16xf32>,
    %get3A_564 = vector.shape_cast %get3A_563 : vector<1x16xf32> to vector<16xf32>
    %add3A_565 = arith.addf %get3A_559, %get3A_564 : vector<16xf32>
    %swap3A_566 = arith.constant 8 : i32
    %swap3A_567 = arith.index_cast %swap3A_566 : i32 to index
    %swap3A_568 = arith.constant 0 : index
    %swap3A_569 = tpu.vector_load %arg9[%swap3A_567, %swap3A_568] {strides = array<i32>} : memref<32x64xf32, #tpu.memory_space<vmem>>, vector<1x16xf32>,
    %swap3A_570 = vector.shape_cast %swap3A_569 : vector<1x16xf32> to vector<16xf32>
    %swap3A_571 = vector.shape_cast %add3A_565 : vector<16xf32> to vector<1x16xf32>
    tpu.vector_store %arg9[%swap3A_567, %swap3A_568], %swap3A_571 {strides = array<i32>} : memref<32x64xf32, #tpu.memory_space<vmem>>, vector<1x16xf32>,
    %get3A_572 = arith.constant 8 : i32
    %get3A_573 = arith.index_cast %get3A_572 : i32 to index
    %get3A_574 = arith.constant 16 : index
    %get3A_575 = tpu.vector_load %arg9[%get3A_573, %get3A_574] {strides = array<i32>} : memref<32x64xf32, #tpu.memory_space<vmem>>, vector<1x16xf32>,
    %get3A_576 = vector.shape_cast %get3A_575 : vector<1x16xf32> to vector<16xf32>
    %get3A_577 = arith.constant 8 : i32
    %get3A_578 = arith.index_cast %get3A_577 : i32 to index
    %get3A_579 = arith.constant 16 : index
    %get3A_580 = tpu.vector_load %arg10[%get3A_578, %get3A_579] {strides = array<i32>} : memref<32x64xf32, #tpu.memory_space<vmem>>, vector<1x16xf32>,
    %get3A_581 = vector.shape_cast %get3A_580 : vector<1x16xf32> to vector<16xf32>
    %add3A_582 = arith.addf %get3A_576, %get3A_581 : vector<16xf32>
    %swap3A_583 = arith.constant 8 : i32
    %swap3A_584 = arith.index_cast %swap3A_583 : i32 to index
    %swap3A_585 = arith.constant 16 : index
    %swap3A_586 = tpu.vector_load %arg9[%swap3A_584, %swap3A_585] {strides = array<i32>} : memref<32x64xf32, #tpu.memory_space<vmem>>, vector<1x16xf32>,
    %swap3A_587 = vector.shape_cast %swap3A_586 : vector<1x16xf32> to vector<16xf32>
    %swap3A_588 = vector.shape_cast %add3A_582 : vector<16xf32> to vector<1x16xf32>
    tpu.vector_store %arg9[%swap3A_584, %swap3A_585], %swap3A_588 {strides = array<i32>} : memref<32x64xf32, #tpu.memory_space<vmem>>, vector<1x16xf32>,
    %get3A_589 = arith.constant 8 : i32
    %get3A_590 = arith.index_cast %get3A_589 : i32 to index
    %get3A_591 = arith.constant 32 : index
    %get3A_592 = tpu.vector_load %arg9[%get3A_590, %get3A_591] {strides = array<i32>} : memref<32x64xf32, #tpu.memory_space<vmem>>, vector<1x16xf32>,
    %get3A_593 = vector.shape_cast %get3A_592 : vector<1x16xf32> to vector<16xf32>
    %get3A_594 = arith.constant 8 : i32
    %get3A_595 = arith.index_cast %get3A_594 : i32 to index
    %get3A_596 = arith.constant 32 : index
    %get3A_597 = tpu.vector_load %arg10[%get3A_595, %get3A_596] {strides = array<i32>} : memref<32x64xf32, #tpu.memory_space<vmem>>, vector<1x16xf32>,
    %get3A_598 = vector.shape_cast %get3A_597 : vector<1x16xf32> to vector<16xf32>
    %add3A_599 = arith.addf %get3A_593, %get3A_598 : vector<16xf32>
    %swap3A_600 = arith.constant 8 : i32
    %swap3A_601 = arith.index_cast %swap3A_600 : i32 to index
    %swap3A_602 = arith.constant 32 : index
    %swap3A_603 = tpu.vector_load %arg9[%swap3A_601, %swap3A_602] {strides = array<i32>} : memref<32x64xf32, #tpu.memory_space<vmem>>, vector<1x16xf32>,
    %swap3A_604 = vector.shape_cast %swap3A_603 : vector<1x16xf32> to vector<16xf32>
    %swap3A_605 = vector.shape_cast %add3A_599 : vector<16xf32> to vector<1x16xf32>
    tpu.vector_store %arg9[%swap3A_601, %swap3A_602], %swap3A_605 {strides = array<i32>} : memref<32x64xf32, #tpu.memory_space<vmem>>, vector<1x16xf32>,
    %get3A_606 = arith.constant 8 : i32
    %get3A_607 = arith.index_cast %get3A_606 : i32 to index
    %get3A_608 = arith.constant 48 : index
    %get3A_609 = tpu.vector_load %arg9[%get3A_607, %get3A_608] {strides = array<i32>} : memref<32x64xf32, #tpu.memory_space<vmem>>, vector<1x16xf32>,
    %get3A_610 = vector.shape_cast %get3A_609 : vector<1x16xf32> to vector<16xf32>
    %get3A_611 = arith.constant 8 : i32
    %get3A_612 = arith.index_cast %get3A_611 : i32 to index
    %get3A_613 = arith.constant 48 : index
    %get3A_614 = tpu.vector_load %arg10[%get3A_612, %get3A_613] {strides = array<i32>} : memref<32x64xf32, #tpu.memory_space<vmem>>, vector<1x16xf32>,
    %get3A_615 = vector.shape_cast %get3A_614 : vector<1x16xf32> to vector<16xf32>
    %add3A_616 = arith.addf %get3A_610, %get3A_615 : vector<16xf32>
    %swap3A_617 = arith.constant 8 : i32
    %swap3A_618 = arith.index_cast %swap3A_617 : i32 to index
    %swap3A_619 = arith.constant 48 : index
    %swap3A_620 = tpu.vector_load %arg9[%swap3A_618, %swap3A_619] {strides = array<i32>} : memref<32x64xf32, #tpu.memory_space<vmem>>, vector<1x16xf32>,
    %swap3A_621 = vector.shape_cast %swap3A_620 : vector<1x16xf32> to vector<16xf32>
    %swap3A_622 = vector.shape_cast %add3A_616 : vector<16xf32> to vector<1x16xf32>
    tpu.vector_store %arg9[%swap3A_618, %swap3A_619], %swap3A_622 {strides = array<i32>} : memref<32x64xf32, #tpu.memory_space<vmem>>, vector<1x16xf32>,
    %get3A_623 = arith.constant 9 : i32
    %get3A_624 = arith.index_cast %get3A_623 : i32 to index
    %get3A_625 = arith.constant 0 : index
    %get3A_626 = tpu.vector_load %arg9[%get3A_624, %get3A_625] {strides = array<i32>} : memref<32x64xf32, #tpu.memory_space<vmem>>, vector<1x16xf32>,
    %get3A_627 = vector.shape_cast %get3A_626 : vector<1x16xf32> to vector<16xf32>
    %get3A_628 = arith.constant 9 : i32
    %get3A_629 = arith.index_cast %get3A_628 : i32 to index
    %get3A_630 = arith.constant 0 : index
    %get3A_631 = tpu.vector_load %arg10[%get3A_629, %get3A_630] {strides = array<i32>} : memref<32x64xf32, #tpu.memory_space<vmem>>, vector<1x16xf32>,
    %get3A_632 = vector.shape_cast %get3A_631 : vector<1x16xf32> to vector<16xf32>
    %add3A_633 = arith.addf %get3A_627, %get3A_632 : vector<16xf32>
    %swap3A_634 = arith.constant 9 : i32
    %swap3A_635 = arith.index_cast %swap3A_634 : i32 to index
    %swap3A_636 = arith.constant 0 : index
    %swap3A_637 = tpu.vector_load %arg9[%swap3A_635, %swap3A_636] {strides = array<i32>} : memref<32x64xf32, #tpu.memory_space<vmem>>, vector<1x16xf32>,
    %swap3A_638 = vector.shape_cast %swap3A_637 : vector<1x16xf32> to vector<16xf32>
    %swap3A_639 = vector.shape_cast %add3A_633 : vector<16xf32> to vector<1x16xf32>
    tpu.vector_store %arg9[%swap3A_635, %swap3A_636], %swap3A_639 {strides = array<i32>} : memref<32x64xf32, #tpu.memory_space<vmem>>, vector<1x16xf32>,
    %get3A_640 = arith.constant 9 : i32
    %get3A_641 = arith.index_cast %get3A_640 : i32 to index
    %get3A_642 = arith.constant 16 : index
    %get3A_643 = tpu.vector_load %arg9[%get3A_641, %get3A_642] {strides = array<i32>} : memref<32x64xf32, #tpu.memory_space<vmem>>, vector<1x16xf32>,
    %get3A_644 = vector.shape_cast %get3A_643 : vector<1x16xf32> to vector<16xf32>
    %get3A_645 = arith.constant 9 : i32
    %get3A_646 = arith.index_cast %get3A_645 : i32 to index
    %get3A_647 = arith.constant 16 : index
    %get3A_648 = tpu.vector_load %arg10[%get3A_646, %get3A_647] {strides = array<i32>} : memref<32x64xf32, #tpu.memory_space<vmem>>, vector<1x16xf32>,
    %get3A_649 = vector.shape_cast %get3A_648 : vector<1x16xf32> to vector<16xf32>
    %add3A_650 = arith.addf %get3A_644, %get3A_649 : vector<16xf32>
    %swap3A_651 = arith.constant 9 : i32
    %swap3A_652 = arith.index_cast %swap3A_651 : i32 to index
    %swap3A_653 = arith.constant 16 : index
    %swap3A_654 = tpu.vector_load %arg9[%swap3A_652, %swap3A_653] {strides = array<i32>} : memref<32x64xf32, #tpu.memory_space<vmem>>, vector<1x16xf32>,
    %swap3A_655 = vector.shape_cast %swap3A_654 : vector<1x16xf32> to vector<16xf32>
    %swap3A_656 = vector.shape_cast %add3A_650 : vector<16xf32> to vector<1x16xf32>
    tpu.vector_store %arg9[%swap3A_652, %swap3A_653], %swap3A_656 {strides = array<i32>} : memref<32x64xf32, #tpu.memory_space<vmem>>, vector<1x16xf32>,
    %get3A_657 = arith.constant 9 : i32
    %get3A_658 = arith.index_cast %get3A_657 : i32 to index
    %get3A_659 = arith.constant 32 : index
    %get3A_660 = tpu.vector_load %arg9[%get3A_658, %get3A_659] {strides = array<i32>} : memref<32x64xf32, #tpu.memory_space<vmem>>, vector<1x16xf32>,
    %get3A_661 = vector.shape_cast %get3A_660 : vector<1x16xf32> to vector<16xf32>
    %get3A_662 = arith.constant 9 : i32
    %get3A_663 = arith.index_cast %get3A_662 : i32 to index
    %get3A_664 = arith.constant 32 : index
    %get3A_665 = tpu.vector_load %arg10[%get3A_663, %get3A_664] {strides = array<i32>} : memref<32x64xf32, #tpu.memory_space<vmem>>, vector<1x16xf32>,
    %get3A_666 = vector.shape_cast %get3A_665 : vector<1x16xf32> to vector<16xf32>
    %add3A_667 = arith.addf %get3A_661, %get3A_666 : vector<16xf32>
    %swap3A_668 = arith.constant 9 : i32
    %swap3A_669 = arith.index_cast %swap3A_668 : i32 to index
    %swap3A_670 = arith.constant 32 : index
    %swap3A_671 = tpu.vector_load %arg9[%swap3A_669, %swap3A_670] {strides = array<i32>} : memref<32x64xf32, #tpu.memory_space<vmem>>, vector<1x16xf32>,
    %swap3A_672 = vector.shape_cast %swap3A_671 : vector<1x16xf32> to vector<16xf32>
    %swap3A_673 = vector.shape_cast %add3A_667 : vector<16xf32> to vector<1x16xf32>
    tpu.vector_store %arg9[%swap3A_669, %swap3A_670], %swap3A_673 {strides = array<i32>} : memref<32x64xf32, #tpu.memory_space<vmem>>, vector<1x16xf32>,
    %get3A_674 = arith.constant 9 : i32
    %get3A_675 = arith.index_cast %get3A_674 : i32 to index
    %get3A_676 = arith.constant 48 : index
    %get3A_677 = tpu.vector_load %arg9[%get3A_675, %get3A_676] {strides = array<i32>} : memref<32x64xf32, #tpu.memory_space<vmem>>, vector<1x16xf32>,
    %get3A_678 = vector.shape_cast %get3A_677 : vector<1x16xf32> to vector<16xf32>
    %get3A_679 = arith.constant 9 : i32
    %get3A_680 = arith.index_cast %get3A_679 : i32 to index
    %get3A_681 = arith.constant 48 : index
    %get3A_682 = tpu.vector_load %arg10[%get3A_680, %get3A_681] {strides = array<i32>} : memref<32x64xf32, #tpu.memory_space<vmem>>, vector<1x16xf32>,
    %get3A_683 = vector.shape_cast %get3A_682 : vector<1x16xf32> to vector<16xf32>
    %add3A_684 = arith.addf %get3A_678, %get3A_683 : vector<16xf32>
    %swap3A_685 = arith.constant 9 : i32
    %swap3A_686 = arith.index_cast %swap3A_685 : i32 to index
    %swap3A_687 = arith.constant 48 : index
    %swap3A_688 = tpu.vector_load %arg9[%swap3A_686, %swap3A_687] {strides = array<i32>} : memref<32x64xf32, #tpu.memory_space<vmem>>, vector<1x16xf32>,
    %swap3A_689 = vector.shape_cast %swap3A_688 : vector<1x16xf32> to vector<16xf32>
    %swap3A_690 = vector.shape_cast %add3A_684 : vector<16xf32> to vector<1x16xf32>
    tpu.vector_store %arg9[%swap3A_686, %swap3A_687], %swap3A_690 {strides = array<i32>} : memref<32x64xf32, #tpu.memory_space<vmem>>, vector<1x16xf32>,
    %get3A_691 = arith.constant 10 : i32
    %get3A_692 = arith.index_cast %get3A_691 : i32 to index
    %get3A_693 = arith.constant 0 : index
    %get3A_694 = tpu.vector_load %arg9[%get3A_692, %get3A_693] {strides = array<i32>} : memref<32x64xf32, #tpu.memory_space<vmem>>, vector<1x16xf32>,
    %get3A_695 = vector.shape_cast %get3A_694 : vector<1x16xf32> to vector<16xf32>
    %get3A_696 = arith.constant 10 : i32
    %get3A_697 = arith.index_cast %get3A_696 : i32 to index
    %get3A_698 = arith.constant 0 : index
    %get3A_699 = tpu.vector_load %arg10[%get3A_697, %get3A_698] {strides = array<i32>} : memref<32x64xf32, #tpu.memory_space<vmem>>, vector<1x16xf32>,
    %get3A_700 = vector.shape_cast %get3A_699 : vector<1x16xf32> to vector<16xf32>
    %add3A_701 = arith.addf %get3A_695, %get3A_700 : vector<16xf32>
    %swap3A_702 = arith.constant 10 : i32
    %swap3A_703 = arith.index_cast %swap3A_702 : i32 to index
    %swap3A_704 = arith.constant 0 : index
    %swap3A_705 = tpu.vector_load %arg9[%swap3A_703, %swap3A_704] {strides = array<i32>} : memref<32x64xf32, #tpu.memory_space<vmem>>, vector<1x16xf32>,
    %swap3A_706 = vector.shape_cast %swap3A_705 : vector<1x16xf32> to vector<16xf32>
    %swap3A_707 = vector.shape_cast %add3A_701 : vector<16xf32> to vector<1x16xf32>
    tpu.vector_store %arg9[%swap3A_703, %swap3A_704], %swap3A_707 {strides = array<i32>} : memref<32x64xf32, #tpu.memory_space<vmem>>, vector<1x16xf32>,
    %get3A_708 = arith.constant 10 : i32
    %get3A_709 = arith.index_cast %get3A_708 : i32 to index
    %get3A_710 = arith.constant 16 : index
    %get3A_711 = tpu.vector_load %arg9[%get3A_709, %get3A_710] {strides = array<i32>} : memref<32x64xf32, #tpu.memory_space<vmem>>, vector<1x16xf32>,
    %get3A_712 = vector.shape_cast %get3A_711 : vector<1x16xf32> to vector<16xf32>
    %get3A_713 = arith.constant 10 : i32
    %get3A_714 = arith.index_cast %get3A_713 : i32 to index
    %get3A_715 = arith.constant 16 : index
    %get3A_716 = tpu.vector_load %arg10[%get3A_714, %get3A_715] {strides = array<i32>} : memref<32x64xf32, #tpu.memory_space<vmem>>, vector<1x16xf32>,
    %get3A_717 = vector.shape_cast %get3A_716 : vector<1x16xf32> to vector<16xf32>
    %add3A_718 = arith.addf %get3A_712, %get3A_717 : vector<16xf32>
    %swap3A_719 = arith.constant 10 : i32
    %swap3A_720 = arith.index_cast %swap3A_719 : i32 to index
    %swap3A_721 = arith.constant 16 : index
    %swap3A_722 = tpu.vector_load %arg9[%swap3A_720, %swap3A_721] {strides = array<i32>} : memref<32x64xf32, #tpu.memory_space<vmem>>, vector<1x16xf32>,
    %swap3A_723 = vector.shape_cast %swap3A_722 : vector<1x16xf32> to vector<16xf32>
    %swap3A_724 = vector.shape_cast %add3A_718 : vector<16xf32> to vector<1x16xf32>
    tpu.vector_store %arg9[%swap3A_720, %swap3A_721], %swap3A_724 {strides = array<i32>} : memref<32x64xf32, #tpu.memory_space<vmem>>, vector<1x16xf32>,
    %get3A_725 = arith.constant 10 : i32
    %get3A_726 = arith.index_cast %get3A_725 : i32 to index
    %get3A_727 = arith.constant 32 : index
    %get3A_728 = tpu.vector_load %arg9[%get3A_726, %get3A_727] {strides = array<i32>} : memref<32x64xf32, #tpu.memory_space<vmem>>, vector<1x16xf32>,
    %get3A_729 = vector.shape_cast %get3A_728 : vector<1x16xf32> to vector<16xf32>
    %get3A_730 = arith.constant 10 : i32
    %get3A_731 = arith.index_cast %get3A_730 : i32 to index
    %get3A_732 = arith.constant 32 : index
    %get3A_733 = tpu.vector_load %arg10[%get3A_731, %get3A_732] {strides = array<i32>} : memref<32x64xf32, #tpu.memory_space<vmem>>, vector<1x16xf32>,
    %get3A_734 = vector.shape_cast %get3A_733 : vector<1x16xf32> to vector<16xf32>
    %add3A_735 = arith.addf %get3A_729, %get3A_734 : vector<16xf32>
    %swap3A_736 = arith.constant 10 : i32
    %swap3A_737 = arith.index_cast %swap3A_736 : i32 to index
    %swap3A_738 = arith.constant 32 : index
    %swap3A_739 = tpu.vector_load %arg9[%swap3A_737, %swap3A_738] {strides = array<i32>} : memref<32x64xf32, #tpu.memory_space<vmem>>, vector<1x16xf32>,
    %swap3A_740 = vector.shape_cast %swap3A_739 : vector<1x16xf32> to vector<16xf32>
    %swap3A_741 = vector.shape_cast %add3A_735 : vector<16xf32> to vector<1x16xf32>
    tpu.vector_store %arg9[%swap3A_737, %swap3A_738], %swap3A_741 {strides = array<i32>} : memref<32x64xf32, #tpu.memory_space<vmem>>, vector<1x16xf32>,
    %get3A_742 = arith.constant 10 : i32
    %get3A_743 = arith.index_cast %get3A_742 : i32 to index
    %get3A_744 = arith.constant 48 : index
    %get3A_745 = tpu.vector_load %arg9[%get3A_743, %get3A_744] {strides = array<i32>} : memref<32x64xf32, #tpu.memory_space<vmem>>, vector<1x16xf32>,
    %get3A_746 = vector.shape_cast %get3A_745 : vector<1x16xf32> to vector<16xf32>
    %get3A_747 = arith.constant 10 : i32
    %get3A_748 = arith.index_cast %get3A_747 : i32 to index
    %get3A_749 = arith.constant 48 : index
    %get3A_750 = tpu.vector_load %arg10[%get3A_748, %get3A_749] {strides = array<i32>} : memref<32x64xf32, #tpu.memory_space<vmem>>, vector<1x16xf32>,
    %get3A_751 = vector.shape_cast %get3A_750 : vector<1x16xf32> to vector<16xf32>
    %add3A_752 = arith.addf %get3A_746, %get3A_751 : vector<16xf32>
    %swap3A_753 = arith.constant 10 : i32
    %swap3A_754 = arith.index_cast %swap3A_753 : i32 to index
    %swap3A_755 = arith.constant 48 : index
    %swap3A_756 = tpu.vector_load %arg9[%swap3A_754, %swap3A_755] {strides = array<i32>} : memref<32x64xf32, #tpu.memory_space<vmem>>, vector<1x16xf32>,
    %swap3A_757 = vector.shape_cast %swap3A_756 : vector<1x16xf32> to vector<16xf32>
    %swap3A_758 = vector.shape_cast %add3A_752 : vector<16xf32> to vector<1x16xf32>
    tpu.vector_store %arg9[%swap3A_754, %swap3A_755], %swap3A_758 {strides = array<i32>} : memref<32x64xf32, #tpu.memory_space<vmem>>, vector<1x16xf32>,
    %get3A_759 = arith.constant 11 : i32
    %get3A_760 = arith.index_cast %get3A_759 : i32 to index
    %get3A_761 = arith.constant 0 : index
    %get3A_762 = tpu.vector_load %arg9[%get3A_760, %get3A_761] {strides = array<i32>} : memref<32x64xf32, #tpu.memory_space<vmem>>, vector<1x16xf32>,
    %get3A_763 = vector.shape_cast %get3A_762 : vector<1x16xf32> to vector<16xf32>
    %get3A_764 = arith.constant 11 : i32
    %get3A_765 = arith.index_cast %get3A_764 : i32 to index
    %get3A_766 = arith.constant 0 : index
    %get3A_767 = tpu.vector_load %arg10[%get3A_765, %get3A_766] {strides = array<i32>} : memref<32x64xf32, #tpu.memory_space<vmem>>, vector<1x16xf32>,
    %get3A_768 = vector.shape_cast %get3A_767 : vector<1x16xf32> to vector<16xf32>
    %add3A_769 = arith.addf %get3A_763, %get3A_768 : vector<16xf32>
    %swap3A_770 = arith.constant 11 : i32
    %swap3A_771 = arith.index_cast %swap3A_770 : i32 to index
    %swap3A_772 = arith.constant 0 : index
    %swap3A_773 = tpu.vector_load %arg9[%swap3A_771, %swap3A_772] {strides = array<i32>} : memref<32x64xf32, #tpu.memory_space<vmem>>, vector<1x16xf32>,
    %swap3A_774 = vector.shape_cast %swap3A_773 : vector<1x16xf32> to vector<16xf32>
    %swap3A_775 = vector.shape_cast %add3A_769 : vector<16xf32> to vector<1x16xf32>
    tpu.vector_store %arg9[%swap3A_771, %swap3A_772], %swap3A_775 {strides = array<i32>} : memref<32x64xf32, #tpu.memory_space<vmem>>, vector<1x16xf32>,
    %get3A_776 = arith.constant 11 : i32
    %get3A_777 = arith.index_cast %get3A_776 : i32 to index
    %get3A_778 = arith.constant 16 : index
    %get3A_779 = tpu.vector_load %arg9[%get3A_777, %get3A_778] {strides = array<i32>} : memref<32x64xf32, #tpu.memory_space<vmem>>, vector<1x16xf32>,
    %get3A_780 = vector.shape_cast %get3A_779 : vector<1x16xf32> to vector<16xf32>
    %get3A_781 = arith.constant 11 : i32
    %get3A_782 = arith.index_cast %get3A_781 : i32 to index
    %get3A_783 = arith.constant 16 : index
    %get3A_784 = tpu.vector_load %arg10[%get3A_782, %get3A_783] {strides = array<i32>} : memref<32x64xf32, #tpu.memory_space<vmem>>, vector<1x16xf32>,
    %get3A_785 = vector.shape_cast %get3A_784 : vector<1x16xf32> to vector<16xf32>
    %add3A_786 = arith.addf %get3A_780, %get3A_785 : vector<16xf32>
    %swap3A_787 = arith.constant 11 : i32
    %swap3A_788 = arith.index_cast %swap3A_787 : i32 to index
    %swap3A_789 = arith.constant 16 : index
    %swap3A_790 = tpu.vector_load %arg9[%swap3A_788, %swap3A_789] {strides = array<i32>} : memref<32x64xf32, #tpu.memory_space<vmem>>, vector<1x16xf32>,
    %swap3A_791 = vector.shape_cast %swap3A_790 : vector<1x16xf32> to vector<16xf32>
    %swap3A_792 = vector.shape_cast %add3A_786 : vector<16xf32> to vector<1x16xf32>
    tpu.vector_store %arg9[%swap3A_788, %swap3A_789], %swap3A_792 {strides = array<i32>} : memref<32x64xf32, #tpu.memory_space<vmem>>, vector<1x16xf32>,
    %get3A_793 = arith.constant 11 : i32
    %get3A_794 = arith.index_cast %get3A_793 : i32 to index
    %get3A_795 = arith.constant 32 : index
    %get3A_796 = tpu.vector_load %arg9[%get3A_794, %get3A_795] {strides = array<i32>} : memref<32x64xf32, #tpu.memory_space<vmem>>, vector<1x16xf32>,
    %get3A_797 = vector.shape_cast %get3A_796 : vector<1x16xf32> to vector<16xf32>
    %get3A_798 = arith.constant 11 : i32
    %get3A_799 = arith.index_cast %get3A_798 : i32 to index
    %get3A_800 = arith.constant 32 : index
    %get3A_801 = tpu.vector_load %arg10[%get3A_799, %get3A_800] {strides = array<i32>} : memref<32x64xf32, #tpu.memory_space<vmem>>, vector<1x16xf32>,
    %get3A_802 = vector.shape_cast %get3A_801 : vector<1x16xf32> to vector<16xf32>
    %add3A_803 = arith.addf %get3A_797, %get3A_802 : vector<16xf32>
    %swap3A_804 = arith.constant 11 : i32
    %swap3A_805 = arith.index_cast %swap3A_804 : i32 to index
    %swap3A_806 = arith.constant 32 : index
    %swap3A_807 = tpu.vector_load %arg9[%swap3A_805, %swap3A_806] {strides = array<i32>} : memref<32x64xf32, #tpu.memory_space<vmem>>, vector<1x16xf32>,
    %swap3A_808 = vector.shape_cast %swap3A_807 : vector<1x16xf32> to vector<16xf32>
    %swap3A_809 = vector.shape_cast %add3A_803 : vector<16xf32> to vector<1x16xf32>
    tpu.vector_store %arg9[%swap3A_805, %swap3A_806], %swap3A_809 {strides = array<i32>} : memref<32x64xf32, #tpu.memory_space<vmem>>, vector<1x16xf32>,
    %get3A_810 = arith.constant 11 : i32
    %get3A_811 = arith.index_cast %get3A_810 : i32 to index
    %get3A_812 = arith.constant 48 : index
    %get3A_813 = tpu.vector_load %arg9[%get3A_811, %get3A_812] {strides = array<i32>} : memref<32x64xf32, #tpu.memory_space<vmem>>, vector<1x16xf32>,
    %get3A_814 = vector.shape_cast %get3A_813 : vector<1x16xf32> to vector<16xf32>
    %get3A_815 = arith.constant 11 : i32
    %get3A_816 = arith.index_cast %get3A_815 : i32 to index
    %get3A_817 = arith.constant 48 : index
    %get3A_818 = tpu.vector_load %arg10[%get3A_816, %get3A_817] {strides = array<i32>} : memref<32x64xf32, #tpu.memory_space<vmem>>, vector<1x16xf32>,
    %get3A_819 = vector.shape_cast %get3A_818 : vector<1x16xf32> to vector<16xf32>
    %add3A_820 = arith.addf %get3A_814, %get3A_819 : vector<16xf32>
    %swap3A_821 = arith.constant 11 : i32
    %swap3A_822 = arith.index_cast %swap3A_821 : i32 to index
    %swap3A_823 = arith.constant 48 : index
    %swap3A_824 = tpu.vector_load %arg9[%swap3A_822, %swap3A_823] {strides = array<i32>} : memref<32x64xf32, #tpu.memory_space<vmem>>, vector<1x16xf32>,
    %swap3A_825 = vector.shape_cast %swap3A_824 : vector<1x16xf32> to vector<16xf32>
    %swap3A_826 = vector.shape_cast %add3A_820 : vector<16xf32> to vector<1x16xf32>
    tpu.vector_store %arg9[%swap3A_822, %swap3A_823], %swap3A_826 {strides = array<i32>} : memref<32x64xf32, #tpu.memory_space<vmem>>, vector<1x16xf32>,
    %get3A_827 = arith.constant 12 : i32
    %get3A_828 = arith.index_cast %get3A_827 : i32 to index
    %get3A_829 = arith.constant 0 : index
    %get3A_830 = tpu.vector_load %arg9[%get3A_828, %get3A_829] {strides = array<i32>} : memref<32x64xf32, #tpu.memory_space<vmem>>, vector<1x16xf32>,
    %get3A_831 = vector.shape_cast %get3A_830 : vector<1x16xf32> to vector<16xf32>
    %get3A_832 = arith.constant 12 : i32
    %get3A_833 = arith.index_cast %get3A_832 : i32 to index
    %get3A_834 = arith.constant 0 : index
    %get3A_835 = tpu.vector_load %arg10[%get3A_833, %get3A_834] {strides = array<i32>} : memref<32x64xf32, #tpu.memory_space<vmem>>, vector<1x16xf32>,
    %get3A_836 = vector.shape_cast %get3A_835 : vector<1x16xf32> to vector<16xf32>
    %add3A_837 = arith.addf %get3A_831, %get3A_836 : vector<16xf32>
    %swap3A_838 = arith.constant 12 : i32
    %swap3A_839 = arith.index_cast %swap3A_838 : i32 to index
    %swap3A_840 = arith.constant 0 : index
    %swap3A_841 = tpu.vector_load %arg9[%swap3A_839, %swap3A_840] {strides = array<i32>} : memref<32x64xf32, #tpu.memory_space<vmem>>, vector<1x16xf32>,
    %swap3A_842 = vector.shape_cast %swap3A_841 : vector<1x16xf32> to vector<16xf32>
    %swap3A_843 = vector.shape_cast %add3A_837 : vector<16xf32> to vector<1x16xf32>
    tpu.vector_store %arg9[%swap3A_839, %swap3A_840], %swap3A_843 {strides = array<i32>} : memref<32x64xf32, #tpu.memory_space<vmem>>, vector<1x16xf32>,
    %get3A_844 = arith.constant 12 : i32
    %get3A_845 = arith.index_cast %get3A_844 : i32 to index
    %get3A_846 = arith.constant 16 : index
    %get3A_847 = tpu.vector_load %arg9[%get3A_845, %get3A_846] {strides = array<i32>} : memref<32x64xf32, #tpu.memory_space<vmem>>, vector<1x16xf32>,
    %get3A_848 = vector.shape_cast %get3A_847 : vector<1x16xf32> to vector<16xf32>
    %get3A_849 = arith.constant 12 : i32
    %get3A_850 = arith.index_cast %get3A_849 : i32 to index
    %get3A_851 = arith.constant 16 : index
    %get3A_852 = tpu.vector_load %arg10[%get3A_850, %get3A_851] {strides = array<i32>} : memref<32x64xf32, #tpu.memory_space<vmem>>, vector<1x16xf32>,
    %get3A_853 = vector.shape_cast %get3A_852 : vector<1x16xf32> to vector<16xf32>
    %add3A_854 = arith.addf %get3A_848, %get3A_853 : vector<16xf32>
    %swap3A_855 = arith.constant 12 : i32
    %swap3A_856 = arith.index_cast %swap3A_855 : i32 to index
    %swap3A_857 = arith.constant 16 : index
    %swap3A_858 = tpu.vector_load %arg9[%swap3A_856, %swap3A_857] {strides = array<i32>} : memref<32x64xf32, #tpu.memory_space<vmem>>, vector<1x16xf32>,
    %swap3A_859 = vector.shape_cast %swap3A_858 : vector<1x16xf32> to vector<16xf32>
    %swap3A_860 = vector.shape_cast %add3A_854 : vector<16xf32> to vector<1x16xf32>
    tpu.vector_store %arg9[%swap3A_856, %swap3A_857], %swap3A_860 {strides = array<i32>} : memref<32x64xf32, #tpu.memory_space<vmem>>, vector<1x16xf32>,
    %get3A_861 = arith.constant 12 : i32
    %get3A_862 = arith.index_cast %get3A_861 : i32 to index
    %get3A_863 = arith.constant 32 : index
    %get3A_864 = tpu.vector_load %arg9[%get3A_862, %get3A_863] {strides = array<i32>} : memref<32x64xf32, #tpu.memory_space<vmem>>, vector<1x16xf32>,
    %get3A_865 = vector.shape_cast %get3A_864 : vector<1x16xf32> to vector<16xf32>
    %get3A_866 = arith.constant 12 : i32
    %get3A_867 = arith.index_cast %get3A_866 : i32 to index
    %get3A_868 = arith.constant 32 : index
    %get3A_869 = tpu.vector_load %arg10[%get3A_867, %get3A_868] {strides = array<i32>} : memref<32x64xf32, #tpu.memory_space<vmem>>, vector<1x16xf32>,
    %get3A_870 = vector.shape_cast %get3A_869 : vector<1x16xf32> to vector<16xf32>
    %add3A_871 = arith.addf %get3A_865, %get3A_870 : vector<16xf32>
    %swap3A_872 = arith.constant 12 : i32
    %swap3A_873 = arith.index_cast %swap3A_872 : i32 to index
    %swap3A_874 = arith.constant 32 : index
    %swap3A_875 = tpu.vector_load %arg9[%swap3A_873, %swap3A_874] {strides = array<i32>} : memref<32x64xf32, #tpu.memory_space<vmem>>, vector<1x16xf32>,
    %swap3A_876 = vector.shape_cast %swap3A_875 : vector<1x16xf32> to vector<16xf32>
    %swap3A_877 = vector.shape_cast %add3A_871 : vector<16xf32> to vector<1x16xf32>
    tpu.vector_store %arg9[%swap3A_873, %swap3A_874], %swap3A_877 {strides = array<i32>} : memref<32x64xf32, #tpu.memory_space<vmem>>, vector<1x16xf32>,
    %get3A_878 = arith.constant 12 : i32
    %get3A_879 = arith.index_cast %get3A_878 : i32 to index
    %get3A_880 = arith.constant 48 : index
    %get3A_881 = tpu.vector_load %arg9[%get3A_879, %get3A_880] {strides = array<i32>} : memref<32x64xf32, #tpu.memory_space<vmem>>, vector<1x16xf32>,
    %get3A_882 = vector.shape_cast %get3A_881 : vector<1x16xf32> to vector<16xf32>
    %get3A_883 = arith.constant 12 : i32
    %get3A_884 = arith.index_cast %get3A_883 : i32 to index
    %get3A_885 = arith.constant 48 : index
    %get3A_886 = tpu.vector_load %arg10[%get3A_884, %get3A_885] {strides = array<i32>} : memref<32x64xf32, #tpu.memory_space<vmem>>, vector<1x16xf32>,
    %get3A_887 = vector.shape_cast %get3A_886 : vector<1x16xf32> to vector<16xf32>
    %add3A_888 = arith.addf %get3A_882, %get3A_887 : vector<16xf32>
    %swap3A_889 = arith.constant 12 : i32
    %swap3A_890 = arith.index_cast %swap3A_889 : i32 to index
    %swap3A_891 = arith.constant 48 : index
    %swap3A_892 = tpu.vector_load %arg9[%swap3A_890, %swap3A_891] {strides = array<i32>} : memref<32x64xf32, #tpu.memory_space<vmem>>, vector<1x16xf32>,
    %swap3A_893 = vector.shape_cast %swap3A_892 : vector<1x16xf32> to vector<16xf32>
    %swap3A_894 = vector.shape_cast %add3A_888 : vector<16xf32> to vector<1x16xf32>
    tpu.vector_store %arg9[%swap3A_890, %swap3A_891], %swap3A_894 {strides = array<i32>} : memref<32x64xf32, #tpu.memory_space<vmem>>, vector<1x16xf32>,
    %get3A_895 = arith.constant 13 : i32
    %get3A_896 = arith.index_cast %get3A_895 : i32 to index
    %get3A_897 = arith.constant 0 : index
    %get3A_898 = tpu.vector_load %arg9[%get3A_896, %get3A_897] {strides = array<i32>} : memref<32x64xf32, #tpu.memory_space<vmem>>, vector<1x16xf32>,
    %get3A_899 = vector.shape_cast %get3A_898 : vector<1x16xf32> to vector<16xf32>
    %get3A_900 = arith.constant 13 : i32
    %get3A_901 = arith.index_cast %get3A_900 : i32 to index
    %get3A_902 = arith.constant 0 : index
    %get3A_903 = tpu.vector_load %arg10[%get3A_901, %get3A_902] {strides = array<i32>} : memref<32x64xf32, #tpu.memory_space<vmem>>, vector<1x16xf32>,
    %get3A_904 = vector.shape_cast %get3A_903 : vector<1x16xf32> to vector<16xf32>
    %add3A_905 = arith.addf %get3A_899, %get3A_904 : vector<16xf32>
    %swap3A_906 = arith.constant 13 : i32
    %swap3A_907 = arith.index_cast %swap3A_906 : i32 to index
    %swap3A_908 = arith.constant 0 : index
    %swap3A_909 = tpu.vector_load %arg9[%swap3A_907, %swap3A_908] {strides = array<i32>} : memref<32x64xf32, #tpu.memory_space<vmem>>, vector<1x16xf32>,
    %swap3A_910 = vector.shape_cast %swap3A_909 : vector<1x16xf32> to vector<16xf32>
    %swap3A_911 = vector.shape_cast %add3A_905 : vector<16xf32> to vector<1x16xf32>
    tpu.vector_store %arg9[%swap3A_907, %swap3A_908], %swap3A_911 {strides = array<i32>} : memref<32x64xf32, #tpu.memory_space<vmem>>, vector<1x16xf32>,
    %get3A_912 = arith.constant 13 : i32
    %get3A_913 = arith.index_cast %get3A_912 : i32 to index
    %get3A_914 = arith.constant 16 : index
    %get3A_915 = tpu.vector_load %arg9[%get3A_913, %get3A_914] {strides = array<i32>} : memref<32x64xf32, #tpu.memory_space<vmem>>, vector<1x16xf32>,
    %get3A_916 = vector.shape_cast %get3A_915 : vector<1x16xf32> to vector<16xf32>
    %get3A_917 = arith.constant 13 : i32
    %get3A_918 = arith.index_cast %get3A_917 : i32 to index
    %get3A_919 = arith.constant 16 : index
    %get3A_920 = tpu.vector_load %arg10[%get3A_918, %get3A_919] {strides = array<i32>} : memref<32x64xf32, #tpu.memory_space<vmem>>, vector<1x16xf32>,
    %get3A_921 = vector.shape_cast %get3A_920 : vector<1x16xf32> to vector<16xf32>
    %add3A_922 = arith.addf %get3A_916, %get3A_921 : vector<16xf32>
    %swap3A_923 = arith.constant 13 : i32
    %swap3A_924 = arith.index_cast %swap3A_923 : i32 to index
    %swap3A_925 = arith.constant 16 : index
    %swap3A_926 = tpu.vector_load %arg9[%swap3A_924, %swap3A_925] {strides = array<i32>} : memref<32x64xf32, #tpu.memory_space<vmem>>, vector<1x16xf32>,
    %swap3A_927 = vector.shape_cast %swap3A_926 : vector<1x16xf32> to vector<16xf32>
    %swap3A_928 = vector.shape_cast %add3A_922 : vector<16xf32> to vector<1x16xf32>
    tpu.vector_store %arg9[%swap3A_924, %swap3A_925], %swap3A_928 {strides = array<i32>} : memref<32x64xf32, #tpu.memory_space<vmem>>, vector<1x16xf32>,
    %get3A_929 = arith.constant 13 : i32
    %get3A_930 = arith.index_cast %get3A_929 : i32 to index
    %get3A_931 = arith.constant 32 : index
    %get3A_932 = tpu.vector_load %arg9[%get3A_930, %get3A_931] {strides = array<i32>} : memref<32x64xf32, #tpu.memory_space<vmem>>, vector<1x16xf32>,
    %get3A_933 = vector.shape_cast %get3A_932 : vector<1x16xf32> to vector<16xf32>
    %get3A_934 = arith.constant 13 : i32
    %get3A_935 = arith.index_cast %get3A_934 : i32 to index
    %get3A_936 = arith.constant 32 : index
    %get3A_937 = tpu.vector_load %arg10[%get3A_935, %get3A_936] {strides = array<i32>} : memref<32x64xf32, #tpu.memory_space<vmem>>, vector<1x16xf32>,
    %get3A_938 = vector.shape_cast %get3A_937 : vector<1x16xf32> to vector<16xf32>
    %add3A_939 = arith.addf %get3A_933, %get3A_938 : vector<16xf32>
    %swap3A_940 = arith.constant 13 : i32
    %swap3A_941 = arith.index_cast %swap3A_940 : i32 to index
    %swap3A_942 = arith.constant 32 : index
    %swap3A_943 = tpu.vector_load %arg9[%swap3A_941, %swap3A_942] {strides = array<i32>} : memref<32x64xf32, #tpu.memory_space<vmem>>, vector<1x16xf32>,
    %swap3A_944 = vector.shape_cast %swap3A_943 : vector<1x16xf32> to vector<16xf32>
    %swap3A_945 = vector.shape_cast %add3A_939 : vector<16xf32> to vector<1x16xf32>
    tpu.vector_store %arg9[%swap3A_941, %swap3A_942], %swap3A_945 {strides = array<i32>} : memref<32x64xf32, #tpu.memory_space<vmem>>, vector<1x16xf32>,
    %get3A_946 = arith.constant 13 : i32
    %get3A_947 = arith.index_cast %get3A_946 : i32 to index
    %get3A_948 = arith.constant 48 : index
    %get3A_949 = tpu.vector_load %arg9[%get3A_947, %get3A_948] {strides = array<i32>} : memref<32x64xf32, #tpu.memory_space<vmem>>, vector<1x16xf32>,
    %get3A_950 = vector.shape_cast %get3A_949 : vector<1x16xf32> to vector<16xf32>
    %get3A_951 = arith.constant 13 : i32
    %get3A_952 = arith.index_cast %get3A_951 : i32 to index
    %get3A_953 = arith.constant 48 : index
    %get3A_954 = tpu.vector_load %arg10[%get3A_952, %get3A_953] {strides = array<i32>} : memref<32x64xf32, #tpu.memory_space<vmem>>, vector<1x16xf32>,
    %get3A_955 = vector.shape_cast %get3A_954 : vector<1x16xf32> to vector<16xf32>
    %add3A_956 = arith.addf %get3A_950, %get3A_955 : vector<16xf32>
    %swap3A_957 = arith.constant 13 : i32
    %swap3A_958 = arith.index_cast %swap3A_957 : i32 to index
    %swap3A_959 = arith.constant 48 : index
    %swap3A_960 = tpu.vector_load %arg9[%swap3A_958, %swap3A_959] {strides = array<i32>} : memref<32x64xf32, #tpu.memory_space<vmem>>, vector<1x16xf32>,
    %swap3A_961 = vector.shape_cast %swap3A_960 : vector<1x16xf32> to vector<16xf32>
    %swap3A_962 = vector.shape_cast %add3A_956 : vector<16xf32> to vector<1x16xf32>
    tpu.vector_store %arg9[%swap3A_958, %swap3A_959], %swap3A_962 {strides = array<i32>} : memref<32x64xf32, #tpu.memory_space<vmem>>, vector<1x16xf32>,
    %get3A_963 = arith.constant 14 : i32
    %get3A_964 = arith.index_cast %get3A_963 : i32 to index
    %get3A_965 = arith.constant 0 : index
    %get3A_966 = tpu.vector_load %arg9[%get3A_964, %get3A_965] {strides = array<i32>} : memref<32x64xf32, #tpu.memory_space<vmem>>, vector<1x16xf32>,
    %get3A_967 = vector.shape_cast %get3A_966 : vector<1x16xf32> to vector<16xf32>
    %get3A_968 = arith.constant 14 : i32
    %get3A_969 = arith.index_cast %get3A_968 : i32 to index
    %get3A_970 = arith.constant 0 : index
    %get3A_971 = tpu.vector_load %arg10[%get3A_969, %get3A_970] {strides = array<i32>} : memref<32x64xf32, #tpu.memory_space<vmem>>, vector<1x16xf32>,
    %get3A_972 = vector.shape_cast %get3A_971 : vector<1x16xf32> to vector<16xf32>
    %add3A_973 = arith.addf %get3A_967, %get3A_972 : vector<16xf32>
    %swap3A_974 = arith.constant 14 : i32
    %swap3A_975 = arith.index_cast %swap3A_974 : i32 to index
    %swap3A_976 = arith.constant 0 : index
    %swap3A_977 = tpu.vector_load %arg9[%swap3A_975, %swap3A_976] {strides = array<i32>} : memref<32x64xf32, #tpu.memory_space<vmem>>, vector<1x16xf32>,
    %swap3A_978 = vector.shape_cast %swap3A_977 : vector<1x16xf32> to vector<16xf32>
    %swap3A_979 = vector.shape_cast %add3A_973 : vector<16xf32> to vector<1x16xf32>
    tpu.vector_store %arg9[%swap3A_975, %swap3A_976], %swap3A_979 {strides = array<i32>} : memref<32x64xf32, #tpu.memory_space<vmem>>, vector<1x16xf32>,
    %get3A_980 = arith.constant 14 : i32
    %get3A_981 = arith.index_cast %get3A_980 : i32 to index
    %get3A_982 = arith.constant 16 : index
    %get3A_983 = tpu.vector_load %arg9[%get3A_981, %get3A_982] {strides = array<i32>} : memref<32x64xf32, #tpu.memory_space<vmem>>, vector<1x16xf32>,
    %get3A_984 = vector.shape_cast %get3A_983 : vector<1x16xf32> to vector<16xf32>
    %get3A_985 = arith.constant 14 : i32
    %get3A_986 = arith.index_cast %get3A_985 : i32 to index
    %get3A_987 = arith.constant 16 : index
    %get3A_988 = tpu.vector_load %arg10[%get3A_986, %get3A_987] {strides = array<i32>} : memref<32x64xf32, #tpu.memory_space<vmem>>, vector<1x16xf32>,
    %get3A_989 = vector.shape_cast %get3A_988 : vector<1x16xf32> to vector<16xf32>
    %add3A_990 = arith.addf %get3A_984, %get3A_989 : vector<16xf32>
    %swap3A_991 = arith.constant 14 : i32
    %swap3A_992 = arith.index_cast %swap3A_991 : i32 to index
    %swap3A_993 = arith.constant 16 : index
    %swap3A_994 = tpu.vector_load %arg9[%swap3A_992, %swap3A_993] {strides = array<i32>} : memref<32x64xf32, #tpu.memory_space<vmem>>, vector<1x16xf32>,
    %swap3A_995 = vector.shape_cast %swap3A_994 : vector<1x16xf32> to vector<16xf32>
    %swap3A_996 = vector.shape_cast %add3A_990 : vector<16xf32> to vector<1x16xf32>
    tpu.vector_store %arg9[%swap3A_992, %swap3A_993], %swap3A_996 {strides = array<i32>} : memref<32x64xf32, #tpu.memory_space<vmem>>, vector<1x16xf32>,
    %get3A_997 = arith.constant 14 : i32
    %get3A_998 = arith.index_cast %get3A_997 : i32 to index
    %get3A_999 = arith.constant 32 : index
    %get3A_1000 = tpu.vector_load %arg9[%get3A_998, %get3A_999] {strides = array<i32>} : memref<32x64xf32, #tpu.memory_space<vmem>>, vector<1x16xf32>,
    %get3A_1001 = vector.shape_cast %get3A_1000 : vector<1x16xf32> to vector<16xf32>
    %get3A_1002 = arith.constant 14 : i32
    %get3A_1003 = arith.index_cast %get3A_1002 : i32 to index
    %get3A_1004 = arith.constant 32 : index
    %get3A_1005 = tpu.vector_load %arg10[%get3A_1003, %get3A_1004] {strides = array<i32>} : memref<32x64xf32, #tpu.memory_space<vmem>>, vector<1x16xf32>,
    %get3A_1006 = vector.shape_cast %get3A_1005 : vector<1x16xf32> to vector<16xf32>
    %add3A_1007 = arith.addf %get3A_1001, %get3A_1006 : vector<16xf32>
    %swap3A_1008 = arith.constant 14 : i32
    %swap3A_1009 = arith.index_cast %swap3A_1008 : i32 to index
    %swap3A_1010 = arith.constant 32 : index
    %swap3A_1011 = tpu.vector_load %arg9[%swap3A_1009, %swap3A_1010] {strides = array<i32>} : memref<32x64xf32, #tpu.memory_space<vmem>>, vector<1x16xf32>,
    %swap3A_1012 = vector.shape_cast %swap3A_1011 : vector<1x16xf32> to vector<16xf32>
    %swap3A_1013 = vector.shape_cast %add3A_1007 : vector<16xf32> to vector<1x16xf32>
    tpu.vector_store %arg9[%swap3A_1009, %swap3A_1010], %swap3A_1013 {strides = array<i32>} : memref<32x64xf32, #tpu.memory_space<vmem>>, vector<1x16xf32>,
    %get3A_1014 = arith.constant 14 : i32
    %get3A_1015 = arith.index_cast %get3A_1014 : i32 to index
    %get3A_1016 = arith.constant 48 : index
    %get3A_1017 = tpu.vector_load %arg9[%get3A_1015, %get3A_1016] {strides = array<i32>} : memref<32x64xf32, #tpu.memory_space<vmem>>, vector<1x16xf32>,
    %get3A_1018 = vector.shape_cast %get3A_1017 : vector<1x16xf32> to vector<16xf32>
    %get3A_1019 = arith.constant 14 : i32
    %get3A_1020 = arith.index_cast %get3A_1019 : i32 to index
    %get3A_1021 = arith.constant 48 : index
    %get3A_1022 = tpu.vector_load %arg10[%get3A_1020, %get3A_1021] {strides = array<i32>} : memref<32x64xf32, #tpu.memory_space<vmem>>, vector<1x16xf32>,
    %get3A_1023 = vector.shape_cast %get3A_1022 : vector<1x16xf32> to vector<16xf32>
    %add3A_1024 = arith.addf %get3A_1018, %get3A_1023 : vector<16xf32>
    %swap3A_1025 = arith.constant 14 : i32
    %swap3A_1026 = arith.index_cast %swap3A_1025 : i32 to index
    %swap3A_1027 = arith.constant 48 : index
    %swap3A_1028 = tpu.vector_load %arg9[%swap3A_1026, %swap3A_1027] {strides = array<i32>} : memref<32x64xf32, #tpu.memory_space<vmem>>, vector<1x16xf32>,
    %swap3A_1029 = vector.shape_cast %swap3A_1028 : vector<1x16xf32> to vector<16xf32>
    %swap3A_1030 = vector.shape_cast %add3A_1024 : vector<16xf32> to vector<1x16xf32>
    tpu.vector_store %arg9[%swap3A_1026, %swap3A_1027], %swap3A_1030 {strides = array<i32>} : memref<32x64xf32, #tpu.memory_space<vmem>>, vector<1x16xf32>,
    %get3A_1031 = arith.constant 15 : i32
    %get3A_1032 = arith.index_cast %get3A_1031 : i32 to index
    %get3A_1033 = arith.constant 0 : index
    %get3A_1034 = tpu.vector_load %arg9[%get3A_1032, %get3A_1033] {strides = array<i32>} : memref<32x64xf32, #tpu.memory_space<vmem>>, vector<1x16xf32>,
    %get3A_1035 = vector.shape_cast %get3A_1034 : vector<1x16xf32> to vector<16xf32>
    %get3A_1036 = arith.constant 15 : i32
    %get3A_1037 = arith.index_cast %get3A_1036 : i32 to index
    %get3A_1038 = arith.constant 0 : index
    %get3A_1039 = tpu.vector_load %arg10[%get3A_1037, %get3A_1038] {strides = array<i32>} : memref<32x64xf32, #tpu.memory_space<vmem>>, vector<1x16xf32>,
    %get3A_1040 = vector.shape_cast %get3A_1039 : vector<1x16xf32> to vector<16xf32>
    %add3A_1041 = arith.addf %get3A_1035, %get3A_1040 : vector<16xf32>
    %swap3A_1042 = arith.constant 15 : i32
    %swap3A_1043 = arith.index_cast %swap3A_1042 : i32 to index
    %swap3A_1044 = arith.constant 0 : index
    %swap3A_1045 = tpu.vector_load %arg9[%swap3A_1043, %swap3A_1044] {strides = array<i32>} : memref<32x64xf32, #tpu.memory_space<vmem>>, vector<1x16xf32>,
    %swap3A_1046 = vector.shape_cast %swap3A_1045 : vector<1x16xf32> to vector<16xf32>
    %swap3A_1047 = vector.shape_cast %add3A_1041 : vector<16xf32> to vector<1x16xf32>
    tpu.vector_store %arg9[%swap3A_1043, %swap3A_1044], %swap3A_1047 {strides = array<i32>} : memref<32x64xf32, #tpu.memory_space<vmem>>, vector<1x16xf32>,
    %get3A_1048 = arith.constant 15 : i32
    %get3A_1049 = arith.index_cast %get3A_1048 : i32 to index
    %get3A_1050 = arith.constant 16 : index
    %get3A_1051 = tpu.vector_load %arg9[%get3A_1049, %get3A_1050] {strides = array<i32>} : memref<32x64xf32, #tpu.memory_space<vmem>>, vector<1x16xf32>,
    %get3A_1052 = vector.shape_cast %get3A_1051 : vector<1x16xf32> to vector<16xf32>
    %get3A_1053 = arith.constant 15 : i32
    %get3A_1054 = arith.index_cast %get3A_1053 : i32 to index
    %get3A_1055 = arith.constant 16 : index
    %get3A_1056 = tpu.vector_load %arg10[%get3A_1054, %get3A_1055] {strides = array<i32>} : memref<32x64xf32, #tpu.memory_space<vmem>>, vector<1x16xf32>,
    %get3A_1057 = vector.shape_cast %get3A_1056 : vector<1x16xf32> to vector<16xf32>
    %add3A_1058 = arith.addf %get3A_1052, %get3A_1057 : vector<16xf32>
    %swap3A_1059 = arith.constant 15 : i32
    %swap3A_1060 = arith.index_cast %swap3A_1059 : i32 to index
    %swap3A_1061 = arith.constant 16 : index
    %swap3A_1062 = tpu.vector_load %arg9[%swap3A_1060, %swap3A_1061] {strides = array<i32>} : memref<32x64xf32, #tpu.memory_space<vmem>>, vector<1x16xf32>,
    %swap3A_1063 = vector.shape_cast %swap3A_1062 : vector<1x16xf32> to vector<16xf32>
    %swap3A_1064 = vector.shape_cast %add3A_1058 : vector<16xf32> to vector<1x16xf32>
    tpu.vector_store %arg9[%swap3A_1060, %swap3A_1061], %swap3A_1064 {strides = array<i32>} : memref<32x64xf32, #tpu.memory_space<vmem>>, vector<1x16xf32>,
    %get3A_1065 = arith.constant 15 : i32
    %get3A_1066 = arith.index_cast %get3A_1065 : i32 to index
    %get3A_1067 = arith.constant 32 : index
    %get3A_1068 = tpu.vector_load %arg9[%get3A_1066, %get3A_1067] {strides = array<i32>} : memref<32x64xf32, #tpu.memory_space<vmem>>, vector<1x16xf32>,
    %get3A_1069 = vector.shape_cast %get3A_1068 : vector<1x16xf32> to vector<16xf32>
    %get3A_1070 = arith.constant 15 : i32
    %get3A_1071 = arith.index_cast %get3A_1070 : i32 to index
    %get3A_1072 = arith.constant 32 : index
    %get3A_1073 = tpu.vector_load %arg10[%get3A_1071, %get3A_1072] {strides = array<i32>} : memref<32x64xf32, #tpu.memory_space<vmem>>, vector<1x16xf32>,
    %get3A_1074 = vector.shape_cast %get3A_1073 : vector<1x16xf32> to vector<16xf32>
    %add3A_1075 = arith.addf %get3A_1069, %get3A_1074 : vector<16xf32>
    %swap3A_1076 = arith.constant 15 : i32
    %swap3A_1077 = arith.index_cast %swap3A_1076 : i32 to index
    %swap3A_1078 = arith.constant 32 : index
    %swap3A_1079 = tpu.vector_load %arg9[%swap3A_1077, %swap3A_1078] {strides = array<i32>} : memref<32x64xf32, #tpu.memory_space<vmem>>, vector<1x16xf32>,
    %swap3A_1080 = vector.shape_cast %swap3A_1079 : vector<1x16xf32> to vector<16xf32>
    %swap3A_1081 = vector.shape_cast %add3A_1075 : vector<16xf32> to vector<1x16xf32>
    tpu.vector_store %arg9[%swap3A_1077, %swap3A_1078], %swap3A_1081 {strides = array<i32>} : memref<32x64xf32, #tpu.memory_space<vmem>>, vector<1x16xf32>,
    %get3A_1082 = arith.constant 15 : i32
    %get3A_1083 = arith.index_cast %get3A_1082 : i32 to index
    %get3A_1084 = arith.constant 48 : index
    %get3A_1085 = tpu.vector_load %arg9[%get3A_1083, %get3A_1084] {strides = array<i32>} : memref<32x64xf32, #tpu.memory_space<vmem>>, vector<1x16xf32>,
    %get3A_1086 = vector.shape_cast %get3A_1085 : vector<1x16xf32> to vector<16xf32>
    %get3A_1087 = arith.constant 15 : i32
    %get3A_1088 = arith.index_cast %get3A_1087 : i32 to index
    %get3A_1089 = arith.constant 48 : index
    %get3A_1090 = tpu.vector_load %arg10[%get3A_1088, %get3A_1089] {strides = array<i32>} : memref<32x64xf32, #tpu.memory_space<vmem>>, vector<1x16xf32>,
    %get3A_1091 = vector.shape_cast %get3A_1090 : vector<1x16xf32> to vector<16xf32>
    %add3A_1092 = arith.addf %get3A_1086, %get3A_1091 : vector<16xf32>
    %swap3A_1093 = arith.constant 15 : i32
    %swap3A_1094 = arith.index_cast %swap3A_1093 : i32 to index
    %swap3A_1095 = arith.constant 48 : index
    %swap3A_1096 = tpu.vector_load %arg9[%swap3A_1094, %swap3A_1095] {strides = array<i32>} : memref<32x64xf32, #tpu.memory_space<vmem>>, vector<1x16xf32>,
    %swap3A_1097 = vector.shape_cast %swap3A_1096 : vector<1x16xf32> to vector<16xf32>
    %swap3A_1098 = vector.shape_cast %add3A_1092 : vector<16xf32> to vector<1x16xf32>
    tpu.vector_store %arg9[%swap3A_1094, %swap3A_1095], %swap3A_1098 {strides = array<i32>} : memref<32x64xf32, #tpu.memory_space<vmem>>, vector<1x16xf32>,
    %get3A_1099 = arith.constant 16 : i32
    %get3A_1100 = arith.index_cast %get3A_1099 : i32 to index
    %get3A_1101 = arith.constant 0 : index
    %get3A_1102 = tpu.vector_load %arg9[%get3A_1100, %get3A_1101] {strides = array<i32>} : memref<32x64xf32, #tpu.memory_space<vmem>>, vector<1x16xf32>,
    %get3A_1103 = vector.shape_cast %get3A_1102 : vector<1x16xf32> to vector<16xf32>
    %get3A_1104 = arith.constant 16 : i32
    %get3A_1105 = arith.index_cast %get3A_1104 : i32 to index
    %get3A_1106 = arith.constant 0 : index
    %get3A_1107 = tpu.vector_load %arg10[%get3A_1105, %get3A_1106] {strides = array<i32>} : memref<32x64xf32, #tpu.memory_space<vmem>>, vector<1x16xf32>,
    %get3A_1108 = vector.shape_cast %get3A_1107 : vector<1x16xf32> to vector<16xf32>
    %add3A_1109 = arith.addf %get3A_1103, %get3A_1108 : vector<16xf32>
    %swap3A_1110 = arith.constant 16 : i32
    %swap3A_1111 = arith.index_cast %swap3A_1110 : i32 to index
    %swap3A_1112 = arith.constant 0 : index
    %swap3A_1113 = tpu.vector_load %arg9[%swap3A_1111, %swap3A_1112] {strides = array<i32>} : memref<32x64xf32, #tpu.memory_space<vmem>>, vector<1x16xf32>,
    %swap3A_1114 = vector.shape_cast %swap3A_1113 : vector<1x16xf32> to vector<16xf32>
    %swap3A_1115 = vector.shape_cast %add3A_1109 : vector<16xf32> to vector<1x16xf32>
    tpu.vector_store %arg9[%swap3A_1111, %swap3A_1112], %swap3A_1115 {strides = array<i32>} : memref<32x64xf32, #tpu.memory_space<vmem>>, vector<1x16xf32>,
    %get3A_1116 = arith.constant 16 : i32
    %get3A_1117 = arith.index_cast %get3A_1116 : i32 to index
    %get3A_1118 = arith.constant 16 : index
    %get3A_1119 = tpu.vector_load %arg9[%get3A_1117, %get3A_1118] {strides = array<i32>} : memref<32x64xf32, #tpu.memory_space<vmem>>, vector<1x16xf32>,
    %get3A_1120 = vector.shape_cast %get3A_1119 : vector<1x16xf32> to vector<16xf32>
    %get3A_1121 = arith.constant 16 : i32
    %get3A_1122 = arith.index_cast %get3A_1121 : i32 to index
    %get3A_1123 = arith.constant 16 : index
    %get3A_1124 = tpu.vector_load %arg10[%get3A_1122, %get3A_1123] {strides = array<i32>} : memref<32x64xf32, #tpu.memory_space<vmem>>, vector<1x16xf32>,
    %get3A_1125 = vector.shape_cast %get3A_1124 : vector<1x16xf32> to vector<16xf32>
    %add3A_1126 = arith.addf %get3A_1120, %get3A_1125 : vector<16xf32>
    %swap3A_1127 = arith.constant 16 : i32
    %swap3A_1128 = arith.index_cast %swap3A_1127 : i32 to index
    %swap3A_1129 = arith.constant 16 : index
    %swap3A_1130 = tpu.vector_load %arg9[%swap3A_1128, %swap3A_1129] {strides = array<i32>} : memref<32x64xf32, #tpu.memory_space<vmem>>, vector<1x16xf32>,
    %swap3A_1131 = vector.shape_cast %swap3A_1130 : vector<1x16xf32> to vector<16xf32>
    %swap3A_1132 = vector.shape_cast %add3A_1126 : vector<16xf32> to vector<1x16xf32>
    tpu.vector_store %arg9[%swap3A_1128, %swap3A_1129], %swap3A_1132 {strides = array<i32>} : memref<32x64xf32, #tpu.memory_space<vmem>>, vector<1x16xf32>,
    %get3A_1133 = arith.constant 16 : i32
    %get3A_1134 = arith.index_cast %get3A_1133 : i32 to index
    %get3A_1135 = arith.constant 32 : index
    %get3A_1136 = tpu.vector_load %arg9[%get3A_1134, %get3A_1135] {strides = array<i32>} : memref<32x64xf32, #tpu.memory_space<vmem>>, vector<1x16xf32>,
    %get3A_1137 = vector.shape_cast %get3A_1136 : vector<1x16xf32> to vector<16xf32>
    %get3A_1138 = arith.constant 16 : i32
    %get3A_1139 = arith.index_cast %get3A_1138 : i32 to index
    %get3A_1140 = arith.constant 32 : index
    %get3A_1141 = tpu.vector_load %arg10[%get3A_1139, %get3A_1140] {strides = array<i32>} : memref<32x64xf32, #tpu.memory_space<vmem>>, vector<1x16xf32>,
    %get3A_1142 = vector.shape_cast %get3A_1141 : vector<1x16xf32> to vector<16xf32>
    %add3A_1143 = arith.addf %get3A_1137, %get3A_1142 : vector<16xf32>
    %swap3A_1144 = arith.constant 16 : i32
    %swap3A_1145 = arith.index_cast %swap3A_1144 : i32 to index
    %swap3A_1146 = arith.constant 32 : index
    %swap3A_1147 = tpu.vector_load %arg9[%swap3A_1145, %swap3A_1146] {strides = array<i32>} : memref<32x64xf32, #tpu.memory_space<vmem>>, vector<1x16xf32>,
    %swap3A_1148 = vector.shape_cast %swap3A_1147 : vector<1x16xf32> to vector<16xf32>
    %swap3A_1149 = vector.shape_cast %add3A_1143 : vector<16xf32> to vector<1x16xf32>
    tpu.vector_store %arg9[%swap3A_1145, %swap3A_1146], %swap3A_1149 {strides = array<i32>} : memref<32x64xf32, #tpu.memory_space<vmem>>, vector<1x16xf32>,
    %get3A_1150 = arith.constant 16 : i32
    %get3A_1151 = arith.index_cast %get3A_1150 : i32 to index
    %get3A_1152 = arith.constant 48 : index
    %get3A_1153 = tpu.vector_load %arg9[%get3A_1151, %get3A_1152] {strides = array<i32>} : memref<32x64xf32, #tpu.memory_space<vmem>>, vector<1x16xf32>,
    %get3A_1154 = vector.shape_cast %get3A_1153 : vector<1x16xf32> to vector<16xf32>
    %get3A_1155 = arith.constant 16 : i32
    %get3A_1156 = arith.index_cast %get3A_1155 : i32 to index
    %get3A_1157 = arith.constant 48 : index
    %get3A_1158 = tpu.vector_load %arg10[%get3A_1156, %get3A_1157] {strides = array<i32>} : memref<32x64xf32, #tpu.memory_space<vmem>>, vector<1x16xf32>,
    %get3A_1159 = vector.shape_cast %get3A_1158 : vector<1x16xf32> to vector<16xf32>
    %add3A_1160 = arith.addf %get3A_1154, %get3A_1159 : vector<16xf32>
    %swap3A_1161 = arith.constant 16 : i32
    %swap3A_1162 = arith.index_cast %swap3A_1161 : i32 to index
    %swap3A_1163 = arith.constant 48 : index
    %swap3A_1164 = tpu.vector_load %arg9[%swap3A_1162, %swap3A_1163] {strides = array<i32>} : memref<32x64xf32, #tpu.memory_space<vmem>>, vector<1x16xf32>,
    %swap3A_1165 = vector.shape_cast %swap3A_1164 : vector<1x16xf32> to vector<16xf32>
    %swap3A_1166 = vector.shape_cast %add3A_1160 : vector<16xf32> to vector<1x16xf32>
    tpu.vector_store %arg9[%swap3A_1162, %swap3A_1163], %swap3A_1166 {strides = array<i32>} : memref<32x64xf32, #tpu.memory_space<vmem>>, vector<1x16xf32>,
    %get3A_1167 = arith.constant 17 : i32
    %get3A_1168 = arith.index_cast %get3A_1167 : i32 to index
    %get3A_1169 = arith.constant 0 : index
    %get3A_1170 = tpu.vector_load %arg9[%get3A_1168, %get3A_1169] {strides = array<i32>} : memref<32x64xf32, #tpu.memory_space<vmem>>, vector<1x16xf32>,
    %get3A_1171 = vector.shape_cast %get3A_1170 : vector<1x16xf32> to vector<16xf32>
    %get3A_1172 = arith.constant 17 : i32
    %get3A_1173 = arith.index_cast %get3A_1172 : i32 to index
    %get3A_1174 = arith.constant 0 : index
    %get3A_1175 = tpu.vector_load %arg10[%get3A_1173, %get3A_1174] {strides = array<i32>} : memref<32x64xf32, #tpu.memory_space<vmem>>, vector<1x16xf32>,
    %get3A_1176 = vector.shape_cast %get3A_1175 : vector<1x16xf32> to vector<16xf32>
    %add3A_1177 = arith.addf %get3A_1171, %get3A_1176 : vector<16xf32>
    %swap3A_1178 = arith.constant 17 : i32
    %swap3A_1179 = arith.index_cast %swap3A_1178 : i32 to index
    %swap3A_1180 = arith.constant 0 : index
    %swap3A_1181 = tpu.vector_load %arg9[%swap3A_1179, %swap3A_1180] {strides = array<i32>} : memref<32x64xf32, #tpu.memory_space<vmem>>, vector<1x16xf32>,
    %swap3A_1182 = vector.shape_cast %swap3A_1181 : vector<1x16xf32> to vector<16xf32>
    %swap3A_1183 = vector.shape_cast %add3A_1177 : vector<16xf32> to vector<1x16xf32>
    tpu.vector_store %arg9[%swap3A_1179, %swap3A_1180], %swap3A_1183 {strides = array<i32>} : memref<32x64xf32, #tpu.memory_space<vmem>>, vector<1x16xf32>,
    %get3A_1184 = arith.constant 17 : i32
    %get3A_1185 = arith.index_cast %get3A_1184 : i32 to index
    %get3A_1186 = arith.constant 16 : index
    %get3A_1187 = tpu.vector_load %arg9[%get3A_1185, %get3A_1186] {strides = array<i32>} : memref<32x64xf32, #tpu.memory_space<vmem>>, vector<1x16xf32>,
    %get3A_1188 = vector.shape_cast %get3A_1187 : vector<1x16xf32> to vector<16xf32>
    %get3A_1189 = arith.constant 17 : i32
    %get3A_1190 = arith.index_cast %get3A_1189 : i32 to index
    %get3A_1191 = arith.constant 16 : index
    %get3A_1192 = tpu.vector_load %arg10[%get3A_1190, %get3A_1191] {strides = array<i32>} : memref<32x64xf32, #tpu.memory_space<vmem>>, vector<1x16xf32>,
    %get3A_1193 = vector.shape_cast %get3A_1192 : vector<1x16xf32> to vector<16xf32>
    %add3A_1194 = arith.addf %get3A_1188, %get3A_1193 : vector<16xf32>
    %swap3A_1195 = arith.constant 17 : i32
    %swap3A_1196 = arith.index_cast %swap3A_1195 : i32 to index
    %swap3A_1197 = arith.constant 16 : index
    %swap3A_1198 = tpu.vector_load %arg9[%swap3A_1196, %swap3A_1197] {strides = array<i32>} : memref<32x64xf32, #tpu.memory_space<vmem>>, vector<1x16xf32>,
    %swap3A_1199 = vector.shape_cast %swap3A_1198 : vector<1x16xf32> to vector<16xf32>
    %swap3A_1200 = vector.shape_cast %add3A_1194 : vector<16xf32> to vector<1x16xf32>
    tpu.vector_store %arg9[%swap3A_1196, %swap3A_1197], %swap3A_1200 {strides = array<i32>} : memref<32x64xf32, #tpu.memory_space<vmem>>, vector<1x16xf32>,
    %get3A_1201 = arith.constant 17 : i32
    %get3A_1202 = arith.index_cast %get3A_1201 : i32 to index
    %get3A_1203 = arith.constant 32 : index
    %get3A_1204 = tpu.vector_load %arg9[%get3A_1202, %get3A_1203] {strides = array<i32>} : memref<32x64xf32, #tpu.memory_space<vmem>>, vector<1x16xf32>,
    %get3A_1205 = vector.shape_cast %get3A_1204 : vector<1x16xf32> to vector<16xf32>
    %get3A_1206 = arith.constant 17 : i32
    %get3A_1207 = arith.index_cast %get3A_1206 : i32 to index
    %get3A_1208 = arith.constant 32 : index
    %get3A_1209 = tpu.vector_load %arg10[%get3A_1207, %get3A_1208] {strides = array<i32>} : memref<32x64xf32, #tpu.memory_space<vmem>>, vector<1x16xf32>,
    %get3A_1210 = vector.shape_cast %get3A_1209 : vector<1x16xf32> to vector<16xf32>
    %add3A_1211 = arith.addf %get3A_1205, %get3A_1210 : vector<16xf32>
    %swap3A_1212 = arith.constant 17 : i32
    %swap3A_1213 = arith.index_cast %swap3A_1212 : i32 to index
    %swap3A_1214 = arith.constant 32 : index
    %swap3A_1215 = tpu.vector_load %arg9[%swap3A_1213, %swap3A_1214] {strides = array<i32>} : memref<32x64xf32, #tpu.memory_space<vmem>>, vector<1x16xf32>,
    %swap3A_1216 = vector.shape_cast %swap3A_1215 : vector<1x16xf32> to vector<16xf32>
    %swap3A_1217 = vector.shape_cast %add3A_1211 : vector<16xf32> to vector<1x16xf32>
    tpu.vector_store %arg9[%swap3A_1213, %swap3A_1214], %swap3A_1217 {strides = array<i32>} : memref<32x64xf32, #tpu.memory_space<vmem>>, vector<1x16xf32>,
    %get3A_1218 = arith.constant 17 : i32
    %get3A_1219 = arith.index_cast %get3A_1218 : i32 to index
    %get3A_1220 = arith.constant 48 : index
    %get3A_1221 = tpu.vector_load %arg9[%get3A_1219, %get3A_1220] {strides = array<i32>} : memref<32x64xf32, #tpu.memory_space<vmem>>, vector<1x16xf32>,
    %get3A_1222 = vector.shape_cast %get3A_1221 : vector<1x16xf32> to vector<16xf32>
    %get3A_1223 = arith.constant 17 : i32
    %get3A_1224 = arith.index_cast %get3A_1223 : i32 to index
    %get3A_1225 = arith.constant 48 : index
    %get3A_1226 = tpu.vector_load %arg10[%get3A_1224, %get3A_1225] {strides = array<i32>} : memref<32x64xf32, #tpu.memory_space<vmem>>, vector<1x16xf32>,
    %get3A_1227 = vector.shape_cast %get3A_1226 : vector<1x16xf32> to vector<16xf32>
    %add3A_1228 = arith.addf %get3A_1222, %get3A_1227 : vector<16xf32>
    %swap3A_1229 = arith.constant 17 : i32
    %swap3A_1230 = arith.index_cast %swap3A_1229 : i32 to index
    %swap3A_1231 = arith.constant 48 : index
    %swap3A_1232 = tpu.vector_load %arg9[%swap3A_1230, %swap3A_1231] {strides = array<i32>} : memref<32x64xf32, #tpu.memory_space<vmem>>, vector<1x16xf32>,
    %swap3A_1233 = vector.shape_cast %swap3A_1232 : vector<1x16xf32> to vector<16xf32>
    %swap3A_1234 = vector.shape_cast %add3A_1228 : vector<16xf32> to vector<1x16xf32>
    tpu.vector_store %arg9[%swap3A_1230, %swap3A_1231], %swap3A_1234 {strides = array<i32>} : memref<32x64xf32, #tpu.memory_space<vmem>>, vector<1x16xf32>,
    %get3A_1235 = arith.constant 18 : i32
    %get3A_1236 = arith.index_cast %get3A_1235 : i32 to index
    %get3A_1237 = arith.constant 0 : index
    %get3A_1238 = tpu.vector_load %arg9[%get3A_1236, %get3A_1237] {strides = array<i32>} : memref<32x64xf32, #tpu.memory_space<vmem>>, vector<1x16xf32>,
    %get3A_1239 = vector.shape_cast %get3A_1238 : vector<1x16xf32> to vector<16xf32>
    %get3A_1240 = arith.constant 18 : i32
    %get3A_1241 = arith.index_cast %get3A_1240 : i32 to index
    %get3A_1242 = arith.constant 0 : index
    %get3A_1243 = tpu.vector_load %arg10[%get3A_1241, %get3A_1242] {strides = array<i32>} : memref<32x64xf32, #tpu.memory_space<vmem>>, vector<1x16xf32>,
    %get3A_1244 = vector.shape_cast %get3A_1243 : vector<1x16xf32> to vector<16xf32>
    %add3A_1245 = arith.addf %get3A_1239, %get3A_1244 : vector<16xf32>
    %swap3A_1246 = arith.constant 18 : i32
    %swap3A_1247 = arith.index_cast %swap3A_1246 : i32 to index
    %swap3A_1248 = arith.constant 0 : index
    %swap3A_1249 = tpu.vector_load %arg9[%swap3A_1247, %swap3A_1248] {strides = array<i32>} : memref<32x64xf32, #tpu.memory_space<vmem>>, vector<1x16xf32>,
    %swap3A_1250 = vector.shape_cast %swap3A_1249 : vector<1x16xf32> to vector<16xf32>
    %swap3A_1251 = vector.shape_cast %add3A_1245 : vector<16xf32> to vector<1x16xf32>
    tpu.vector_store %arg9[%swap3A_1247, %swap3A_1248], %swap3A_1251 {strides = array<i32>} : memref<32x64xf32, #tpu.memory_space<vmem>>, vector<1x16xf32>,
    %get3A_1252 = arith.constant 18 : i32
    %get3A_1253 = arith.index_cast %get3A_1252 : i32 to index
    %get3A_1254 = arith.constant 16 : index
    %get3A_1255 = tpu.vector_load %arg9[%get3A_1253, %get3A_1254] {strides = array<i32>} : memref<32x64xf32, #tpu.memory_space<vmem>>, vector<1x16xf32>,
    %get3A_1256 = vector.shape_cast %get3A_1255 : vector<1x16xf32> to vector<16xf32>
    %get3A_1257 = arith.constant 18 : i32
    %get3A_1258 = arith.index_cast %get3A_1257 : i32 to index
    %get3A_1259 = arith.constant 16 : index
    %get3A_1260 = tpu.vector_load %arg10[%get3A_1258, %get3A_1259] {strides = array<i32>} : memref<32x64xf32, #tpu.memory_space<vmem>>, vector<1x16xf32>,
    %get3A_1261 = vector.shape_cast %get3A_1260 : vector<1x16xf32> to vector<16xf32>
    %add3A_1262 = arith.addf %get3A_1256, %get3A_1261 : vector<16xf32>
    %swap3A_1263 = arith.constant 18 : i32
    %swap3A_1264 = arith.index_cast %swap3A_1263 : i32 to index
    %swap3A_1265 = arith.constant 16 : index
    %swap3A_1266 = tpu.vector_load %arg9[%swap3A_1264, %swap3A_1265] {strides = array<i32>} : memref<32x64xf32, #tpu.memory_space<vmem>>, vector<1x16xf32>,
    %swap3A_1267 = vector.shape_cast %swap3A_1266 : vector<1x16xf32> to vector<16xf32>
    %swap3A_1268 = vector.shape_cast %add3A_1262 : vector<16xf32> to vector<1x16xf32>
    tpu.vector_store %arg9[%swap3A_1264, %swap3A_1265], %swap3A_1268 {strides = array<i32>} : memref<32x64xf32, #tpu.memory_space<vmem>>, vector<1x16xf32>,
    %get3A_1269 = arith.constant 18 : i32
    %get3A_1270 = arith.index_cast %get3A_1269 : i32 to index
    %get3A_1271 = arith.constant 32 : index
    %get3A_1272 = tpu.vector_load %arg9[%get3A_1270, %get3A_1271] {strides = array<i32>} : memref<32x64xf32, #tpu.memory_space<vmem>>, vector<1x16xf32>,
    %get3A_1273 = vector.shape_cast %get3A_1272 : vector<1x16xf32> to vector<16xf32>
    %get3A_1274 = arith.constant 18 : i32
    %get3A_1275 = arith.index_cast %get3A_1274 : i32 to index
    %get3A_1276 = arith.constant 32 : index
    %get3A_1277 = tpu.vector_load %arg10[%get3A_1275, %get3A_1276] {strides = array<i32>} : memref<32x64xf32, #tpu.memory_space<vmem>>, vector<1x16xf32>,
    %get3A_1278 = vector.shape_cast %get3A_1277 : vector<1x16xf32> to vector<16xf32>
    %add3A_1279 = arith.addf %get3A_1273, %get3A_1278 : vector<16xf32>
    %swap3A_1280 = arith.constant 18 : i32
    %swap3A_1281 = arith.index_cast %swap3A_1280 : i32 to index
    %swap3A_1282 = arith.constant 32 : index
    %swap3A_1283 = tpu.vector_load %arg9[%swap3A_1281, %swap3A_1282] {strides = array<i32>} : memref<32x64xf32, #tpu.memory_space<vmem>>, vector<1x16xf32>,
    %swap3A_1284 = vector.shape_cast %swap3A_1283 : vector<1x16xf32> to vector<16xf32>
    %swap3A_1285 = vector.shape_cast %add3A_1279 : vector<16xf32> to vector<1x16xf32>
    tpu.vector_store %arg9[%swap3A_1281, %swap3A_1282], %swap3A_1285 {strides = array<i32>} : memref<32x64xf32, #tpu.memory_space<vmem>>, vector<1x16xf32>,
    %get3A_1286 = arith.constant 18 : i32
    %get3A_1287 = arith.index_cast %get3A_1286 : i32 to index
    %get3A_1288 = arith.constant 48 : index
    %get3A_1289 = tpu.vector_load %arg9[%get3A_1287, %get3A_1288] {strides = array<i32>} : memref<32x64xf32, #tpu.memory_space<vmem>>, vector<1x16xf32>,
    %get3A_1290 = vector.shape_cast %get3A_1289 : vector<1x16xf32> to vector<16xf32>
    %get3A_1291 = arith.constant 18 : i32
    %get3A_1292 = arith.index_cast %get3A_1291 : i32 to index
    %get3A_1293 = arith.constant 48 : index
    %get3A_1294 = tpu.vector_load %arg10[%get3A_1292, %get3A_1293] {strides = array<i32>} : memref<32x64xf32, #tpu.memory_space<vmem>>, vector<1x16xf32>,
    %get3A_1295 = vector.shape_cast %get3A_1294 : vector<1x16xf32> to vector<16xf32>
    %add3A_1296 = arith.addf %get3A_1290, %get3A_1295 : vector<16xf32>
    %swap3A_1297 = arith.constant 18 : i32
    %swap3A_1298 = arith.index_cast %swap3A_1297 : i32 to index
    %swap3A_1299 = arith.constant 48 : index
    %swap3A_1300 = tpu.vector_load %arg9[%swap3A_1298, %swap3A_1299] {strides = array<i32>} : memref<32x64xf32, #tpu.memory_space<vmem>>, vector<1x16xf32>,
    %swap3A_1301 = vector.shape_cast %swap3A_1300 : vector<1x16xf32> to vector<16xf32>
    %swap3A_1302 = vector.shape_cast %add3A_1296 : vector<16xf32> to vector<1x16xf32>
    tpu.vector_store %arg9[%swap3A_1298, %swap3A_1299], %swap3A_1302 {strides = array<i32>} : memref<32x64xf32, #tpu.memory_space<vmem>>, vector<1x16xf32>,
    %get3A_1303 = arith.constant 19 : i32
    %get3A_1304 = arith.index_cast %get3A_1303 : i32 to index
    %get3A_1305 = arith.constant 0 : index
    %get3A_1306 = tpu.vector_load %arg9[%get3A_1304, %get3A_1305] {strides = array<i32>} : memref<32x64xf32, #tpu.memory_space<vmem>>, vector<1x16xf32>,
    %get3A_1307 = vector.shape_cast %get3A_1306 : vector<1x16xf32> to vector<16xf32>
    %get3A_1308 = arith.constant 19 : i32
    %get3A_1309 = arith.index_cast %get3A_1308 : i32 to index
    %get3A_1310 = arith.constant 0 : index
    %get3A_1311 = tpu.vector_load %arg10[%get3A_1309, %get3A_1310] {strides = array<i32>} : memref<32x64xf32, #tpu.memory_space<vmem>>, vector<1x16xf32>,
    %get3A_1312 = vector.shape_cast %get3A_1311 : vector<1x16xf32> to vector<16xf32>
    %add3A_1313 = arith.addf %get3A_1307, %get3A_1312 : vector<16xf32>
    %swap3A_1314 = arith.constant 19 : i32
    %swap3A_1315 = arith.index_cast %swap3A_1314 : i32 to index
    %swap3A_1316 = arith.constant 0 : index
    %swap3A_1317 = tpu.vector_load %arg9[%swap3A_1315, %swap3A_1316] {strides = array<i32>} : memref<32x64xf32, #tpu.memory_space<vmem>>, vector<1x16xf32>,
    %swap3A_1318 = vector.shape_cast %swap3A_1317 : vector<1x16xf32> to vector<16xf32>
    %swap3A_1319 = vector.shape_cast %add3A_1313 : vector<16xf32> to vector<1x16xf32>
    tpu.vector_store %arg9[%swap3A_1315, %swap3A_1316], %swap3A_1319 {strides = array<i32>} : memref<32x64xf32, #tpu.memory_space<vmem>>, vector<1x16xf32>,
    %get3A_1320 = arith.constant 19 : i32
    %get3A_1321 = arith.index_cast %get3A_1320 : i32 to index
    %get3A_1322 = arith.constant 16 : index
    %get3A_1323 = tpu.vector_load %arg9[%get3A_1321, %get3A_1322] {strides = array<i32>} : memref<32x64xf32, #tpu.memory_space<vmem>>, vector<1x16xf32>,
    %get3A_1324 = vector.shape_cast %get3A_1323 : vector<1x16xf32> to vector<16xf32>
    %get3A_1325 = arith.constant 19 : i32
    %get3A_1326 = arith.index_cast %get3A_1325 : i32 to index
    %get3A_1327 = arith.constant 16 : index
    %get3A_1328 = tpu.vector_load %arg10[%get3A_1326, %get3A_1327] {strides = array<i32>} : memref<32x64xf32, #tpu.memory_space<vmem>>, vector<1x16xf32>,
    %get3A_1329 = vector.shape_cast %get3A_1328 : vector<1x16xf32> to vector<16xf32>
    %add3A_1330 = arith.addf %get3A_1324, %get3A_1329 : vector<16xf32>
    %swap3A_1331 = arith.constant 19 : i32
    %swap3A_1332 = arith.index_cast %swap3A_1331 : i32 to index
    %swap3A_1333 = arith.constant 16 : index
    %swap3A_1334 = tpu.vector_load %arg9[%swap3A_1332, %swap3A_1333] {strides = array<i32>} : memref<32x64xf32, #tpu.memory_space<vmem>>, vector<1x16xf32>,
    %swap3A_1335 = vector.shape_cast %swap3A_1334 : vector<1x16xf32> to vector<16xf32>
    %swap3A_1336 = vector.shape_cast %add3A_1330 : vector<16xf32> to vector<1x16xf32>
    tpu.vector_store %arg9[%swap3A_1332, %swap3A_1333], %swap3A_1336 {strides = array<i32>} : memref<32x64xf32, #tpu.memory_space<vmem>>, vector<1x16xf32>,
    %get3A_1337 = arith.constant 19 : i32
    %get3A_1338 = arith.index_cast %get3A_1337 : i32 to index
    %get3A_1339 = arith.constant 32 : index
    %get3A_1340 = tpu.vector_load %arg9[%get3A_1338, %get3A_1339] {strides = array<i32>} : memref<32x64xf32, #tpu.memory_space<vmem>>, vector<1x16xf32>,
    %get3A_1341 = vector.shape_cast %get3A_1340 : vector<1x16xf32> to vector<16xf32>
    %get3A_1342 = arith.constant 19 : i32
    %get3A_1343 = arith.index_cast %get3A_1342 : i32 to index
    %get3A_1344 = arith.constant 32 : index
    %get3A_1345 = tpu.vector_load %arg10[%get3A_1343, %get3A_1344] {strides = array<i32>} : memref<32x64xf32, #tpu.memory_space<vmem>>, vector<1x16xf32>,
    %get3A_1346 = vector.shape_cast %get3A_1345 : vector<1x16xf32> to vector<16xf32>
    %add3A_1347 = arith.addf %get3A_1341, %get3A_1346 : vector<16xf32>
    %swap3A_1348 = arith.constant 19 : i32
    %swap3A_1349 = arith.index_cast %swap3A_1348 : i32 to index
    %swap3A_1350 = arith.constant 32 : index
    %swap3A_1351 = tpu.vector_load %arg9[%swap3A_1349, %swap3A_1350] {strides = array<i32>} : memref<32x64xf32, #tpu.memory_space<vmem>>, vector<1x16xf32>,
    %swap3A_1352 = vector.shape_cast %swap3A_1351 : vector<1x16xf32> to vector<16xf32>
    %swap3A_1353 = vector.shape_cast %add3A_1347 : vector<16xf32> to vector<1x16xf32>
    tpu.vector_store %arg9[%swap3A_1349, %swap3A_1350], %swap3A_1353 {strides = array<i32>} : memref<32x64xf32, #tpu.memory_space<vmem>>, vector<1x16xf32>,
    %get3A_1354 = arith.constant 19 : i32
    %get3A_1355 = arith.index_cast %get3A_1354 : i32 to index
    %get3A_1356 = arith.constant 48 : index
    %get3A_1357 = tpu.vector_load %arg9[%get3A_1355, %get3A_1356] {strides = array<i32>} : memref<32x64xf32, #tpu.memory_space<vmem>>, vector<1x16xf32>,
    %get3A_1358 = vector.shape_cast %get3A_1357 : vector<1x16xf32> to vector<16xf32>
    %get3A_1359 = arith.constant 19 : i32
    %get3A_1360 = arith.index_cast %get3A_1359 : i32 to index
    %get3A_1361 = arith.constant 48 : index
    %get3A_1362 = tpu.vector_load %arg10[%get3A_1360, %get3A_1361] {strides = array<i32>} : memref<32x64xf32, #tpu.memory_space<vmem>>, vector<1x16xf32>,
    %get3A_1363 = vector.shape_cast %get3A_1362 : vector<1x16xf32> to vector<16xf32>
    %add3A_1364 = arith.addf %get3A_1358, %get3A_1363 : vector<16xf32>
    %swap3A_1365 = arith.constant 19 : i32
    %swap3A_1366 = arith.index_cast %swap3A_1365 : i32 to index
    %swap3A_1367 = arith.constant 48 : index
    %swap3A_1368 = tpu.vector_load %arg9[%swap3A_1366, %swap3A_1367] {strides = array<i32>} : memref<32x64xf32, #tpu.memory_space<vmem>>, vector<1x16xf32>,
    %swap3A_1369 = vector.shape_cast %swap3A_1368 : vector<1x16xf32> to vector<16xf32>
    %swap3A_1370 = vector.shape_cast %add3A_1364 : vector<16xf32> to vector<1x16xf32>
    tpu.vector_store %arg9[%swap3A_1366, %swap3A_1367], %swap3A_1370 {strides = array<i32>} : memref<32x64xf32, #tpu.memory_space<vmem>>, vector<1x16xf32>,
    %get3A_1371 = arith.constant 20 : i32
    %get3A_1372 = arith.index_cast %get3A_1371 : i32 to index
    %get3A_1373 = arith.constant 0 : index
    %get3A_1374 = tpu.vector_load %arg9[%get3A_1372, %get3A_1373] {strides = array<i32>} : memref<32x64xf32, #tpu.memory_space<vmem>>, vector<1x16xf32>,
    %get3A_1375 = vector.shape_cast %get3A_1374 : vector<1x16xf32> to vector<16xf32>
    %get3A_1376 = arith.constant 20 : i32
    %get3A_1377 = arith.index_cast %get3A_1376 : i32 to index
    %get3A_1378 = arith.constant 0 : index
    %get3A_1379 = tpu.vector_load %arg10[%get3A_1377, %get3A_1378] {strides = array<i32>} : memref<32x64xf32, #tpu.memory_space<vmem>>, vector<1x16xf32>,
    %get3A_1380 = vector.shape_cast %get3A_1379 : vector<1x16xf32> to vector<16xf32>
    %add3A_1381 = arith.addf %get3A_1375, %get3A_1380 : vector<16xf32>
    %swap3A_1382 = arith.constant 20 : i32
    %swap3A_1383 = arith.index_cast %swap3A_1382 : i32 to index
    %swap3A_1384 = arith.constant 0 : index
    %swap3A_1385 = tpu.vector_load %arg9[%swap3A_1383, %swap3A_1384] {strides = array<i32>} : memref<32x64xf32, #tpu.memory_space<vmem>>, vector<1x16xf32>,
    %swap3A_1386 = vector.shape_cast %swap3A_1385 : vector<1x16xf32> to vector<16xf32>
    %swap3A_1387 = vector.shape_cast %add3A_1381 : vector<16xf32> to vector<1x16xf32>
    tpu.vector_store %arg9[%swap3A_1383, %swap3A_1384], %swap3A_1387 {strides = array<i32>} : memref<32x64xf32, #tpu.memory_space<vmem>>, vector<1x16xf32>,
    %get3A_1388 = arith.constant 20 : i32
    %get3A_1389 = arith.index_cast %get3A_1388 : i32 to index
    %get3A_1390 = arith.constant 16 : index
    %get3A_1391 = tpu.vector_load %arg9[%get3A_1389, %get3A_1390] {strides = array<i32>} : memref<32x64xf32, #tpu.memory_space<vmem>>, vector<1x16xf32>,
    %get3A_1392 = vector.shape_cast %get3A_1391 : vector<1x16xf32> to vector<16xf32>
    %get3A_1393 = arith.constant 20 : i32
    %get3A_1394 = arith.index_cast %get3A_1393 : i32 to index
    %get3A_1395 = arith.constant 16 : index
    %get3A_1396 = tpu.vector_load %arg10[%get3A_1394, %get3A_1395] {strides = array<i32>} : memref<32x64xf32, #tpu.memory_space<vmem>>, vector<1x16xf32>,
    %get3A_1397 = vector.shape_cast %get3A_1396 : vector<1x16xf32> to vector<16xf32>
    %add3A_1398 = arith.addf %get3A_1392, %get3A_1397 : vector<16xf32>
    %swap3A_1399 = arith.constant 20 : i32
    %swap3A_1400 = arith.index_cast %swap3A_1399 : i32 to index
    %swap3A_1401 = arith.constant 16 : index
    %swap3A_1402 = tpu.vector_load %arg9[%swap3A_1400, %swap3A_1401] {strides = array<i32>} : memref<32x64xf32, #tpu.memory_space<vmem>>, vector<1x16xf32>,
    %swap3A_1403 = vector.shape_cast %swap3A_1402 : vector<1x16xf32> to vector<16xf32>
    %swap3A_1404 = vector.shape_cast %add3A_1398 : vector<16xf32> to vector<1x16xf32>
    tpu.vector_store %arg9[%swap3A_1400, %swap3A_1401], %swap3A_1404 {strides = array<i32>} : memref<32x64xf32, #tpu.memory_space<vmem>>, vector<1x16xf32>,
    %get3A_1405 = arith.constant 20 : i32
    %get3A_1406 = arith.index_cast %get3A_1405 : i32 to index
    %get3A_1407 = arith.constant 32 : index
    %get3A_1408 = tpu.vector_load %arg9[%get3A_1406, %get3A_1407] {strides = array<i32>} : memref<32x64xf32, #tpu.memory_space<vmem>>, vector<1x16xf32>,
    %get3A_1409 = vector.shape_cast %get3A_1408 : vector<1x16xf32> to vector<16xf32>
    %get3A_1410 = arith.constant 20 : i32
    %get3A_1411 = arith.index_cast %get3A_1410 : i32 to index
    %get3A_1412 = arith.constant 32 : index
    %get3A_1413 = tpu.vector_load %arg10[%get3A_1411, %get3A_1412] {strides = array<i32>} : memref<32x64xf32, #tpu.memory_space<vmem>>, vector<1x16xf32>,
    %get3A_1414 = vector.shape_cast %get3A_1413 : vector<1x16xf32> to vector<16xf32>
    %add3A_1415 = arith.addf %get3A_1409, %get3A_1414 : vector<16xf32>
    %swap3A_1416 = arith.constant 20 : i32
    %swap3A_1417 = arith.index_cast %swap3A_1416 : i32 to index
    %swap3A_1418 = arith.constant 32 : index
    %swap3A_1419 = tpu.vector_load %arg9[%swap3A_1417, %swap3A_1418] {strides = array<i32>} : memref<32x64xf32, #tpu.memory_space<vmem>>, vector<1x16xf32>,
    %swap3A_1420 = vector.shape_cast %swap3A_1419 : vector<1x16xf32> to vector<16xf32>
    %swap3A_1421 = vector.shape_cast %add3A_1415 : vector<16xf32> to vector<1x16xf32>
    tpu.vector_store %arg9[%swap3A_1417, %swap3A_1418], %swap3A_1421 {strides = array<i32>} : memref<32x64xf32, #tpu.memory_space<vmem>>, vector<1x16xf32>,
    %get3A_1422 = arith.constant 20 : i32
    %get3A_1423 = arith.index_cast %get3A_1422 : i32 to index
    %get3A_1424 = arith.constant 48 : index
    %get3A_1425 = tpu.vector_load %arg9[%get3A_1423, %get3A_1424] {strides = array<i32>} : memref<32x64xf32, #tpu.memory_space<vmem>>, vector<1x16xf32>,
    %get3A_1426 = vector.shape_cast %get3A_1425 : vector<1x16xf32> to vector<16xf32>
    %get3A_1427 = arith.constant 20 : i32
    %get3A_1428 = arith.index_cast %get3A_1427 : i32 to index
    %get3A_1429 = arith.constant 48 : index
    %get3A_1430 = tpu.vector_load %arg10[%get3A_1428, %get3A_1429] {strides = array<i32>} : memref<32x64xf32, #tpu.memory_space<vmem>>, vector<1x16xf32>,
    %get3A_1431 = vector.shape_cast %get3A_1430 : vector<1x16xf32> to vector<16xf32>
    %add3A_1432 = arith.addf %get3A_1426, %get3A_1431 : vector<16xf32>
    %swap3A_1433 = arith.constant 20 : i32
    %swap3A_1434 = arith.index_cast %swap3A_1433 : i32 to index
    %swap3A_1435 = arith.constant 48 : index
    %swap3A_1436 = tpu.vector_load %arg9[%swap3A_1434, %swap3A_1435] {strides = array<i32>} : memref<32x64xf32, #tpu.memory_space<vmem>>, vector<1x16xf32>,
    %swap3A_1437 = vector.shape_cast %swap3A_1436 : vector<1x16xf32> to vector<16xf32>
    %swap3A_1438 = vector.shape_cast %add3A_1432 : vector<16xf32> to vector<1x16xf32>
    tpu.vector_store %arg9[%swap3A_1434, %swap3A_1435], %swap3A_1438 {strides = array<i32>} : memref<32x64xf32, #tpu.memory_space<vmem>>, vector<1x16xf32>,
    %get3A_1439 = arith.constant 21 : i32
    %get3A_1440 = arith.index_cast %get3A_1439 : i32 to index
    %get3A_1441 = arith.constant 0 : index
    %get3A_1442 = tpu.vector_load %arg9[%get3A_1440, %get3A_1441] {strides = array<i32>} : memref<32x64xf32, #tpu.memory_space<vmem>>, vector<1x16xf32>,
    %get3A_1443 = vector.shape_cast %get3A_1442 : vector<1x16xf32> to vector<16xf32>
    %get3A_1444 = arith.constant 21 : i32
    %get3A_1445 = arith.index_cast %get3A_1444 : i32 to index
    %get3A_1446 = arith.constant 0 : index
    %get3A_1447 = tpu.vector_load %arg10[%get3A_1445, %get3A_1446] {strides = array<i32>} : memref<32x64xf32, #tpu.memory_space<vmem>>, vector<1x16xf32>,
    %get3A_1448 = vector.shape_cast %get3A_1447 : vector<1x16xf32> to vector<16xf32>
    %add3A_1449 = arith.addf %get3A_1443, %get3A_1448 : vector<16xf32>
    %swap3A_1450 = arith.constant 21 : i32
    %swap3A_1451 = arith.index_cast %swap3A_1450 : i32 to index
    %swap3A_1452 = arith.constant 0 : index
    %swap3A_1453 = tpu.vector_load %arg9[%swap3A_1451, %swap3A_1452] {strides = array<i32>} : memref<32x64xf32, #tpu.memory_space<vmem>>, vector<1x16xf32>,
    %swap3A_1454 = vector.shape_cast %swap3A_1453 : vector<1x16xf32> to vector<16xf32>
    %swap3A_1455 = vector.shape_cast %add3A_1449 : vector<16xf32> to vector<1x16xf32>
    tpu.vector_store %arg9[%swap3A_1451, %swap3A_1452], %swap3A_1455 {strides = array<i32>} : memref<32x64xf32, #tpu.memory_space<vmem>>, vector<1x16xf32>,
    %get3A_1456 = arith.constant 21 : i32
    %get3A_1457 = arith.index_cast %get3A_1456 : i32 to index
    %get3A_1458 = arith.constant 16 : index
    %get3A_1459 = tpu.vector_load %arg9[%get3A_1457, %get3A_1458] {strides = array<i32>} : memref<32x64xf32, #tpu.memory_space<vmem>>, vector<1x16xf32>,
    %get3A_1460 = vector.shape_cast %get3A_1459 : vector<1x16xf32> to vector<16xf32>
    %get3A_1461 = arith.constant 21 : i32
    %get3A_1462 = arith.index_cast %get3A_1461 : i32 to index
    %get3A_1463 = arith.constant 16 : index
    %get3A_1464 = tpu.vector_load %arg10[%get3A_1462, %get3A_1463] {strides = array<i32>} : memref<32x64xf32, #tpu.memory_space<vmem>>, vector<1x16xf32>,
    %get3A_1465 = vector.shape_cast %get3A_1464 : vector<1x16xf32> to vector<16xf32>
    %add3A_1466 = arith.addf %get3A_1460, %get3A_1465 : vector<16xf32>
    %swap3A_1467 = arith.constant 21 : i32
    %swap3A_1468 = arith.index_cast %swap3A_1467 : i32 to index
    %swap3A_1469 = arith.constant 16 : index
    %swap3A_1470 = tpu.vector_load %arg9[%swap3A_1468, %swap3A_1469] {strides = array<i32>} : memref<32x64xf32, #tpu.memory_space<vmem>>, vector<1x16xf32>,
    %swap3A_1471 = vector.shape_cast %swap3A_1470 : vector<1x16xf32> to vector<16xf32>
    %swap3A_1472 = vector.shape_cast %add3A_1466 : vector<16xf32> to vector<1x16xf32>
    tpu.vector_store %arg9[%swap3A_1468, %swap3A_1469], %swap3A_1472 {strides = array<i32>} : memref<32x64xf32, #tpu.memory_space<vmem>>, vector<1x16xf32>,
    %get3A_1473 = arith.constant 21 : i32
    %get3A_1474 = arith.index_cast %get3A_1473 : i32 to index
    %get3A_1475 = arith.constant 32 : index
    %get3A_1476 = tpu.vector_load %arg9[%get3A_1474, %get3A_1475] {strides = array<i32>} : memref<32x64xf32, #tpu.memory_space<vmem>>, vector<1x16xf32>,
    %get3A_1477 = vector.shape_cast %get3A_1476 : vector<1x16xf32> to vector<16xf32>
    %get3A_1478 = arith.constant 21 : i32
    %get3A_1479 = arith.index_cast %get3A_1478 : i32 to index
    %get3A_1480 = arith.constant 32 : index
    %get3A_1481 = tpu.vector_load %arg10[%get3A_1479, %get3A_1480] {strides = array<i32>} : memref<32x64xf32, #tpu.memory_space<vmem>>, vector<1x16xf32>,
    %get3A_1482 = vector.shape_cast %get3A_1481 : vector<1x16xf32> to vector<16xf32>
    %add3A_1483 = arith.addf %get3A_1477, %get3A_1482 : vector<16xf32>
    %swap3A_1484 = arith.constant 21 : i32
    %swap3A_1485 = arith.index_cast %swap3A_1484 : i32 to index
    %swap3A_1486 = arith.constant 32 : index
    %swap3A_1487 = tpu.vector_load %arg9[%swap3A_1485, %swap3A_1486] {strides = array<i32>} : memref<32x64xf32, #tpu.memory_space<vmem>>, vector<1x16xf32>,
    %swap3A_1488 = vector.shape_cast %swap3A_1487 : vector<1x16xf32> to vector<16xf32>
    %swap3A_1489 = vector.shape_cast %add3A_1483 : vector<16xf32> to vector<1x16xf32>
    tpu.vector_store %arg9[%swap3A_1485, %swap3A_1486], %swap3A_1489 {strides = array<i32>} : memref<32x64xf32, #tpu.memory_space<vmem>>, vector<1x16xf32>,
    %get3A_1490 = arith.constant 21 : i32
    %get3A_1491 = arith.index_cast %get3A_1490 : i32 to index
    %get3A_1492 = arith.constant 48 : index
    %get3A_1493 = tpu.vector_load %arg9[%get3A_1491, %get3A_1492] {strides = array<i32>} : memref<32x64xf32, #tpu.memory_space<vmem>>, vector<1x16xf32>,
    %get3A_1494 = vector.shape_cast %get3A_1493 : vector<1x16xf32> to vector<16xf32>
    %get3A_1495 = arith.constant 21 : i32
    %get3A_1496 = arith.index_cast %get3A_1495 : i32 to index
    %get3A_1497 = arith.constant 48 : index
    %get3A_1498 = tpu.vector_load %arg10[%get3A_1496, %get3A_1497] {strides = array<i32>} : memref<32x64xf32, #tpu.memory_space<vmem>>, vector<1x16xf32>,
    %get3A_1499 = vector.shape_cast %get3A_1498 : vector<1x16xf32> to vector<16xf32>
    %add3A_1500 = arith.addf %get3A_1494, %get3A_1499 : vector<16xf32>
    %swap3A_1501 = arith.constant 21 : i32
    %swap3A_1502 = arith.index_cast %swap3A_1501 : i32 to index
    %swap3A_1503 = arith.constant 48 : index
    %swap3A_1504 = tpu.vector_load %arg9[%swap3A_1502, %swap3A_1503] {strides = array<i32>} : memref<32x64xf32, #tpu.memory_space<vmem>>, vector<1x16xf32>,
    %swap3A_1505 = vector.shape_cast %swap3A_1504 : vector<1x16xf32> to vector<16xf32>
    %swap3A_1506 = vector.shape_cast %add3A_1500 : vector<16xf32> to vector<1x16xf32>
    tpu.vector_store %arg9[%swap3A_1502, %swap3A_1503], %swap3A_1506 {strides = array<i32>} : memref<32x64xf32, #tpu.memory_space<vmem>>, vector<1x16xf32>,
    %get3A_1507 = arith.constant 22 : i32
    %get3A_1508 = arith.index_cast %get3A_1507 : i32 to index
    %get3A_1509 = arith.constant 0 : index
    %get3A_1510 = tpu.vector_load %arg9[%get3A_1508, %get3A_1509] {strides = array<i32>} : memref<32x64xf32, #tpu.memory_space<vmem>>, vector<1x16xf32>,
    %get3A_1511 = vector.shape_cast %get3A_1510 : vector<1x16xf32> to vector<16xf32>
    %get3A_1512 = arith.constant 22 : i32
    %get3A_1513 = arith.index_cast %get3A_1512 : i32 to index
    %get3A_1514 = arith.constant 0 : index
    %get3A_1515 = tpu.vector_load %arg10[%get3A_1513, %get3A_1514] {strides = array<i32>} : memref<32x64xf32, #tpu.memory_space<vmem>>, vector<1x16xf32>,
    %get3A_1516 = vector.shape_cast %get3A_1515 : vector<1x16xf32> to vector<16xf32>
    %add3A_1517 = arith.addf %get3A_1511, %get3A_1516 : vector<16xf32>
    %swap3A_1518 = arith.constant 22 : i32
    %swap3A_1519 = arith.index_cast %swap3A_1518 : i32 to index
    %swap3A_1520 = arith.constant 0 : index
    %swap3A_1521 = tpu.vector_load %arg9[%swap3A_1519, %swap3A_1520] {strides = array<i32>} : memref<32x64xf32, #tpu.memory_space<vmem>>, vector<1x16xf32>,
    %swap3A_1522 = vector.shape_cast %swap3A_1521 : vector<1x16xf32> to vector<16xf32>
    %swap3A_1523 = vector.shape_cast %add3A_1517 : vector<16xf32> to vector<1x16xf32>
    tpu.vector_store %arg9[%swap3A_1519, %swap3A_1520], %swap3A_1523 {strides = array<i32>} : memref<32x64xf32, #tpu.memory_space<vmem>>, vector<1x16xf32>,
    %get3A_1524 = arith.constant 22 : i32
    %get3A_1525 = arith.index_cast %get3A_1524 : i32 to index
    %get3A_1526 = arith.constant 16 : index
    %get3A_1527 = tpu.vector_load %arg9[%get3A_1525, %get3A_1526] {strides = array<i32>} : memref<32x64xf32, #tpu.memory_space<vmem>>, vector<1x16xf32>,
    %get3A_1528 = vector.shape_cast %get3A_1527 : vector<1x16xf32> to vector<16xf32>
    %get3A_1529 = arith.constant 22 : i32
    %get3A_1530 = arith.index_cast %get3A_1529 : i32 to index
    %get3A_1531 = arith.constant 16 : index
    %get3A_1532 = tpu.vector_load %arg10[%get3A_1530, %get3A_1531] {strides = array<i32>} : memref<32x64xf32, #tpu.memory_space<vmem>>, vector<1x16xf32>,
    %get3A_1533 = vector.shape_cast %get3A_1532 : vector<1x16xf32> to vector<16xf32>
    %add3A_1534 = arith.addf %get3A_1528, %get3A_1533 : vector<16xf32>
    %swap3A_1535 = arith.constant 22 : i32
    %swap3A_1536 = arith.index_cast %swap3A_1535 : i32 to index
    %swap3A_1537 = arith.constant 16 : index
    %swap3A_1538 = tpu.vector_load %arg9[%swap3A_1536, %swap3A_1537] {strides = array<i32>} : memref<32x64xf32, #tpu.memory_space<vmem>>, vector<1x16xf32>,
    %swap3A_1539 = vector.shape_cast %swap3A_1538 : vector<1x16xf32> to vector<16xf32>
    %swap3A_1540 = vector.shape_cast %add3A_1534 : vector<16xf32> to vector<1x16xf32>
    tpu.vector_store %arg9[%swap3A_1536, %swap3A_1537], %swap3A_1540 {strides = array<i32>} : memref<32x64xf32, #tpu.memory_space<vmem>>, vector<1x16xf32>,
    %get3A_1541 = arith.constant 22 : i32
    %get3A_1542 = arith.index_cast %get3A_1541 : i32 to index
    %get3A_1543 = arith.constant 32 : index
    %get3A_1544 = tpu.vector_load %arg9[%get3A_1542, %get3A_1543] {strides = array<i32>} : memref<32x64xf32, #tpu.memory_space<vmem>>, vector<1x16xf32>,
    %get3A_1545 = vector.shape_cast %get3A_1544 : vector<1x16xf32> to vector<16xf32>
    %get3A_1546 = arith.constant 22 : i32
    %get3A_1547 = arith.index_cast %get3A_1546 : i32 to index
    %get3A_1548 = arith.constant 32 : index
    %get3A_1549 = tpu.vector_load %arg10[%get3A_1547, %get3A_1548] {strides = array<i32>} : memref<32x64xf32, #tpu.memory_space<vmem>>, vector<1x16xf32>,
    %get3A_1550 = vector.shape_cast %get3A_1549 : vector<1x16xf32> to vector<16xf32>
    %add3A_1551 = arith.addf %get3A_1545, %get3A_1550 : vector<16xf32>
    %swap3A_1552 = arith.constant 22 : i32
    %swap3A_1553 = arith.index_cast %swap3A_1552 : i32 to index
    %swap3A_1554 = arith.constant 32 : index
    %swap3A_1555 = tpu.vector_load %arg9[%swap3A_1553, %swap3A_1554] {strides = array<i32>} : memref<32x64xf32, #tpu.memory_space<vmem>>, vector<1x16xf32>,
    %swap3A_1556 = vector.shape_cast %swap3A_1555 : vector<1x16xf32> to vector<16xf32>
    %swap3A_1557 = vector.shape_cast %add3A_1551 : vector<16xf32> to vector<1x16xf32>
    tpu.vector_store %arg9[%swap3A_1553, %swap3A_1554], %swap3A_1557 {strides = array<i32>} : memref<32x64xf32, #tpu.memory_space<vmem>>, vector<1x16xf32>,
    %get3A_1558 = arith.constant 22 : i32
    %get3A_1559 = arith.index_cast %get3A_1558 : i32 to index
    %get3A_1560 = arith.constant 48 : index
    %get3A_1561 = tpu.vector_load %arg9[%get3A_1559, %get3A_1560] {strides = array<i32>} : memref<32x64xf32, #tpu.memory_space<vmem>>, vector<1x16xf32>,
    %get3A_1562 = vector.shape_cast %get3A_1561 : vector<1x16xf32> to vector<16xf32>
    %get3A_1563 = arith.constant 22 : i32
    %get3A_1564 = arith.index_cast %get3A_1563 : i32 to index
    %get3A_1565 = arith.constant 48 : index
    %get3A_1566 = tpu.vector_load %arg10[%get3A_1564, %get3A_1565] {strides = array<i32>} : memref<32x64xf32, #tpu.memory_space<vmem>>, vector<1x16xf32>,
    %get3A_1567 = vector.shape_cast %get3A_1566 : vector<1x16xf32> to vector<16xf32>
    %add3A_1568 = arith.addf %get3A_1562, %get3A_1567 : vector<16xf32>
    %swap3A_1569 = arith.constant 22 : i32
    %swap3A_1570 = arith.index_cast %swap3A_1569 : i32 to index
    %swap3A_1571 = arith.constant 48 : index
    %swap3A_1572 = tpu.vector_load %arg9[%swap3A_1570, %swap3A_1571] {strides = array<i32>} : memref<32x64xf32, #tpu.memory_space<vmem>>, vector<1x16xf32>,
    %swap3A_1573 = vector.shape_cast %swap3A_1572 : vector<1x16xf32> to vector<16xf32>
    %swap3A_1574 = vector.shape_cast %add3A_1568 : vector<16xf32> to vector<1x16xf32>
    tpu.vector_store %arg9[%swap3A_1570, %swap3A_1571], %swap3A_1574 {strides = array<i32>} : memref<32x64xf32, #tpu.memory_space<vmem>>, vector<1x16xf32>,
    %get3A_1575 = arith.constant 23 : i32
    %get3A_1576 = arith.index_cast %get3A_1575 : i32 to index
    %get3A_1577 = arith.constant 0 : index
    %get3A_1578 = tpu.vector_load %arg9[%get3A_1576, %get3A_1577] {strides = array<i32>} : memref<32x64xf32, #tpu.memory_space<vmem>>, vector<1x16xf32>,
    %get3A_1579 = vector.shape_cast %get3A_1578 : vector<1x16xf32> to vector<16xf32>
    %get3A_1580 = arith.constant 23 : i32
    %get3A_1581 = arith.index_cast %get3A_1580 : i32 to index
    %get3A_1582 = arith.constant 0 : index
    %get3A_1583 = tpu.vector_load %arg10[%get3A_1581, %get3A_1582] {strides = array<i32>} : memref<32x64xf32, #tpu.memory_space<vmem>>, vector<1x16xf32>,
    %get3A_1584 = vector.shape_cast %get3A_1583 : vector<1x16xf32> to vector<16xf32>
    %add3A_1585 = arith.addf %get3A_1579, %get3A_1584 : vector<16xf32>
    %swap3A_1586 = arith.constant 23 : i32
    %swap3A_1587 = arith.index_cast %swap3A_1586 : i32 to index
    %swap3A_1588 = arith.constant 0 : index
    %swap3A_1589 = tpu.vector_load %arg9[%swap3A_1587, %swap3A_1588] {strides = array<i32>} : memref<32x64xf32, #tpu.memory_space<vmem>>, vector<1x16xf32>,
    %swap3A_1590 = vector.shape_cast %swap3A_1589 : vector<1x16xf32> to vector<16xf32>
    %swap3A_1591 = vector.shape_cast %add3A_1585 : vector<16xf32> to vector<1x16xf32>
    tpu.vector_store %arg9[%swap3A_1587, %swap3A_1588], %swap3A_1591 {strides = array<i32>} : memref<32x64xf32, #tpu.memory_space<vmem>>, vector<1x16xf32>,
    %get3A_1592 = arith.constant 23 : i32
    %get3A_1593 = arith.index_cast %get3A_1592 : i32 to index
    %get3A_1594 = arith.constant 16 : index
    %get3A_1595 = tpu.vector_load %arg9[%get3A_1593, %get3A_1594] {strides = array<i32>} : memref<32x64xf32, #tpu.memory_space<vmem>>, vector<1x16xf32>,
    %get3A_1596 = vector.shape_cast %get3A_1595 : vector<1x16xf32> to vector<16xf32>
    %get3A_1597 = arith.constant 23 : i32
    %get3A_1598 = arith.index_cast %get3A_1597 : i32 to index
    %get3A_1599 = arith.constant 16 : index
    %get3A_1600 = tpu.vector_load %arg10[%get3A_1598, %get3A_1599] {strides = array<i32>} : memref<32x64xf32, #tpu.memory_space<vmem>>, vector<1x16xf32>,
    %get3A_1601 = vector.shape_cast %get3A_1600 : vector<1x16xf32> to vector<16xf32>
    %add3A_1602 = arith.addf %get3A_1596, %get3A_1601 : vector<16xf32>
    %swap3A_1603 = arith.constant 23 : i32
    %swap3A_1604 = arith.index_cast %swap3A_1603 : i32 to index
    %swap3A_1605 = arith.constant 16 : index
    %swap3A_1606 = tpu.vector_load %arg9[%swap3A_1604, %swap3A_1605] {strides = array<i32>} : memref<32x64xf32, #tpu.memory_space<vmem>>, vector<1x16xf32>,
    %swap3A_1607 = vector.shape_cast %swap3A_1606 : vector<1x16xf32> to vector<16xf32>
    %swap3A_1608 = vector.shape_cast %add3A_1602 : vector<16xf32> to vector<1x16xf32>
    tpu.vector_store %arg9[%swap3A_1604, %swap3A_1605], %swap3A_1608 {strides = array<i32>} : memref<32x64xf32, #tpu.memory_space<vmem>>, vector<1x16xf32>,
    %get3A_1609 = arith.constant 23 : i32
    %get3A_1610 = arith.index_cast %get3A_1609 : i32 to index
    %get3A_1611 = arith.constant 32 : index
    %get3A_1612 = tpu.vector_load %arg9[%get3A_1610, %get3A_1611] {strides = array<i32>} : memref<32x64xf32, #tpu.memory_space<vmem>>, vector<1x16xf32>,
    %get3A_1613 = vector.shape_cast %get3A_1612 : vector<1x16xf32> to vector<16xf32>
    %get3A_1614 = arith.constant 23 : i32
    %get3A_1615 = arith.index_cast %get3A_1614 : i32 to index
    %get3A_1616 = arith.constant 32 : index
    %get3A_1617 = tpu.vector_load %arg10[%get3A_1615, %get3A_1616] {strides = array<i32>} : memref<32x64xf32, #tpu.memory_space<vmem>>, vector<1x16xf32>,
    %get3A_1618 = vector.shape_cast %get3A_1617 : vector<1x16xf32> to vector<16xf32>
    %add3A_1619 = arith.addf %get3A_1613, %get3A_1618 : vector<16xf32>
    %swap3A_1620 = arith.constant 23 : i32
    %swap3A_1621 = arith.index_cast %swap3A_1620 : i32 to index
    %swap3A_1622 = arith.constant 32 : index
    %swap3A_1623 = tpu.vector_load %arg9[%swap3A_1621, %swap3A_1622] {strides = array<i32>} : memref<32x64xf32, #tpu.memory_space<vmem>>, vector<1x16xf32>,
    %swap3A_1624 = vector.shape_cast %swap3A_1623 : vector<1x16xf32> to vector<16xf32>
    %swap3A_1625 = vector.shape_cast %add3A_1619 : vector<16xf32> to vector<1x16xf32>
    tpu.vector_store %arg9[%swap3A_1621, %swap3A_1622], %swap3A_1625 {strides = array<i32>} : memref<32x64xf32, #tpu.memory_space<vmem>>, vector<1x16xf32>,
    %get3A_1626 = arith.constant 23 : i32
    %get3A_1627 = arith.index_cast %get3A_1626 : i32 to index
    %get3A_1628 = arith.constant 48 : index
    %get3A_1629 = tpu.vector_load %arg9[%get3A_1627, %get3A_1628] {strides = array<i32>} : memref<32x64xf32, #tpu.memory_space<vmem>>, vector<1x16xf32>,
    %get3A_1630 = vector.shape_cast %get3A_1629 : vector<1x16xf32> to vector<16xf32>
    %get3A_1631 = arith.constant 23 : i32
    %get3A_1632 = arith.index_cast %get3A_1631 : i32 to index
    %get3A_1633 = arith.constant 48 : index
    %get3A_1634 = tpu.vector_load %arg10[%get3A_1632, %get3A_1633] {strides = array<i32>} : memref<32x64xf32, #tpu.memory_space<vmem>>, vector<1x16xf32>,
    %get3A_1635 = vector.shape_cast %get3A_1634 : vector<1x16xf32> to vector<16xf32>
    %add3A_1636 = arith.addf %get3A_1630, %get3A_1635 : vector<16xf32>
    %swap3A_1637 = arith.constant 23 : i32
    %swap3A_1638 = arith.index_cast %swap3A_1637 : i32 to index
    %swap3A_1639 = arith.constant 48 : index
    %swap3A_1640 = tpu.vector_load %arg9[%swap3A_1638, %swap3A_1639] {strides = array<i32>} : memref<32x64xf32, #tpu.memory_space<vmem>>, vector<1x16xf32>,
    %swap3A_1641 = vector.shape_cast %swap3A_1640 : vector<1x16xf32> to vector<16xf32>
    %swap3A_1642 = vector.shape_cast %add3A_1636 : vector<16xf32> to vector<1x16xf32>
    tpu.vector_store %arg9[%swap3A_1638, %swap3A_1639], %swap3A_1642 {strides = array<i32>} : memref<32x64xf32, #tpu.memory_space<vmem>>, vector<1x16xf32>,
    %get3A_1643 = arith.constant 24 : i32
    %get3A_1644 = arith.index_cast %get3A_1643 : i32 to index
    %get3A_1645 = arith.constant 0 : index
    %get3A_1646 = tpu.vector_load %arg9[%get3A_1644, %get3A_1645] {strides = array<i32>} : memref<32x64xf32, #tpu.memory_space<vmem>>, vector<1x16xf32>,
    %get3A_1647 = vector.shape_cast %get3A_1646 : vector<1x16xf32> to vector<16xf32>
    %get3A_1648 = arith.constant 24 : i32
    %get3A_1649 = arith.index_cast %get3A_1648 : i32 to index
    %get3A_1650 = arith.constant 0 : index
    %get3A_1651 = tpu.vector_load %arg10[%get3A_1649, %get3A_1650] {strides = array<i32>} : memref<32x64xf32, #tpu.memory_space<vmem>>, vector<1x16xf32>,
    %get3A_1652 = vector.shape_cast %get3A_1651 : vector<1x16xf32> to vector<16xf32>
    %add3A_1653 = arith.addf %get3A_1647, %get3A_1652 : vector<16xf32>
    %swap3A_1654 = arith.constant 24 : i32
    %swap3A_1655 = arith.index_cast %swap3A_1654 : i32 to index
    %swap3A_1656 = arith.constant 0 : index
    %swap3A_1657 = tpu.vector_load %arg9[%swap3A_1655, %swap3A_1656] {strides = array<i32>} : memref<32x64xf32, #tpu.memory_space<vmem>>, vector<1x16xf32>,
    %swap3A_1658 = vector.shape_cast %swap3A_1657 : vector<1x16xf32> to vector<16xf32>
    %swap3A_1659 = vector.shape_cast %add3A_1653 : vector<16xf32> to vector<1x16xf32>
    tpu.vector_store %arg9[%swap3A_1655, %swap3A_1656], %swap3A_1659 {strides = array<i32>} : memref<32x64xf32, #tpu.memory_space<vmem>>, vector<1x16xf32>,
    %get3A_1660 = arith.constant 24 : i32
    %get3A_1661 = arith.index_cast %get3A_1660 : i32 to index
    %get3A_1662 = arith.constant 16 : index
    %get3A_1663 = tpu.vector_load %arg9[%get3A_1661, %get3A_1662] {strides = array<i32>} : memref<32x64xf32, #tpu.memory_space<vmem>>, vector<1x16xf32>,
    %get3A_1664 = vector.shape_cast %get3A_1663 : vector<1x16xf32> to vector<16xf32>
    %get3A_1665 = arith.constant 24 : i32
    %get3A_1666 = arith.index_cast %get3A_1665 : i32 to index
    %get3A_1667 = arith.constant 16 : index
    %get3A_1668 = tpu.vector_load %arg10[%get3A_1666, %get3A_1667] {strides = array<i32>} : memref<32x64xf32, #tpu.memory_space<vmem>>, vector<1x16xf32>,
    %get3A_1669 = vector.shape_cast %get3A_1668 : vector<1x16xf32> to vector<16xf32>
    %add3A_1670 = arith.addf %get3A_1664, %get3A_1669 : vector<16xf32>
    %swap3A_1671 = arith.constant 24 : i32
    %swap3A_1672 = arith.index_cast %swap3A_1671 : i32 to index
    %swap3A_1673 = arith.constant 16 : index
    %swap3A_1674 = tpu.vector_load %arg9[%swap3A_1672, %swap3A_1673] {strides = array<i32>} : memref<32x64xf32, #tpu.memory_space<vmem>>, vector<1x16xf32>,
    %swap3A_1675 = vector.shape_cast %swap3A_1674 : vector<1x16xf32> to vector<16xf32>
    %swap3A_1676 = vector.shape_cast %add3A_1670 : vector<16xf32> to vector<1x16xf32>
    tpu.vector_store %arg9[%swap3A_1672, %swap3A_1673], %swap3A_1676 {strides = array<i32>} : memref<32x64xf32, #tpu.memory_space<vmem>>, vector<1x16xf32>,
    %get3A_1677 = arith.constant 24 : i32
    %get3A_1678 = arith.index_cast %get3A_1677 : i32 to index
    %get3A_1679 = arith.constant 32 : index
    %get3A_1680 = tpu.vector_load %arg9[%get3A_1678, %get3A_1679] {strides = array<i32>} : memref<32x64xf32, #tpu.memory_space<vmem>>, vector<1x16xf32>,
    %get3A_1681 = vector.shape_cast %get3A_1680 : vector<1x16xf32> to vector<16xf32>
    %get3A_1682 = arith.constant 24 : i32
    %get3A_1683 = arith.index_cast %get3A_1682 : i32 to index
    %get3A_1684 = arith.constant 32 : index
    %get3A_1685 = tpu.vector_load %arg10[%get3A_1683, %get3A_1684] {strides = array<i32>} : memref<32x64xf32, #tpu.memory_space<vmem>>, vector<1x16xf32>,
    %get3A_1686 = vector.shape_cast %get3A_1685 : vector<1x16xf32> to vector<16xf32>
    %add3A_1687 = arith.addf %get3A_1681, %get3A_1686 : vector<16xf32>
    %swap3A_1688 = arith.constant 24 : i32
    %swap3A_1689 = arith.index_cast %swap3A_1688 : i32 to index
    %swap3A_1690 = arith.constant 32 : index
    %swap3A_1691 = tpu.vector_load %arg9[%swap3A_1689, %swap3A_1690] {strides = array<i32>} : memref<32x64xf32, #tpu.memory_space<vmem>>, vector<1x16xf32>,
    %swap3A_1692 = vector.shape_cast %swap3A_1691 : vector<1x16xf32> to vector<16xf32>
    %swap3A_1693 = vector.shape_cast %add3A_1687 : vector<16xf32> to vector<1x16xf32>
    tpu.vector_store %arg9[%swap3A_1689, %swap3A_1690], %swap3A_1693 {strides = array<i32>} : memref<32x64xf32, #tpu.memory_space<vmem>>, vector<1x16xf32>,
    %get3A_1694 = arith.constant 24 : i32
    %get3A_1695 = arith.index_cast %get3A_1694 : i32 to index
    %get3A_1696 = arith.constant 48 : index
    %get3A_1697 = tpu.vector_load %arg9[%get3A_1695, %get3A_1696] {strides = array<i32>} : memref<32x64xf32, #tpu.memory_space<vmem>>, vector<1x16xf32>,
    %get3A_1698 = vector.shape_cast %get3A_1697 : vector<1x16xf32> to vector<16xf32>
    %get3A_1699 = arith.constant 24 : i32
    %get3A_1700 = arith.index_cast %get3A_1699 : i32 to index
    %get3A_1701 = arith.constant 48 : index
    %get3A_1702 = tpu.vector_load %arg10[%get3A_1700, %get3A_1701] {strides = array<i32>} : memref<32x64xf32, #tpu.memory_space<vmem>>, vector<1x16xf32>,
    %get3A_1703 = vector.shape_cast %get3A_1702 : vector<1x16xf32> to vector<16xf32>
    %add3A_1704 = arith.addf %get3A_1698, %get3A_1703 : vector<16xf32>
    %swap3A_1705 = arith.constant 24 : i32
    %swap3A_1706 = arith.index_cast %swap3A_1705 : i32 to index
    %swap3A_1707 = arith.constant 48 : index
    %swap3A_1708 = tpu.vector_load %arg9[%swap3A_1706, %swap3A_1707] {strides = array<i32>} : memref<32x64xf32, #tpu.memory_space<vmem>>, vector<1x16xf32>,
    %swap3A_1709 = vector.shape_cast %swap3A_1708 : vector<1x16xf32> to vector<16xf32>
    %swap3A_1710 = vector.shape_cast %add3A_1704 : vector<16xf32> to vector<1x16xf32>
    tpu.vector_store %arg9[%swap3A_1706, %swap3A_1707], %swap3A_1710 {strides = array<i32>} : memref<32x64xf32, #tpu.memory_space<vmem>>, vector<1x16xf32>,
    %get3A_1711 = arith.constant 25 : i32
    %get3A_1712 = arith.index_cast %get3A_1711 : i32 to index
    %get3A_1713 = arith.constant 0 : index
    %get3A_1714 = tpu.vector_load %arg9[%get3A_1712, %get3A_1713] {strides = array<i32>} : memref<32x64xf32, #tpu.memory_space<vmem>>, vector<1x16xf32>,
    %get3A_1715 = vector.shape_cast %get3A_1714 : vector<1x16xf32> to vector<16xf32>
    %get3A_1716 = arith.constant 25 : i32
    %get3A_1717 = arith.index_cast %get3A_1716 : i32 to index
    %get3A_1718 = arith.constant 0 : index
    %get3A_1719 = tpu.vector_load %arg10[%get3A_1717, %get3A_1718] {strides = array<i32>} : memref<32x64xf32, #tpu.memory_space<vmem>>, vector<1x16xf32>,
    %get3A_1720 = vector.shape_cast %get3A_1719 : vector<1x16xf32> to vector<16xf32>
    %add3A_1721 = arith.addf %get3A_1715, %get3A_1720 : vector<16xf32>
    %swap3A_1722 = arith.constant 25 : i32
    %swap3A_1723 = arith.index_cast %swap3A_1722 : i32 to index
    %swap3A_1724 = arith.constant 0 : index
    %swap3A_1725 = tpu.vector_load %arg9[%swap3A_1723, %swap3A_1724] {strides = array<i32>} : memref<32x64xf32, #tpu.memory_space<vmem>>, vector<1x16xf32>,
    %swap3A_1726 = vector.shape_cast %swap3A_1725 : vector<1x16xf32> to vector<16xf32>
    %swap3A_1727 = vector.shape_cast %add3A_1721 : vector<16xf32> to vector<1x16xf32>
    tpu.vector_store %arg9[%swap3A_1723, %swap3A_1724], %swap3A_1727 {strides = array<i32>} : memref<32x64xf32, #tpu.memory_space<vmem>>, vector<1x16xf32>,
    %get3A_1728 = arith.constant 25 : i32
    %get3A_1729 = arith.index_cast %get3A_1728 : i32 to index
    %get3A_1730 = arith.constant 16 : index
    %get3A_1731 = tpu.vector_load %arg9[%get3A_1729, %get3A_1730] {strides = array<i32>} : memref<32x64xf32, #tpu.memory_space<vmem>>, vector<1x16xf32>,
    %get3A_1732 = vector.shape_cast %get3A_1731 : vector<1x16xf32> to vector<16xf32>
    %get3A_1733 = arith.constant 25 : i32
    %get3A_1734 = arith.index_cast %get3A_1733 : i32 to index
    %get3A_1735 = arith.constant 16 : index
    %get3A_1736 = tpu.vector_load %arg10[%get3A_1734, %get3A_1735] {strides = array<i32>} : memref<32x64xf32, #tpu.memory_space<vmem>>, vector<1x16xf32>,
    %get3A_1737 = vector.shape_cast %get3A_1736 : vector<1x16xf32> to vector<16xf32>
    %add3A_1738 = arith.addf %get3A_1732, %get3A_1737 : vector<16xf32>
    %swap3A_1739 = arith.constant 25 : i32
    %swap3A_1740 = arith.index_cast %swap3A_1739 : i32 to index
    %swap3A_1741 = arith.constant 16 : index
    %swap3A_1742 = tpu.vector_load %arg9[%swap3A_1740, %swap3A_1741] {strides = array<i32>} : memref<32x64xf32, #tpu.memory_space<vmem>>, vector<1x16xf32>,
    %swap3A_1743 = vector.shape_cast %swap3A_1742 : vector<1x16xf32> to vector<16xf32>
    %swap3A_1744 = vector.shape_cast %add3A_1738 : vector<16xf32> to vector<1x16xf32>
    tpu.vector_store %arg9[%swap3A_1740, %swap3A_1741], %swap3A_1744 {strides = array<i32>} : memref<32x64xf32, #tpu.memory_space<vmem>>, vector<1x16xf32>,
    %get3A_1745 = arith.constant 25 : i32
    %get3A_1746 = arith.index_cast %get3A_1745 : i32 to index
    %get3A_1747 = arith.constant 32 : index
    %get3A_1748 = tpu.vector_load %arg9[%get3A_1746, %get3A_1747] {strides = array<i32>} : memref<32x64xf32, #tpu.memory_space<vmem>>, vector<1x16xf32>,
    %get3A_1749 = vector.shape_cast %get3A_1748 : vector<1x16xf32> to vector<16xf32>
    %get3A_1750 = arith.constant 25 : i32
    %get3A_1751 = arith.index_cast %get3A_1750 : i32 to index
    %get3A_1752 = arith.constant 32 : index
    %get3A_1753 = tpu.vector_load %arg10[%get3A_1751, %get3A_1752] {strides = array<i32>} : memref<32x64xf32, #tpu.memory_space<vmem>>, vector<1x16xf32>,
    %get3A_1754 = vector.shape_cast %get3A_1753 : vector<1x16xf32> to vector<16xf32>
    %add3A_1755 = arith.addf %get3A_1749, %get3A_1754 : vector<16xf32>
    %swap3A_1756 = arith.constant 25 : i32
    %swap3A_1757 = arith.index_cast %swap3A_1756 : i32 to index
    %swap3A_1758 = arith.constant 32 : index
    %swap3A_1759 = tpu.vector_load %arg9[%swap3A_1757, %swap3A_1758] {strides = array<i32>} : memref<32x64xf32, #tpu.memory_space<vmem>>, vector<1x16xf32>,
    %swap3A_1760 = vector.shape_cast %swap3A_1759 : vector<1x16xf32> to vector<16xf32>
    %swap3A_1761 = vector.shape_cast %add3A_1755 : vector<16xf32> to vector<1x16xf32>
    tpu.vector_store %arg9[%swap3A_1757, %swap3A_1758], %swap3A_1761 {strides = array<i32>} : memref<32x64xf32, #tpu.memory_space<vmem>>, vector<1x16xf32>,
    %get3A_1762 = arith.constant 25 : i32
    %get3A_1763 = arith.index_cast %get3A_1762 : i32 to index
    %get3A_1764 = arith.constant 48 : index
    %get3A_1765 = tpu.vector_load %arg9[%get3A_1763, %get3A_1764] {strides = array<i32>} : memref<32x64xf32, #tpu.memory_space<vmem>>, vector<1x16xf32>,
    %get3A_1766 = vector.shape_cast %get3A_1765 : vector<1x16xf32> to vector<16xf32>
    %get3A_1767 = arith.constant 25 : i32
    %get3A_1768 = arith.index_cast %get3A_1767 : i32 to index
    %get3A_1769 = arith.constant 48 : index
    %get3A_1770 = tpu.vector_load %arg10[%get3A_1768, %get3A_1769] {strides = array<i32>} : memref<32x64xf32, #tpu.memory_space<vmem>>, vector<1x16xf32>,
    %get3A_1771 = vector.shape_cast %get3A_1770 : vector<1x16xf32> to vector<16xf32>
    %add3A_1772 = arith.addf %get3A_1766, %get3A_1771 : vector<16xf32>
    %swap3A_1773 = arith.constant 25 : i32
    %swap3A_1774 = arith.index_cast %swap3A_1773 : i32 to index
    %swap3A_1775 = arith.constant 48 : index
    %swap3A_1776 = tpu.vector_load %arg9[%swap3A_1774, %swap3A_1775] {strides = array<i32>} : memref<32x64xf32, #tpu.memory_space<vmem>>, vector<1x16xf32>,
    %swap3A_1777 = vector.shape_cast %swap3A_1776 : vector<1x16xf32> to vector<16xf32>
    %swap3A_1778 = vector.shape_cast %add3A_1772 : vector<16xf32> to vector<1x16xf32>
    tpu.vector_store %arg9[%swap3A_1774, %swap3A_1775], %swap3A_1778 {strides = array<i32>} : memref<32x64xf32, #tpu.memory_space<vmem>>, vector<1x16xf32>,
    %get3A_1779 = arith.constant 26 : i32
    %get3A_1780 = arith.index_cast %get3A_1779 : i32 to index
    %get3A_1781 = arith.constant 0 : index
    %get3A_1782 = tpu.vector_load %arg9[%get3A_1780, %get3A_1781] {strides = array<i32>} : memref<32x64xf32, #tpu.memory_space<vmem>>, vector<1x16xf32>,
    %get3A_1783 = vector.shape_cast %get3A_1782 : vector<1x16xf32> to vector<16xf32>
    %get3A_1784 = arith.constant 26 : i32
    %get3A_1785 = arith.index_cast %get3A_1784 : i32 to index
    %get3A_1786 = arith.constant 0 : index
    %get3A_1787 = tpu.vector_load %arg10[%get3A_1785, %get3A_1786] {strides = array<i32>} : memref<32x64xf32, #tpu.memory_space<vmem>>, vector<1x16xf32>,
    %get3A_1788 = vector.shape_cast %get3A_1787 : vector<1x16xf32> to vector<16xf32>
    %add3A_1789 = arith.addf %get3A_1783, %get3A_1788 : vector<16xf32>
    %swap3A_1790 = arith.constant 26 : i32
    %swap3A_1791 = arith.index_cast %swap3A_1790 : i32 to index
    %swap3A_1792 = arith.constant 0 : index
    %swap3A_1793 = tpu.vector_load %arg9[%swap3A_1791, %swap3A_1792] {strides = array<i32>} : memref<32x64xf32, #tpu.memory_space<vmem>>, vector<1x16xf32>,
    %swap3A_1794 = vector.shape_cast %swap3A_1793 : vector<1x16xf32> to vector<16xf32>
    %swap3A_1795 = vector.shape_cast %add3A_1789 : vector<16xf32> to vector<1x16xf32>
    tpu.vector_store %arg9[%swap3A_1791, %swap3A_1792], %swap3A_1795 {strides = array<i32>} : memref<32x64xf32, #tpu.memory_space<vmem>>, vector<1x16xf32>,
    %get3A_1796 = arith.constant 26 : i32
    %get3A_1797 = arith.index_cast %get3A_1796 : i32 to index
    %get3A_1798 = arith.constant 16 : index
    %get3A_1799 = tpu.vector_load %arg9[%get3A_1797, %get3A_1798] {strides = array<i32>} : memref<32x64xf32, #tpu.memory_space<vmem>>, vector<1x16xf32>,
    %get3A_1800 = vector.shape_cast %get3A_1799 : vector<1x16xf32> to vector<16xf32>
    %get3A_1801 = arith.constant 26 : i32
    %get3A_1802 = arith.index_cast %get3A_1801 : i32 to index
    %get3A_1803 = arith.constant 16 : index
    %get3A_1804 = tpu.vector_load %arg10[%get3A_1802, %get3A_1803] {strides = array<i32>} : memref<32x64xf32, #tpu.memory_space<vmem>>, vector<1x16xf32>,
    %get3A_1805 = vector.shape_cast %get3A_1804 : vector<1x16xf32> to vector<16xf32>
    %add3A_1806 = arith.addf %get3A_1800, %get3A_1805 : vector<16xf32>
    %swap3A_1807 = arith.constant 26 : i32
    %swap3A_1808 = arith.index_cast %swap3A_1807 : i32 to index
    %swap3A_1809 = arith.constant 16 : index
    %swap3A_1810 = tpu.vector_load %arg9[%swap3A_1808, %swap3A_1809] {strides = array<i32>} : memref<32x64xf32, #tpu.memory_space<vmem>>, vector<1x16xf32>,
    %swap3A_1811 = vector.shape_cast %swap3A_1810 : vector<1x16xf32> to vector<16xf32>
    %swap3A_1812 = vector.shape_cast %add3A_1806 : vector<16xf32> to vector<1x16xf32>
    tpu.vector_store %arg9[%swap3A_1808, %swap3A_1809], %swap3A_1812 {strides = array<i32>} : memref<32x64xf32, #tpu.memory_space<vmem>>, vector<1x16xf32>,
    %get3A_1813 = arith.constant 26 : i32
    %get3A_1814 = arith.index_cast %get3A_1813 : i32 to index
    %get3A_1815 = arith.constant 32 : index
    %get3A_1816 = tpu.vector_load %arg9[%get3A_1814, %get3A_1815] {strides = array<i32>} : memref<32x64xf32, #tpu.memory_space<vmem>>, vector<1x16xf32>,
    %get3A_1817 = vector.shape_cast %get3A_1816 : vector<1x16xf32> to vector<16xf32>
    %get3A_1818 = arith.constant 26 : i32
    %get3A_1819 = arith.index_cast %get3A_1818 : i32 to index
    %get3A_1820 = arith.constant 32 : index
    %get3A_1821 = tpu.vector_load %arg10[%get3A_1819, %get3A_1820] {strides = array<i32>} : memref<32x64xf32, #tpu.memory_space<vmem>>, vector<1x16xf32>,
    %get3A_1822 = vector.shape_cast %get3A_1821 : vector<1x16xf32> to vector<16xf32>
    %add3A_1823 = arith.addf %get3A_1817, %get3A_1822 : vector<16xf32>
    %swap3A_1824 = arith.constant 26 : i32
    %swap3A_1825 = arith.index_cast %swap3A_1824 : i32 to index
    %swap3A_1826 = arith.constant 32 : index
    %swap3A_1827 = tpu.vector_load %arg9[%swap3A_1825, %swap3A_1826] {strides = array<i32>} : memref<32x64xf32, #tpu.memory_space<vmem>>, vector<1x16xf32>,
    %swap3A_1828 = vector.shape_cast %swap3A_1827 : vector<1x16xf32> to vector<16xf32>
    %swap3A_1829 = vector.shape_cast %add3A_1823 : vector<16xf32> to vector<1x16xf32>
    tpu.vector_store %arg9[%swap3A_1825, %swap3A_1826], %swap3A_1829 {strides = array<i32>} : memref<32x64xf32, #tpu.memory_space<vmem>>, vector<1x16xf32>,
    %get3A_1830 = arith.constant 26 : i32
    %get3A_1831 = arith.index_cast %get3A_1830 : i32 to index
    %get3A_1832 = arith.constant 48 : index
    %get3A_1833 = tpu.vector_load %arg9[%get3A_1831, %get3A_1832] {strides = array<i32>} : memref<32x64xf32, #tpu.memory_space<vmem>>, vector<1x16xf32>,
    %get3A_1834 = vector.shape_cast %get3A_1833 : vector<1x16xf32> to vector<16xf32>
    %get3A_1835 = arith.constant 26 : i32
    %get3A_1836 = arith.index_cast %get3A_1835 : i32 to index
    %get3A_1837 = arith.constant 48 : index
    %get3A_1838 = tpu.vector_load %arg10[%get3A_1836, %get3A_1837] {strides = array<i32>} : memref<32x64xf32, #tpu.memory_space<vmem>>, vector<1x16xf32>,
    %get3A_1839 = vector.shape_cast %get3A_1838 : vector<1x16xf32> to vector<16xf32>
    %add3A_1840 = arith.addf %get3A_1834, %get3A_1839 : vector<16xf32>
    %swap3A_1841 = arith.constant 26 : i32
    %swap3A_1842 = arith.index_cast %swap3A_1841 : i32 to index
    %swap3A_1843 = arith.constant 48 : index
    %swap3A_1844 = tpu.vector_load %arg9[%swap3A_1842, %swap3A_1843] {strides = array<i32>} : memref<32x64xf32, #tpu.memory_space<vmem>>, vector<1x16xf32>,
    %swap3A_1845 = vector.shape_cast %swap3A_1844 : vector<1x16xf32> to vector<16xf32>
    %swap3A_1846 = vector.shape_cast %add3A_1840 : vector<16xf32> to vector<1x16xf32>
    tpu.vector_store %arg9[%swap3A_1842, %swap3A_1843], %swap3A_1846 {strides = array<i32>} : memref<32x64xf32, #tpu.memory_space<vmem>>, vector<1x16xf32>,
    %get3A_1847 = arith.constant 27 : i32
    %get3A_1848 = arith.index_cast %get3A_1847 : i32 to index
    %get3A_1849 = arith.constant 0 : index
    %get3A_1850 = tpu.vector_load %arg9[%get3A_1848, %get3A_1849] {strides = array<i32>} : memref<32x64xf32, #tpu.memory_space<vmem>>, vector<1x16xf32>,
    %get3A_1851 = vector.shape_cast %get3A_1850 : vector<1x16xf32> to vector<16xf32>
    %get3A_1852 = arith.constant 27 : i32
    %get3A_1853 = arith.index_cast %get3A_1852 : i32 to index
    %get3A_1854 = arith.constant 0 : index
    %get3A_1855 = tpu.vector_load %arg10[%get3A_1853, %get3A_1854] {strides = array<i32>} : memref<32x64xf32, #tpu.memory_space<vmem>>, vector<1x16xf32>,
    %get3A_1856 = vector.shape_cast %get3A_1855 : vector<1x16xf32> to vector<16xf32>
    %add3A_1857 = arith.addf %get3A_1851, %get3A_1856 : vector<16xf32>
    %swap3A_1858 = arith.constant 27 : i32
    %swap3A_1859 = arith.index_cast %swap3A_1858 : i32 to index
    %swap3A_1860 = arith.constant 0 : index
    %swap3A_1861 = tpu.vector_load %arg9[%swap3A_1859, %swap3A_1860] {strides = array<i32>} : memref<32x64xf32, #tpu.memory_space<vmem>>, vector<1x16xf32>,
    %swap3A_1862 = vector.shape_cast %swap3A_1861 : vector<1x16xf32> to vector<16xf32>
    %swap3A_1863 = vector.shape_cast %add3A_1857 : vector<16xf32> to vector<1x16xf32>
    tpu.vector_store %arg9[%swap3A_1859, %swap3A_1860], %swap3A_1863 {strides = array<i32>} : memref<32x64xf32, #tpu.memory_space<vmem>>, vector<1x16xf32>,
    %get3A_1864 = arith.constant 27 : i32
    %get3A_1865 = arith.index_cast %get3A_1864 : i32 to index
    %get3A_1866 = arith.constant 16 : index
    %get3A_1867 = tpu.vector_load %arg9[%get3A_1865, %get3A_1866] {strides = array<i32>} : memref<32x64xf32, #tpu.memory_space<vmem>>, vector<1x16xf32>,
    %get3A_1868 = vector.shape_cast %get3A_1867 : vector<1x16xf32> to vector<16xf32>
    %get3A_1869 = arith.constant 27 : i32
    %get3A_1870 = arith.index_cast %get3A_1869 : i32 to index
    %get3A_1871 = arith.constant 16 : index
    %get3A_1872 = tpu.vector_load %arg10[%get3A_1870, %get3A_1871] {strides = array<i32>} : memref<32x64xf32, #tpu.memory_space<vmem>>, vector<1x16xf32>,
    %get3A_1873 = vector.shape_cast %get3A_1872 : vector<1x16xf32> to vector<16xf32>
    %add3A_1874 = arith.addf %get3A_1868, %get3A_1873 : vector<16xf32>
    %swap3A_1875 = arith.constant 27 : i32
    %swap3A_1876 = arith.index_cast %swap3A_1875 : i32 to index
    %swap3A_1877 = arith.constant 16 : index
    %swap3A_1878 = tpu.vector_load %arg9[%swap3A_1876, %swap3A_1877] {strides = array<i32>} : memref<32x64xf32, #tpu.memory_space<vmem>>, vector<1x16xf32>,
    %swap3A_1879 = vector.shape_cast %swap3A_1878 : vector<1x16xf32> to vector<16xf32>
    %swap3A_1880 = vector.shape_cast %add3A_1874 : vector<16xf32> to vector<1x16xf32>
    tpu.vector_store %arg9[%swap3A_1876, %swap3A_1877], %swap3A_1880 {strides = array<i32>} : memref<32x64xf32, #tpu.memory_space<vmem>>, vector<1x16xf32>,
    %get3A_1881 = arith.constant 27 : i32
    %get3A_1882 = arith.index_cast %get3A_1881 : i32 to index
    %get3A_1883 = arith.constant 32 : index
    %get3A_1884 = tpu.vector_load %arg9[%get3A_1882, %get3A_1883] {strides = array<i32>} : memref<32x64xf32, #tpu.memory_space<vmem>>, vector<1x16xf32>,
    %get3A_1885 = vector.shape_cast %get3A_1884 : vector<1x16xf32> to vector<16xf32>
    %get3A_1886 = arith.constant 27 : i32
    %get3A_1887 = arith.index_cast %get3A_1886 : i32 to index
    %get3A_1888 = arith.constant 32 : index
    %get3A_1889 = tpu.vector_load %arg10[%get3A_1887, %get3A_1888] {strides = array<i32>} : memref<32x64xf32, #tpu.memory_space<vmem>>, vector<1x16xf32>,
    %get3A_1890 = vector.shape_cast %get3A_1889 : vector<1x16xf32> to vector<16xf32>
    %add3A_1891 = arith.addf %get3A_1885, %get3A_1890 : vector<16xf32>
    %swap3A_1892 = arith.constant 27 : i32
    %swap3A_1893 = arith.index_cast %swap3A_1892 : i32 to index
    %swap3A_1894 = arith.constant 32 : index
    %swap3A_1895 = tpu.vector_load %arg9[%swap3A_1893, %swap3A_1894] {strides = array<i32>} : memref<32x64xf32, #tpu.memory_space<vmem>>, vector<1x16xf32>,
    %swap3A_1896 = vector.shape_cast %swap3A_1895 : vector<1x16xf32> to vector<16xf32>
    %swap3A_1897 = vector.shape_cast %add3A_1891 : vector<16xf32> to vector<1x16xf32>
    tpu.vector_store %arg9[%swap3A_1893, %swap3A_1894], %swap3A_1897 {strides = array<i32>} : memref<32x64xf32, #tpu.memory_space<vmem>>, vector<1x16xf32>,
    %get3A_1898 = arith.constant 27 : i32
    %get3A_1899 = arith.index_cast %get3A_1898 : i32 to index
    %get3A_1900 = arith.constant 48 : index
    %get3A_1901 = tpu.vector_load %arg9[%get3A_1899, %get3A_1900] {strides = array<i32>} : memref<32x64xf32, #tpu.memory_space<vmem>>, vector<1x16xf32>,
    %get3A_1902 = vector.shape_cast %get3A_1901 : vector<1x16xf32> to vector<16xf32>
    %get3A_1903 = arith.constant 27 : i32
    %get3A_1904 = arith.index_cast %get3A_1903 : i32 to index
    %get3A_1905 = arith.constant 48 : index
    %get3A_1906 = tpu.vector_load %arg10[%get3A_1904, %get3A_1905] {strides = array<i32>} : memref<32x64xf32, #tpu.memory_space<vmem>>, vector<1x16xf32>,
    %get3A_1907 = vector.shape_cast %get3A_1906 : vector<1x16xf32> to vector<16xf32>
    %add3A_1908 = arith.addf %get3A_1902, %get3A_1907 : vector<16xf32>
    %swap3A_1909 = arith.constant 27 : i32
    %swap3A_1910 = arith.index_cast %swap3A_1909 : i32 to index
    %swap3A_1911 = arith.constant 48 : index
    %swap3A_1912 = tpu.vector_load %arg9[%swap3A_1910, %swap3A_1911] {strides = array<i32>} : memref<32x64xf32, #tpu.memory_space<vmem>>, vector<1x16xf32>,
    %swap3A_1913 = vector.shape_cast %swap3A_1912 : vector<1x16xf32> to vector<16xf32>
    %swap3A_1914 = vector.shape_cast %add3A_1908 : vector<16xf32> to vector<1x16xf32>
    tpu.vector_store %arg9[%swap3A_1910, %swap3A_1911], %swap3A_1914 {strides = array<i32>} : memref<32x64xf32, #tpu.memory_space<vmem>>, vector<1x16xf32>,
    %get3A_1915 = arith.constant 28 : i32
    %get3A_1916 = arith.index_cast %get3A_1915 : i32 to index
    %get3A_1917 = arith.constant 0 : index
    %get3A_1918 = tpu.vector_load %arg9[%get3A_1916, %get3A_1917] {strides = array<i32>} : memref<32x64xf32, #tpu.memory_space<vmem>>, vector<1x16xf32>,
    %get3A_1919 = vector.shape_cast %get3A_1918 : vector<1x16xf32> to vector<16xf32>
    %get3A_1920 = arith.constant 28 : i32
    %get3A_1921 = arith.index_cast %get3A_1920 : i32 to index
    %get3A_1922 = arith.constant 0 : index
    %get3A_1923 = tpu.vector_load %arg10[%get3A_1921, %get3A_1922] {strides = array<i32>} : memref<32x64xf32, #tpu.memory_space<vmem>>, vector<1x16xf32>,
    %get3A_1924 = vector.shape_cast %get3A_1923 : vector<1x16xf32> to vector<16xf32>
    %add3A_1925 = arith.addf %get3A_1919, %get3A_1924 : vector<16xf32>
    %swap3A_1926 = arith.constant 28 : i32
    %swap3A_1927 = arith.index_cast %swap3A_1926 : i32 to index
    %swap3A_1928 = arith.constant 0 : index
    %swap3A_1929 = tpu.vector_load %arg9[%swap3A_1927, %swap3A_1928] {strides = array<i32>} : memref<32x64xf32, #tpu.memory_space<vmem>>, vector<1x16xf32>,
    %swap3A_1930 = vector.shape_cast %swap3A_1929 : vector<1x16xf32> to vector<16xf32>
    %swap3A_1931 = vector.shape_cast %add3A_1925 : vector<16xf32> to vector<1x16xf32>
    tpu.vector_store %arg9[%swap3A_1927, %swap3A_1928], %swap3A_1931 {strides = array<i32>} : memref<32x64xf32, #tpu.memory_space<vmem>>, vector<1x16xf32>,
    %get3A_1932 = arith.constant 28 : i32
    %get3A_1933 = arith.index_cast %get3A_1932 : i32 to index
    %get3A_1934 = arith.constant 16 : index
    %get3A_1935 = tpu.vector_load %arg9[%get3A_1933, %get3A_1934] {strides = array<i32>} : memref<32x64xf32, #tpu.memory_space<vmem>>, vector<1x16xf32>,
    %get3A_1936 = vector.shape_cast %get3A_1935 : vector<1x16xf32> to vector<16xf32>
    %get3A_1937 = arith.constant 28 : i32
    %get3A_1938 = arith.index_cast %get3A_1937 : i32 to index
    %get3A_1939 = arith.constant 16 : index
    %get3A_1940 = tpu.vector_load %arg10[%get3A_1938, %get3A_1939] {strides = array<i32>} : memref<32x64xf32, #tpu.memory_space<vmem>>, vector<1x16xf32>,
    %get3A_1941 = vector.shape_cast %get3A_1940 : vector<1x16xf32> to vector<16xf32>
    %add3A_1942 = arith.addf %get3A_1936, %get3A_1941 : vector<16xf32>
    %swap3A_1943 = arith.constant 28 : i32
    %swap3A_1944 = arith.index_cast %swap3A_1943 : i32 to index
    %swap3A_1945 = arith.constant 16 : index
    %swap3A_1946 = tpu.vector_load %arg9[%swap3A_1944, %swap3A_1945] {strides = array<i32>} : memref<32x64xf32, #tpu.memory_space<vmem>>, vector<1x16xf32>,
    %swap3A_1947 = vector.shape_cast %swap3A_1946 : vector<1x16xf32> to vector<16xf32>
    %swap3A_1948 = vector.shape_cast %add3A_1942 : vector<16xf32> to vector<1x16xf32>
    tpu.vector_store %arg9[%swap3A_1944, %swap3A_1945], %swap3A_1948 {strides = array<i32>} : memref<32x64xf32, #tpu.memory_space<vmem>>, vector<1x16xf32>,
    %get3A_1949 = arith.constant 28 : i32
    %get3A_1950 = arith.index_cast %get3A_1949 : i32 to index
    %get3A_1951 = arith.constant 32 : index
    %get3A_1952 = tpu.vector_load %arg9[%get3A_1950, %get3A_1951] {strides = array<i32>} : memref<32x64xf32, #tpu.memory_space<vmem>>, vector<1x16xf32>,
    %get3A_1953 = vector.shape_cast %get3A_1952 : vector<1x16xf32> to vector<16xf32>
    %get3A_1954 = arith.constant 28 : i32
    %get3A_1955 = arith.index_cast %get3A_1954 : i32 to index
    %get3A_1956 = arith.constant 32 : index
    %get3A_1957 = tpu.vector_load %arg10[%get3A_1955, %get3A_1956] {strides = array<i32>} : memref<32x64xf32, #tpu.memory_space<vmem>>, vector<1x16xf32>,
    %get3A_1958 = vector.shape_cast %get3A_1957 : vector<1x16xf32> to vector<16xf32>
    %add3A_1959 = arith.addf %get3A_1953, %get3A_1958 : vector<16xf32>
    %swap3A_1960 = arith.constant 28 : i32
    %swap3A_1961 = arith.index_cast %swap3A_1960 : i32 to index
    %swap3A_1962 = arith.constant 32 : index
    %swap3A_1963 = tpu.vector_load %arg9[%swap3A_1961, %swap3A_1962] {strides = array<i32>} : memref<32x64xf32, #tpu.memory_space<vmem>>, vector<1x16xf32>,
    %swap3A_1964 = vector.shape_cast %swap3A_1963 : vector<1x16xf32> to vector<16xf32>
    %swap3A_1965 = vector.shape_cast %add3A_1959 : vector<16xf32> to vector<1x16xf32>
    tpu.vector_store %arg9[%swap3A_1961, %swap3A_1962], %swap3A_1965 {strides = array<i32>} : memref<32x64xf32, #tpu.memory_space<vmem>>, vector<1x16xf32>,
    %get3A_1966 = arith.constant 28 : i32
    %get3A_1967 = arith.index_cast %get3A_1966 : i32 to index
    %get3A_1968 = arith.constant 48 : index
    %get3A_1969 = tpu.vector_load %arg9[%get3A_1967, %get3A_1968] {strides = array<i32>} : memref<32x64xf32, #tpu.memory_space<vmem>>, vector<1x16xf32>,
    %get3A_1970 = vector.shape_cast %get3A_1969 : vector<1x16xf32> to vector<16xf32>
    %get3A_1971 = arith.constant 28 : i32
    %get3A_1972 = arith.index_cast %get3A_1971 : i32 to index
    %get3A_1973 = arith.constant 48 : index
    %get3A_1974 = tpu.vector_load %arg10[%get3A_1972, %get3A_1973] {strides = array<i32>} : memref<32x64xf32, #tpu.memory_space<vmem>>, vector<1x16xf32>,
    %get3A_1975 = vector.shape_cast %get3A_1974 : vector<1x16xf32> to vector<16xf32>
    %add3A_1976 = arith.addf %get3A_1970, %get3A_1975 : vector<16xf32>
    %swap3A_1977 = arith.constant 28 : i32
    %swap3A_1978 = arith.index_cast %swap3A_1977 : i32 to index
    %swap3A_1979 = arith.constant 48 : index
    %swap3A_1980 = tpu.vector_load %arg9[%swap3A_1978, %swap3A_1979] {strides = array<i32>} : memref<32x64xf32, #tpu.memory_space<vmem>>, vector<1x16xf32>,
    %swap3A_1981 = vector.shape_cast %swap3A_1980 : vector<1x16xf32> to vector<16xf32>
    %swap3A_1982 = vector.shape_cast %add3A_1976 : vector<16xf32> to vector<1x16xf32>
    tpu.vector_store %arg9[%swap3A_1978, %swap3A_1979], %swap3A_1982 {strides = array<i32>} : memref<32x64xf32, #tpu.memory_space<vmem>>, vector<1x16xf32>,
    %get3A_1983 = arith.constant 29 : i32
    %get3A_1984 = arith.index_cast %get3A_1983 : i32 to index
    %get3A_1985 = arith.constant 0 : index
    %get3A_1986 = tpu.vector_load %arg9[%get3A_1984, %get3A_1985] {strides = array<i32>} : memref<32x64xf32, #tpu.memory_space<vmem>>, vector<1x16xf32>,
    %get3A_1987 = vector.shape_cast %get3A_1986 : vector<1x16xf32> to vector<16xf32>
    %get3A_1988 = arith.constant 29 : i32
    %get3A_1989 = arith.index_cast %get3A_1988 : i32 to index
    %get3A_1990 = arith.constant 0 : index
    %get3A_1991 = tpu.vector_load %arg10[%get3A_1989, %get3A_1990] {strides = array<i32>} : memref<32x64xf32, #tpu.memory_space<vmem>>, vector<1x16xf32>,
    %get3A_1992 = vector.shape_cast %get3A_1991 : vector<1x16xf32> to vector<16xf32>
    %add3A_1993 = arith.addf %get3A_1987, %get3A_1992 : vector<16xf32>
    %swap3A_1994 = arith.constant 29 : i32
    %swap3A_1995 = arith.index_cast %swap3A_1994 : i32 to index
    %swap3A_1996 = arith.constant 0 : index
    %swap3A_1997 = tpu.vector_load %arg9[%swap3A_1995, %swap3A_1996] {strides = array<i32>} : memref<32x64xf32, #tpu.memory_space<vmem>>, vector<1x16xf32>,
    %swap3A_1998 = vector.shape_cast %swap3A_1997 : vector<1x16xf32> to vector<16xf32>
    %swap3A_1999 = vector.shape_cast %add3A_1993 : vector<16xf32> to vector<1x16xf32>
    tpu.vector_store %arg9[%swap3A_1995, %swap3A_1996], %swap3A_1999 {strides = array<i32>} : memref<32x64xf32, #tpu.memory_space<vmem>>, vector<1x16xf32>,
    %get3A_2000 = arith.constant 29 : i32
    %get3A_2001 = arith.index_cast %get3A_2000 : i32 to index
    %get3A_2002 = arith.constant 16 : index
    %get3A_2003 = tpu.vector_load %arg9[%get3A_2001, %get3A_2002] {strides = array<i32>} : memref<32x64xf32, #tpu.memory_space<vmem>>, vector<1x16xf32>,
    %get3A_2004 = vector.shape_cast %get3A_2003 : vector<1x16xf32> to vector<16xf32>
    %get3A_2005 = arith.constant 29 : i32
    %get3A_2006 = arith.index_cast %get3A_2005 : i32 to index
    %get3A_2007 = arith.constant 16 : index
    %get3A_2008 = tpu.vector_load %arg10[%get3A_2006, %get3A_2007] {strides = array<i32>} : memref<32x64xf32, #tpu.memory_space<vmem>>, vector<1x16xf32>,
    %get3A_2009 = vector.shape_cast %get3A_2008 : vector<1x16xf32> to vector<16xf32>
    %add3A_2010 = arith.addf %get3A_2004, %get3A_2009 : vector<16xf32>
    %swap3A_2011 = arith.constant 29 : i32
    %swap3A_2012 = arith.index_cast %swap3A_2011 : i32 to index
    %swap3A_2013 = arith.constant 16 : index
    %swap3A_2014 = tpu.vector_load %arg9[%swap3A_2012, %swap3A_2013] {strides = array<i32>} : memref<32x64xf32, #tpu.memory_space<vmem>>, vector<1x16xf32>,
    %swap3A_2015 = vector.shape_cast %swap3A_2014 : vector<1x16xf32> to vector<16xf32>
    %swap3A_2016 = vector.shape_cast %add3A_2010 : vector<16xf32> to vector<1x16xf32>
    tpu.vector_store %arg9[%swap3A_2012, %swap3A_2013], %swap3A_2016 {strides = array<i32>} : memref<32x64xf32, #tpu.memory_space<vmem>>, vector<1x16xf32>,
    %get3A_2017 = arith.constant 29 : i32
    %get3A_2018 = arith.index_cast %get3A_2017 : i32 to index
    %get3A_2019 = arith.constant 32 : index
    %get3A_2020 = tpu.vector_load %arg9[%get3A_2018, %get3A_2019] {strides = array<i32>} : memref<32x64xf32, #tpu.memory_space<vmem>>, vector<1x16xf32>,
    %get3A_2021 = vector.shape_cast %get3A_2020 : vector<1x16xf32> to vector<16xf32>
    %get3A_2022 = arith.constant 29 : i32
    %get3A_2023 = arith.index_cast %get3A_2022 : i32 to index
    %get3A_2024 = arith.constant 32 : index
    %get3A_2025 = tpu.vector_load %arg10[%get3A_2023, %get3A_2024] {strides = array<i32>} : memref<32x64xf32, #tpu.memory_space<vmem>>, vector<1x16xf32>,
    %get3A_2026 = vector.shape_cast %get3A_2025 : vector<1x16xf32> to vector<16xf32>
    %add3A_2027 = arith.addf %get3A_2021, %get3A_2026 : vector<16xf32>
    %swap3A_2028 = arith.constant 29 : i32
    %swap3A_2029 = arith.index_cast %swap3A_2028 : i32 to index
    %swap3A_2030 = arith.constant 32 : index
    %swap3A_2031 = tpu.vector_load %arg9[%swap3A_2029, %swap3A_2030] {strides = array<i32>} : memref<32x64xf32, #tpu.memory_space<vmem>>, vector<1x16xf32>,
    %swap3A_2032 = vector.shape_cast %swap3A_2031 : vector<1x16xf32> to vector<16xf32>
    %swap3A_2033 = vector.shape_cast %add3A_2027 : vector<16xf32> to vector<1x16xf32>
    tpu.vector_store %arg9[%swap3A_2029, %swap3A_2030], %swap3A_2033 {strides = array<i32>} : memref<32x64xf32, #tpu.memory_space<vmem>>, vector<1x16xf32>,
    %get3A_2034 = arith.constant 29 : i32
    %get3A_2035 = arith.index_cast %get3A_2034 : i32 to index
    %get3A_2036 = arith.constant 48 : index
    %get3A_2037 = tpu.vector_load %arg9[%get3A_2035, %get3A_2036] {strides = array<i32>} : memref<32x64xf32, #tpu.memory_space<vmem>>, vector<1x16xf32>,
    %get3A_2038 = vector.shape_cast %get3A_2037 : vector<1x16xf32> to vector<16xf32>
    %get3A_2039 = arith.constant 29 : i32
    %get3A_2040 = arith.index_cast %get3A_2039 : i32 to index
    %get3A_2041 = arith.constant 48 : index
    %get3A_2042 = tpu.vector_load %arg10[%get3A_2040, %get3A_2041] {strides = array<i32>} : memref<32x64xf32, #tpu.memory_space<vmem>>, vector<1x16xf32>,
    %get3A_2043 = vector.shape_cast %get3A_2042 : vector<1x16xf32> to vector<16xf32>
    %add3A_2044 = arith.addf %get3A_2038, %get3A_2043 : vector<16xf32>
    %swap3A_2045 = arith.constant 29 : i32
    %swap3A_2046 = arith.index_cast %swap3A_2045 : i32 to index
    %swap3A_2047 = arith.constant 48 : index
    %swap3A_2048 = tpu.vector_load %arg9[%swap3A_2046, %swap3A_2047] {strides = array<i32>} : memref<32x64xf32, #tpu.memory_space<vmem>>, vector<1x16xf32>,
    %swap3A_2049 = vector.shape_cast %swap3A_2048 : vector<1x16xf32> to vector<16xf32>
    %swap3A_2050 = vector.shape_cast %add3A_2044 : vector<16xf32> to vector<1x16xf32>
    tpu.vector_store %arg9[%swap3A_2046, %swap3A_2047], %swap3A_2050 {strides = array<i32>} : memref<32x64xf32, #tpu.memory_space<vmem>>, vector<1x16xf32>,
    %get3A_2051 = arith.constant 30 : i32
    %get3A_2052 = arith.index_cast %get3A_2051 : i32 to index
    %get3A_2053 = arith.constant 0 : index
    %get3A_2054 = tpu.vector_load %arg9[%get3A_2052, %get3A_2053] {strides = array<i32>} : memref<32x64xf32, #tpu.memory_space<vmem>>, vector<1x16xf32>,
    %get3A_2055 = vector.shape_cast %get3A_2054 : vector<1x16xf32> to vector<16xf32>
    %get3A_2056 = arith.constant 30 : i32
    %get3A_2057 = arith.index_cast %get3A_2056 : i32 to index
    %get3A_2058 = arith.constant 0 : index
    %get3A_2059 = tpu.vector_load %arg10[%get3A_2057, %get3A_2058] {strides = array<i32>} : memref<32x64xf32, #tpu.memory_space<vmem>>, vector<1x16xf32>,
    %get3A_2060 = vector.shape_cast %get3A_2059 : vector<1x16xf32> to vector<16xf32>
    %add3A_2061 = arith.addf %get3A_2055, %get3A_2060 : vector<16xf32>
    %swap3A_2062 = arith.constant 30 : i32
    %swap3A_2063 = arith.index_cast %swap3A_2062 : i32 to index
    %swap3A_2064 = arith.constant 0 : index
    %swap3A_2065 = tpu.vector_load %arg9[%swap3A_2063, %swap3A_2064] {strides = array<i32>} : memref<32x64xf32, #tpu.memory_space<vmem>>, vector<1x16xf32>,
    %swap3A_2066 = vector.shape_cast %swap3A_2065 : vector<1x16xf32> to vector<16xf32>
    %swap3A_2067 = vector.shape_cast %add3A_2061 : vector<16xf32> to vector<1x16xf32>
    tpu.vector_store %arg9[%swap3A_2063, %swap3A_2064], %swap3A_2067 {strides = array<i32>} : memref<32x64xf32, #tpu.memory_space<vmem>>, vector<1x16xf32>,
    %get3A_2068 = arith.constant 30 : i32
    %get3A_2069 = arith.index_cast %get3A_2068 : i32 to index
    %get3A_2070 = arith.constant 16 : index
    %get3A_2071 = tpu.vector_load %arg9[%get3A_2069, %get3A_2070] {strides = array<i32>} : memref<32x64xf32, #tpu.memory_space<vmem>>, vector<1x16xf32>,
    %get3A_2072 = vector.shape_cast %get3A_2071 : vector<1x16xf32> to vector<16xf32>
    %get3A_2073 = arith.constant 30 : i32
    %get3A_2074 = arith.index_cast %get3A_2073 : i32 to index
    %get3A_2075 = arith.constant 16 : index
    %get3A_2076 = tpu.vector_load %arg10[%get3A_2074, %get3A_2075] {strides = array<i32>} : memref<32x64xf32, #tpu.memory_space<vmem>>, vector<1x16xf32>,
    %get3A_2077 = vector.shape_cast %get3A_2076 : vector<1x16xf32> to vector<16xf32>
    %add3A_2078 = arith.addf %get3A_2072, %get3A_2077 : vector<16xf32>
    %swap3A_2079 = arith.constant 30 : i32
    %swap3A_2080 = arith.index_cast %swap3A_2079 : i32 to index
    %swap3A_2081 = arith.constant 16 : index
    %swap3A_2082 = tpu.vector_load %arg9[%swap3A_2080, %swap3A_2081] {strides = array<i32>} : memref<32x64xf32, #tpu.memory_space<vmem>>, vector<1x16xf32>,
    %swap3A_2083 = vector.shape_cast %swap3A_2082 : vector<1x16xf32> to vector<16xf32>
    %swap3A_2084 = vector.shape_cast %add3A_2078 : vector<16xf32> to vector<1x16xf32>
    tpu.vector_store %arg9[%swap3A_2080, %swap3A_2081], %swap3A_2084 {strides = array<i32>} : memref<32x64xf32, #tpu.memory_space<vmem>>, vector<1x16xf32>,
    %get3A_2085 = arith.constant 30 : i32
    %get3A_2086 = arith.index_cast %get3A_2085 : i32 to index
    %get3A_2087 = arith.constant 32 : index
    %get3A_2088 = tpu.vector_load %arg9[%get3A_2086, %get3A_2087] {strides = array<i32>} : memref<32x64xf32, #tpu.memory_space<vmem>>, vector<1x16xf32>,
    %get3A_2089 = vector.shape_cast %get3A_2088 : vector<1x16xf32> to vector<16xf32>
    %get3A_2090 = arith.constant 30 : i32
    %get3A_2091 = arith.index_cast %get3A_2090 : i32 to index
    %get3A_2092 = arith.constant 32 : index
    %get3A_2093 = tpu.vector_load %arg10[%get3A_2091, %get3A_2092] {strides = array<i32>} : memref<32x64xf32, #tpu.memory_space<vmem>>, vector<1x16xf32>,
    %get3A_2094 = vector.shape_cast %get3A_2093 : vector<1x16xf32> to vector<16xf32>
    %add3A_2095 = arith.addf %get3A_2089, %get3A_2094 : vector<16xf32>
    %swap3A_2096 = arith.constant 30 : i32
    %swap3A_2097 = arith.index_cast %swap3A_2096 : i32 to index
    %swap3A_2098 = arith.constant 32 : index
    %swap3A_2099 = tpu.vector_load %arg9[%swap3A_2097, %swap3A_2098] {strides = array<i32>} : memref<32x64xf32, #tpu.memory_space<vmem>>, vector<1x16xf32>,
    %swap3A_2100 = vector.shape_cast %swap3A_2099 : vector<1x16xf32> to vector<16xf32>
    %swap3A_2101 = vector.shape_cast %add3A_2095 : vector<16xf32> to vector<1x16xf32>
    tpu.vector_store %arg9[%swap3A_2097, %swap3A_2098], %swap3A_2101 {strides = array<i32>} : memref<32x64xf32, #tpu.memory_space<vmem>>, vector<1x16xf32>,
    %get3A_2102 = arith.constant 30 : i32
    %get3A_2103 = arith.index_cast %get3A_2102 : i32 to index
    %get3A_2104 = arith.constant 48 : index
    %get3A_2105 = tpu.vector_load %arg9[%get3A_2103, %get3A_2104] {strides = array<i32>} : memref<32x64xf32, #tpu.memory_space<vmem>>, vector<1x16xf32>,
    %get3A_2106 = vector.shape_cast %get3A_2105 : vector<1x16xf32> to vector<16xf32>
    %get3A_2107 = arith.constant 30 : i32
    %get3A_2108 = arith.index_cast %get3A_2107 : i32 to index
    %get3A_2109 = arith.constant 48 : index
    %get3A_2110 = tpu.vector_load %arg10[%get3A_2108, %get3A_2109] {strides = array<i32>} : memref<32x64xf32, #tpu.memory_space<vmem>>, vector<1x16xf32>,
    %get3A_2111 = vector.shape_cast %get3A_2110 : vector<1x16xf32> to vector<16xf32>
    %add3A_2112 = arith.addf %get3A_2106, %get3A_2111 : vector<16xf32>
    %swap3A_2113 = arith.constant 30 : i32
    %swap3A_2114 = arith.index_cast %swap3A_2113 : i32 to index
    %swap3A_2115 = arith.constant 48 : index
    %swap3A_2116 = tpu.vector_load %arg9[%swap3A_2114, %swap3A_2115] {strides = array<i32>} : memref<32x64xf32, #tpu.memory_space<vmem>>, vector<1x16xf32>,
    %swap3A_2117 = vector.shape_cast %swap3A_2116 : vector<1x16xf32> to vector<16xf32>
    %swap3A_2118 = vector.shape_cast %add3A_2112 : vector<16xf32> to vector<1x16xf32>
    tpu.vector_store %arg9[%swap3A_2114, %swap3A_2115], %swap3A_2118 {strides = array<i32>} : memref<32x64xf32, #tpu.memory_space<vmem>>, vector<1x16xf32>,
    %get3A_2119 = arith.constant 31 : i32
    %get3A_2120 = arith.index_cast %get3A_2119 : i32 to index
    %get3A_2121 = arith.constant 0 : index
    %get3A_2122 = tpu.vector_load %arg9[%get3A_2120, %get3A_2121] {strides = array<i32>} : memref<32x64xf32, #tpu.memory_space<vmem>>, vector<1x16xf32>,
    %get3A_2123 = vector.shape_cast %get3A_2122 : vector<1x16xf32> to vector<16xf32>
    %get3A_2124 = arith.constant 31 : i32
    %get3A_2125 = arith.index_cast %get3A_2124 : i32 to index
    %get3A_2126 = arith.constant 0 : index
    %get3A_2127 = tpu.vector_load %arg10[%get3A_2125, %get3A_2126] {strides = array<i32>} : memref<32x64xf32, #tpu.memory_space<vmem>>, vector<1x16xf32>,
    %get3A_2128 = vector.shape_cast %get3A_2127 : vector<1x16xf32> to vector<16xf32>
    %add3A_2129 = arith.addf %get3A_2123, %get3A_2128 : vector<16xf32>
    %swap3A_2130 = arith.constant 31 : i32
    %swap3A_2131 = arith.index_cast %swap3A_2130 : i32 to index
    %swap3A_2132 = arith.constant 0 : index
    %swap3A_2133 = tpu.vector_load %arg9[%swap3A_2131, %swap3A_2132] {strides = array<i32>} : memref<32x64xf32, #tpu.memory_space<vmem>>, vector<1x16xf32>,
    %swap3A_2134 = vector.shape_cast %swap3A_2133 : vector<1x16xf32> to vector<16xf32>
    %swap3A_2135 = vector.shape_cast %add3A_2129 : vector<16xf32> to vector<1x16xf32>
    tpu.vector_store %arg9[%swap3A_2131, %swap3A_2132], %swap3A_2135 {strides = array<i32>} : memref<32x64xf32, #tpu.memory_space<vmem>>, vector<1x16xf32>,
    %get3A_2136 = arith.constant 31 : i32
    %get3A_2137 = arith.index_cast %get3A_2136 : i32 to index
    %get3A_2138 = arith.constant 16 : index
    %get3A_2139 = tpu.vector_load %arg9[%get3A_2137, %get3A_2138] {strides = array<i32>} : memref<32x64xf32, #tpu.memory_space<vmem>>, vector<1x16xf32>,
    %get3A_2140 = vector.shape_cast %get3A_2139 : vector<1x16xf32> to vector<16xf32>
    %get3A_2141 = arith.constant 31 : i32
    %get3A_2142 = arith.index_cast %get3A_2141 : i32 to index
    %get3A_2143 = arith.constant 16 : index
    %get3A_2144 = tpu.vector_load %arg10[%get3A_2142, %get3A_2143] {strides = array<i32>} : memref<32x64xf32, #tpu.memory_space<vmem>>, vector<1x16xf32>,
    %get3A_2145 = vector.shape_cast %get3A_2144 : vector<1x16xf32> to vector<16xf32>
    %add3A_2146 = arith.addf %get3A_2140, %get3A_2145 : vector<16xf32>
    %swap3A_2147 = arith.constant 31 : i32
    %swap3A_2148 = arith.index_cast %swap3A_2147 : i32 to index
    %swap3A_2149 = arith.constant 16 : index
    %swap3A_2150 = tpu.vector_load %arg9[%swap3A_2148, %swap3A_2149] {strides = array<i32>} : memref<32x64xf32, #tpu.memory_space<vmem>>, vector<1x16xf32>,
    %swap3A_2151 = vector.shape_cast %swap3A_2150 : vector<1x16xf32> to vector<16xf32>
    %swap3A_2152 = vector.shape_cast %add3A_2146 : vector<16xf32> to vector<1x16xf32>
    tpu.vector_store %arg9[%swap3A_2148, %swap3A_2149], %swap3A_2152 {strides = array<i32>} : memref<32x64xf32, #tpu.memory_space<vmem>>, vector<1x16xf32>,
    %get3A_2153 = arith.constant 31 : i32
    %get3A_2154 = arith.index_cast %get3A_2153 : i32 to index
    %get3A_2155 = arith.constant 32 : index
    %get3A_2156 = tpu.vector_load %arg9[%get3A_2154, %get3A_2155] {strides = array<i32>} : memref<32x64xf32, #tpu.memory_space<vmem>>, vector<1x16xf32>,
    %get3A_2157 = vector.shape_cast %get3A_2156 : vector<1x16xf32> to vector<16xf32>
    %get3A_2158 = arith.constant 31 : i32
    %get3A_2159 = arith.index_cast %get3A_2158 : i32 to index
    %get3A_2160 = arith.constant 32 : index
    %get3A_2161 = tpu.vector_load %arg10[%get3A_2159, %get3A_2160] {strides = array<i32>} : memref<32x64xf32, #tpu.memory_space<vmem>>, vector<1x16xf32>,
    %get3A_2162 = vector.shape_cast %get3A_2161 : vector<1x16xf32> to vector<16xf32>
    %add3A_2163 = arith.addf %get3A_2157, %get3A_2162 : vector<16xf32>
    %swap3A_2164 = arith.constant 31 : i32
    %swap3A_2165 = arith.index_cast %swap3A_2164 : i32 to index
    %swap3A_2166 = arith.constant 32 : index
    %swap3A_2167 = tpu.vector_load %arg9[%swap3A_2165, %swap3A_2166] {strides = array<i32>} : memref<32x64xf32, #tpu.memory_space<vmem>>, vector<1x16xf32>,
    %swap3A_2168 = vector.shape_cast %swap3A_2167 : vector<1x16xf32> to vector<16xf32>
    %swap3A_2169 = vector.shape_cast %add3A_2163 : vector<16xf32> to vector<1x16xf32>
    tpu.vector_store %arg9[%swap3A_2165, %swap3A_2166], %swap3A_2169 {strides = array<i32>} : memref<32x64xf32, #tpu.memory_space<vmem>>, vector<1x16xf32>,
    %get3A_2170 = arith.constant 31 : i32
    %get3A_2171 = arith.index_cast %get3A_2170 : i32 to index
    %get3A_2172 = arith.constant 48 : index
    %get3A_2173 = tpu.vector_load %arg9[%get3A_2171, %get3A_2172] {strides = array<i32>} : memref<32x64xf32, #tpu.memory_space<vmem>>, vector<1x16xf32>,
    %get3A_2174 = vector.shape_cast %get3A_2173 : vector<1x16xf32> to vector<16xf32>
    %get3A_2175 = arith.constant 31 : i32
    %get3A_2176 = arith.index_cast %get3A_2175 : i32 to index
    %get3A_2177 = arith.constant 48 : index
    %get3A_2178 = tpu.vector_load %arg10[%get3A_2176, %get3A_2177] {strides = array<i32>} : memref<32x64xf32, #tpu.memory_space<vmem>>, vector<1x16xf32>,
    %get3A_2179 = vector.shape_cast %get3A_2178 : vector<1x16xf32> to vector<16xf32>
    %add3A_2180 = arith.addf %get3A_2174, %get3A_2179 : vector<16xf32>
    %swap3A_2181 = arith.constant 31 : i32
    %swap3A_2182 = arith.index_cast %swap3A_2181 : i32 to index
    %swap3A_2183 = arith.constant 48 : index
    %swap3A_2184 = tpu.vector_load %arg9[%swap3A_2182, %swap3A_2183] {strides = array<i32>} : memref<32x64xf32, #tpu.memory_space<vmem>>, vector<1x16xf32>,
    %swap3A_2185 = vector.shape_cast %swap3A_2184 : vector<1x16xf32> to vector<16xf32>
    %swap3A_2186 = vector.shape_cast %add3A_2180 : vector<16xf32> to vector<1x16xf32>
    tpu.vector_store %arg9[%swap3A_2182, %swap3A_2183], %swap3A_2186 {strides = array<i32>} : memref<32x64xf32, #tpu.memory_space<vmem>>, vector<1x16xf32>,
    "tpu.region"() ({
      %run_scoped3A = tpu.sem_alloc : memref<!tpu.dma_semaphore, #tpu.memory_space<semaphore_mem>>
      %dma_start3A_2187 = arith.constant 0 : i32
      %dma_start3A_2188 = tpu.memref_slice %arg6[%mul3A_2, %dma_start3A_2187] : memref<1024x64xf32, #tpu.memory_space<hbm>> -> memref<32x64xf32, #tpu.memory_space<hbm>>
      %dma_start3A_2189 = arith.constant 0 : i32
      %dma_start3A_2190 = tpu.memref_slice %arg6[%mul3A_2, %dma_start3A_2189] : memref<1024x64xf32, #tpu.memory_space<hbm>> -> memref<32x64xf32, #tpu.memory_space<hbm>>
      tpu.enqueue_dma source(%arg9 : memref<32x64xf32, #tpu.memory_space<vmem>>) target(%dma_start3A_2190 : memref<32x64xf32, #tpu.memory_space<hbm>>) target_semaphore(%run_scoped3A : memref<!tpu.dma_semaphore, #tpu.memory_space<semaphore_mem>>)
      %dma_wait3A_2191 = arith.constant 0 : i32
      %dma_wait3A_2192 = tpu.memref_slice %arg6[%mul3A_2, %dma_wait3A_2191] : memref<1024x64xf32, #tpu.memory_space<hbm>> -> memref<32x64xf32, #tpu.memory_space<hbm>>
      %dma_wait3A_2193 = arith.constant 0 : i32
      %dma_wait3A_2194 = tpu.memref_slice %arg6[%mul3A_2, %dma_wait3A_2193] : memref<1024x64xf32, #tpu.memory_space<hbm>> -> memref<32x64xf32, #tpu.memory_space<hbm>>
      tpu.wait_dma2 semaphore(%run_scoped3A : memref<!tpu.dma_semaphore, #tpu.memory_space<semaphore_mem>>) src(%arg9 : memref<32x64xf32, #tpu.memory_space<vmem>>) dst(%dma_wait3A_2194 : memref<32x64xf32, #tpu.memory_space<hbm>>)
      tpu.yield
    }) : () -> ()
    return
  }
}

module attributes {stable_mosaic.version = 14 : i64} {
  func.func @_tc_score_body(%arg0: i32, %arg1: memref<1024x64xf32, #tpu.memory_space<vmem>>, %arg2: memref<2048x64xf32, #tpu.memory_space<vmem>>, %arg3: memref<2048x1024xf32, #tpu.memory_space<vmem>>, %arg4: memref<8x1024xi32, #tpu.memory_space<vmem>>, %arg5: memref<1024x66xf32, #tpu.memory_space<vmem>>, %arg6: memref<2048x66xf32, #tpu.memory_space<vmem>>, %arg7: memref<8x1024xf32, #tpu.memory_space<vmem>>, %arg8: memref<8x1024xi32, #tpu.memory_space<vmem>>) attributes {dimension_semantics = [#tpu.dimension_semantics<arbitrary>], iteration_bounds = array<i64: 49>, scalar_prefetch = 0 : i64, scratch_operands = 4 : i64, tpu.core_type = #tpu.core_type<tc>, window_params = [{pipeline_mode = #tpu.pipeline_mode<synchronous>, transform_indices = @transform_0, window_bounds = array<i64: 1024, 64>}, {transform_indices = @transform_1, window_bounds = array<i64: 2048, 64>}, {transform_indices = @transform_2, window_bounds = array<i64: 2048, 1024>}, {pipeline_mode = #tpu.pipeline_mode<synchronous>, transform_indices = @transform_3, window_bounds = array<i64: 8, 1024>}]} {
    %eq3A = arith.constant 0 : i32
    %eq3A_0 = arith.cmpi eq, %arg0, %eq3A : i32
    %convert_element_type3A = arith.extui %eq3A_0 : i1 to i32
    %cond3A = arith.constant 0 : i32
    %cond3A_1 = arith.cmpi ne, %convert_element_type3A, %cond3A : i32
    scf.if %cond3A_1 {
      %get3A_45 = arith.constant 0 : index
      %get3A_46 = arith.constant 0 : index
      %get3A_47 = vector.load %arg1[%get3A_45, %get3A_46] : memref<1024x64xf32, #tpu.memory_space<vmem>>, vector<1024x64xf32>
      %mul3A_48 = arith.constant 2.000000e+00 : f32
      %mul3A_49 = vector.broadcast %mul3A_48 : f32 to vector<1024x64xf32>
      %mul3A_50 = arith.mulf %mul3A_49, %get3A_47 : vector<1024x64xf32>
      %swap3A_51 = arith.constant 0 : index
      %swap3A_52 = arith.constant 0 : index
      %swap3A_53 = vector.load %arg5[%swap3A_51, %swap3A_52] : memref<1024x66xf32, #tpu.memory_space<vmem>>, vector<1024x64xf32>
      tpu.vector_store %arg5[%swap3A_51, %swap3A_52], %mul3A_50 {strides = array<i32>} : memref<1024x66xf32, #tpu.memory_space<vmem>>, vector<1024x64xf32>,
      %broadcast_in_dim3A_54 = arith.constant -1.000000e+00 : f32
      %broadcast_in_dim3A_55 = vector.broadcast %broadcast_in_dim3A_54 : f32 to vector<1024x1xf32>
      %swap3A_56 = arith.constant 0 : index
      %swap3A_57 = arith.constant 64 : index
      %swap3A_58 = vector.load %arg5[%swap3A_56, %swap3A_57] : memref<1024x66xf32, #tpu.memory_space<vmem>>, vector<1024x1xf32>
      tpu.vector_store %arg5[%swap3A_56, %swap3A_57], %broadcast_in_dim3A_55 {strides = array<i32>} : memref<1024x66xf32, #tpu.memory_space<vmem>>, vector<1024x1xf32>,
      %mul3A_59 = arith.mulf %get3A_47, %get3A_47 : vector<1024x64xf32>
      %reduce_sum3A_60 = arith.constant dense<0.000000e+00> : vector<1024xf32>
      %reduce_sum3A_61 = vector.multi_reduction <add>, %mul3A_59, %reduce_sum3A_60 [1] : vector<1024x64xf32> to vector<1024xf32>
      %broadcast_in_dim3A_62 = vector.shape_cast %reduce_sum3A_61 : vector<1024xf32> to vector<1024x1xf32>
      %neg3A = arith.constant 0.000000e+00 : f32
      %neg3A_63 = vector.broadcast %neg3A : f32 to vector<1024x1xf32>
      %neg3A_64 = arith.subf %neg3A_63, %broadcast_in_dim3A_62 : vector<1024x1xf32>
      %swap3A_65 = arith.constant 0 : index
      %swap3A_66 = arith.constant 65 : index
      %swap3A_67 = vector.load %arg5[%swap3A_65, %swap3A_66] : memref<1024x66xf32, #tpu.memory_space<vmem>>, vector<1024x1xf32>
      tpu.vector_store %arg5[%swap3A_65, %swap3A_66], %neg3A_64 {strides = array<i32>} : memref<1024x66xf32, #tpu.memory_space<vmem>>, vector<1024x1xf32>,
      %broadcast_in_dim3A_68 = arith.constant 0xFF800000 : f32
      %broadcast_in_dim3A_69 = vector.broadcast %broadcast_in_dim3A_68 : f32 to vector<8x1024xf32>
      %swap3A_70 = arith.constant 0 : index
      %swap3A_71 = arith.constant 0 : index
      %swap3A_72 = vector.load %arg7[%swap3A_70, %swap3A_71] : memref<8x1024xf32, #tpu.memory_space<vmem>>, vector<8x1024xf32>
      tpu.vector_store %arg7[%swap3A_70, %swap3A_71], %broadcast_in_dim3A_69 {strides = array<i32>} : memref<8x1024xf32, #tpu.memory_space<vmem>>, vector<8x1024xf32>,
      %broadcast_in_dim3A_73 = arith.constant 0 : i32
      %broadcast_in_dim3A_74 = vector.broadcast %broadcast_in_dim3A_73 : i32 to vector<8x1024xi32>
      %swap3A_75 = arith.constant 0 : index
      %swap3A_76 = arith.constant 0 : index
      %swap3A_77 = vector.load %arg8[%swap3A_75, %swap3A_76] : memref<8x1024xi32, #tpu.memory_space<vmem>>, vector<8x1024xi32>
      tpu.vector_store %arg8[%swap3A_75, %swap3A_76], %broadcast_in_dim3A_74 {strides = array<i32>} : memref<8x1024xi32, #tpu.memory_space<vmem>>, vector<8x1024xi32>,
    } else {
    }
    %get3A = arith.constant 0 : index
    %get3A_2 = arith.constant 0 : index
    %get3A_3 = vector.load %arg2[%get3A, %get3A_2] : memref<2048x64xf32, #tpu.memory_space<vmem>>, vector<2048x64xf32>
    %swap3A = arith.constant 0 : index
    %swap3A_4 = arith.constant 0 : index
    %swap3A_5 = vector.load %arg6[%swap3A, %swap3A_4] : memref<2048x66xf32, #tpu.memory_space<vmem>>, vector<2048x64xf32>
    tpu.vector_store %arg6[%swap3A, %swap3A_4], %get3A_3 {strides = array<i32>} : memref<2048x66xf32, #tpu.memory_space<vmem>>, vector<2048x64xf32>,
    %mul3A = arith.mulf %get3A_3, %get3A_3 : vector<2048x64xf32>
    %reduce_sum3A = arith.constant dense<0.000000e+00> : vector<2048xf32>
    %reduce_sum3A_6 = vector.multi_reduction <add>, %mul3A, %reduce_sum3A [1] : vector<2048x64xf32> to vector<2048xf32>
    %broadcast_in_dim3A = vector.shape_cast %reduce_sum3A_6 : vector<2048xf32> to vector<2048x1xf32>
    %swap3A_7 = arith.constant 0 : index
    %swap3A_8 = arith.constant 64 : index
    %swap3A_9 = vector.load %arg6[%swap3A_7, %swap3A_8] : memref<2048x66xf32, #tpu.memory_space<vmem>>, vector<2048x1xf32>
    tpu.vector_store %arg6[%swap3A_7, %swap3A_8], %broadcast_in_dim3A {strides = array<i32>} : memref<2048x66xf32, #tpu.memory_space<vmem>>, vector<2048x1xf32>,
    %broadcast_in_dim3A_10 = arith.constant 1.000000e+00 : f32
    %broadcast_in_dim3A_11 = vector.broadcast %broadcast_in_dim3A_10 : f32 to vector<2048x1xf32>
    %swap3A_12 = arith.constant 0 : index
    %swap3A_13 = arith.constant 65 : index
    %swap3A_14 = vector.load %arg6[%swap3A_12, %swap3A_13] : memref<2048x66xf32, #tpu.memory_space<vmem>>, vector<2048x1xf32>
    tpu.vector_store %arg6[%swap3A_12, %swap3A_13], %broadcast_in_dim3A_11 {strides = array<i32>} : memref<2048x66xf32, #tpu.memory_space<vmem>>, vector<2048x1xf32>,
    %get3A_15 = arith.constant 0 : index
    %get3A_16 = arith.constant 0 : index
    %get3A_17 = vector.load %arg6[%get3A_15, %get3A_16] : memref<2048x66xf32, #tpu.memory_space<vmem>>, vector<2048x66xf32>
    %get3A_18 = arith.constant 0 : index
    %get3A_19 = arith.constant 0 : index
    %get3A_20 = vector.load %arg5[%get3A_18, %get3A_19] : memref<1024x66xf32, #tpu.memory_space<vmem>>, vector<1024x66xf32>
    %dot_general3A = arith.constant dense<0.000000e+00> : vector<2048x1024xf32>
    %dot_general3A_21 = tpu.matmul %get3A_17, %get3A_20, %dot_general3A {dimension_numbers = #tpu.dot_dimension_numbers<[1], [1], [0], [0], [0, 0, 1, 0], [], []>, precision = #tpu.contract_precision<fp32>, transpose_lhs_hint = false} : vector<2048x66xf32>, vector<1024x66xf32>, vector<2048x1024xf32> -> vector<2048x1024xf32>
    %swap3A_22 = arith.constant 0 : index
    %swap3A_23 = arith.constant 0 : index
    %swap3A_24 = vector.load %arg3[%swap3A_22, %swap3A_23] : memref<2048x1024xf32, #tpu.memory_space<vmem>>, vector<2048x1024xf32>
    tpu.vector_store %arg3[%swap3A_22, %swap3A_23], %dot_general3A_21 {strides = array<i32>} : memref<2048x1024xf32, #tpu.memory_space<vmem>>, vector<2048x1024xf32>,
    %mul3A_25 = arith.constant 2048 : i32
    %mul3A_26 = arith.muli %arg0, %mul3A_25 : i32
    %iota3A = tpu.iota {dimensions = array<i32: 0>} : vector<2048x1024xi32>
    %add3A = vector.broadcast %mul3A_26 : i32 to vector<2048x1024xi32>
    %add3A_27 = arith.addi %add3A, %iota3A : vector<2048x1024xi32>
    %lt3A = arith.constant 48 : i32
    %lt3A_28 = arith.cmpi slt, %arg0, %lt3A : i32
    %convert_element_type3A_29 = arith.extui %lt3A_28 : i1 to i32
    %cond3A_30 = arith.constant 2147483647 : i32
    %cond3A_31 = arith.constant 0 : i32
    %cond3A_32 = arith.cmpi ne, %convert_element_type3A_29, %cond3A_31 : i32
    scf.if %cond3A_32 {
      %reduce_max3A = arith.constant dense<0xFF800000> : vector<1024xf32>
      %reduce_max3A_45 = vector.multi_reduction <maximumf>, %dot_general3A_21, %reduce_max3A [0] : vector<2048x1024xf32> to vector<1024xf32>
      %broadcast_in_dim3A_46 = vector.shape_cast %reduce_max3A_45 : vector<1024xf32> to vector<1x1024xf32>
      %eq3A_47 = vector.broadcast %broadcast_in_dim3A_46 : vector<1x1024xf32> to vector<2048x1024xf32>
      %eq3A_48 = arith.cmpf oeq, %dot_general3A_21, %eq3A_47 : vector<2048x1024xf32>
      %broadcast_in_dim3A_49 = vector.broadcast %cond3A_30 : i32 to vector<2048x1024xi32>
      %select_n3A = arith.select %eq3A_48, %add3A_27, %broadcast_in_dim3A_49 : vector<2048x1024xi1>, vector<2048x1024xi32>
      %reduce_min3A = arith.constant dense<2147483647> : vector<1024xi32>
      %reduce_min3A_50 = vector.multi_reduction <minsi>, %select_n3A, %reduce_min3A [0] : vector<2048x1024xi32> to vector<1024xi32>
      %broadcast_in_dim3A_51 = vector.shape_cast %reduce_min3A_50 : vector<1024xi32> to vector<1x1024xi32>
      %broadcast_in_dim3A_52 = vector.shape_cast %broadcast_in_dim3A_46 : vector<1x1024xf32> to vector<1x1024xf32>
      %broadcast_in_dim3A_53 = vector.broadcast %broadcast_in_dim3A_52 : vector<1x1024xf32> to vector<8x1024xf32>
      %broadcast_in_dim3A_54 = vector.shape_cast %broadcast_in_dim3A_51 : vector<1x1024xi32> to vector<1x1024xi32>
      %broadcast_in_dim3A_55 = vector.broadcast %broadcast_in_dim3A_54 : vector<1x1024xi32> to vector<8x1024xi32>
      %get3A_56 = arith.constant 0 : index
      %get3A_57 = arith.constant 0 : index
      %get3A_58 = vector.load %arg7[%get3A_56, %get3A_57] : memref<8x1024xf32, #tpu.memory_space<vmem>>, vector<8x1024xf32>
      %gt3A = arith.cmpf ogt, %broadcast_in_dim3A_53, %get3A_58 : vector<8x1024xf32>
      %get3A_59 = arith.constant 0 : index
      %get3A_60 = arith.constant 0 : index
      %get3A_61 = vector.load %arg7[%get3A_59, %get3A_60] : memref<8x1024xf32, #tpu.memory_space<vmem>>, vector<8x1024xf32>
      %select_n3A_62 = arith.select %gt3A, %broadcast_in_dim3A_53, %get3A_61 : vector<8x1024xi1>, vector<8x1024xf32>
      %swap3A_63 = arith.constant 0 : index
      %swap3A_64 = arith.constant 0 : index
      %swap3A_65 = vector.load %arg7[%swap3A_63, %swap3A_64] : memref<8x1024xf32, #tpu.memory_space<vmem>>, vector<8x1024xf32>
      tpu.vector_store %arg7[%swap3A_63, %swap3A_64], %select_n3A_62 {strides = array<i32>} : memref<8x1024xf32, #tpu.memory_space<vmem>>, vector<8x1024xf32>,
      %get3A_66 = arith.constant 0 : index
      %get3A_67 = arith.constant 0 : index
      %get3A_68 = vector.load %arg8[%get3A_66, %get3A_67] : memref<8x1024xi32, #tpu.memory_space<vmem>>, vector<8x1024xi32>
      %select_n3A_69 = arith.select %gt3A, %broadcast_in_dim3A_55, %get3A_68 : vector<8x1024xi1>, vector<8x1024xi32>
      %swap3A_70 = arith.constant 0 : index
      %swap3A_71 = arith.constant 0 : index
      %swap3A_72 = vector.load %arg8[%swap3A_70, %swap3A_71] : memref<8x1024xi32, #tpu.memory_space<vmem>>, vector<8x1024xi32>
      tpu.vector_store %arg8[%swap3A_70, %swap3A_71], %select_n3A_69 {strides = array<i32>} : memref<8x1024xi32, #tpu.memory_space<vmem>>, vector<8x1024xi32>,
    } else {
    }
    %eq3A_33 = arith.constant 48 : i32
    %eq3A_34 = arith.cmpi eq, %arg0, %eq3A_33 : i32
    %convert_element_type3A_35 = arith.extui %eq3A_34 : i1 to i32
    %cond3A_36 = arith.constant 2147483647 : i32
    %cond3A_37 = arith.constant 0 : i32
    %cond3A_38 = arith.cmpi ne, %convert_element_type3A_35, %cond3A_37 : i32
    scf.if %cond3A_38 {
      %lt3A_45 = arith.constant 100000 : i32
      %lt3A_46 = vector.broadcast %lt3A_45 : i32 to vector<2048x1024xi32>
      %lt3A_47 = arith.cmpi slt, %add3A_27, %lt3A_46 : vector<2048x1024xi32>
      %jit3A = arith.constant 0xFF800000 : f32
      %broadcast_in_dim3A_48 = vector.broadcast %jit3A : f32 to vector<2048x1024xf32>
      %select_n3A = arith.select %lt3A_47, %dot_general3A_21, %broadcast_in_dim3A_48 : vector<2048x1024xi1>, vector<2048x1024xf32>
      %reduce_max3A = arith.constant dense<0xFF800000> : vector<1024xf32>
      %reduce_max3A_49 = vector.multi_reduction <maximumf>, %select_n3A, %reduce_max3A [0] : vector<2048x1024xf32> to vector<1024xf32>
      %broadcast_in_dim3A_50 = vector.shape_cast %reduce_max3A_49 : vector<1024xf32> to vector<1x1024xf32>
      %eq3A_51 = vector.broadcast %broadcast_in_dim3A_50 : vector<1x1024xf32> to vector<2048x1024xf32>
      %eq3A_52 = arith.cmpf oeq, %select_n3A, %eq3A_51 : vector<2048x1024xf32>
      %broadcast_in_dim3A_53 = vector.broadcast %cond3A_36 : i32 to vector<2048x1024xi32>
      %select_n3A_54 = arith.select %eq3A_52, %add3A_27, %broadcast_in_dim3A_53 : vector<2048x1024xi1>, vector<2048x1024xi32>
      %reduce_min3A = arith.constant dense<2147483647> : vector<1024xi32>
      %reduce_min3A_55 = vector.multi_reduction <minsi>, %select_n3A_54, %reduce_min3A [0] : vector<2048x1024xi32> to vector<1024xi32>
      %broadcast_in_dim3A_56 = vector.shape_cast %reduce_min3A_55 : vector<1024xi32> to vector<1x1024xi32>
      %broadcast_in_dim3A_57 = vector.shape_cast %broadcast_in_dim3A_50 : vector<1x1024xf32> to vector<1x1024xf32>
      %broadcast_in_dim3A_58 = vector.broadcast %broadcast_in_dim3A_57 : vector<1x1024xf32> to vector<8x1024xf32>
      %broadcast_in_dim3A_59 = vector.shape_cast %broadcast_in_dim3A_56 : vector<1x1024xi32> to vector<1x1024xi32>
      %broadcast_in_dim3A_60 = vector.broadcast %broadcast_in_dim3A_59 : vector<1x1024xi32> to vector<8x1024xi32>
      %get3A_61 = arith.constant 0 : index
      %get3A_62 = arith.constant 0 : index
      %get3A_63 = vector.load %arg7[%get3A_61, %get3A_62] : memref<8x1024xf32, #tpu.memory_space<vmem>>, vector<8x1024xf32>
      %gt3A = arith.cmpf ogt, %broadcast_in_dim3A_58, %get3A_63 : vector<8x1024xf32>
      %get3A_64 = arith.constant 0 : index
      %get3A_65 = arith.constant 0 : index
      %get3A_66 = vector.load %arg7[%get3A_64, %get3A_65] : memref<8x1024xf32, #tpu.memory_space<vmem>>, vector<8x1024xf32>
      %select_n3A_67 = arith.select %gt3A, %broadcast_in_dim3A_58, %get3A_66 : vector<8x1024xi1>, vector<8x1024xf32>
      %swap3A_68 = arith.constant 0 : index
      %swap3A_69 = arith.constant 0 : index
      %swap3A_70 = vector.load %arg7[%swap3A_68, %swap3A_69] : memref<8x1024xf32, #tpu.memory_space<vmem>>, vector<8x1024xf32>
      tpu.vector_store %arg7[%swap3A_68, %swap3A_69], %select_n3A_67 {strides = array<i32>} : memref<8x1024xf32, #tpu.memory_space<vmem>>, vector<8x1024xf32>,
      %get3A_71 = arith.constant 0 : index
      %get3A_72 = arith.constant 0 : index
      %get3A_73 = vector.load %arg8[%get3A_71, %get3A_72] : memref<8x1024xi32, #tpu.memory_space<vmem>>, vector<8x1024xi32>
      %select_n3A_74 = arith.select %gt3A, %broadcast_in_dim3A_60, %get3A_73 : vector<8x1024xi1>, vector<8x1024xi32>
      %swap3A_75 = arith.constant 0 : index
      %swap3A_76 = arith.constant 0 : index
      %swap3A_77 = vector.load %arg8[%swap3A_75, %swap3A_76] : memref<8x1024xi32, #tpu.memory_space<vmem>>, vector<8x1024xi32>
      tpu.vector_store %arg8[%swap3A_75, %swap3A_76], %select_n3A_74 {strides = array<i32>} : memref<8x1024xi32, #tpu.memory_space<vmem>>, vector<8x1024xi32>,
    } else {
    }
    %get3A_39 = arith.constant 0 : index
    %get3A_40 = arith.constant 0 : index
    %get3A_41 = vector.load %arg8[%get3A_39, %get3A_40] : memref<8x1024xi32, #tpu.memory_space<vmem>>, vector<8x1024xi32>
    %swap3A_42 = arith.constant 0 : index
    %swap3A_43 = arith.constant 0 : index
    %swap3A_44 = vector.load %arg4[%swap3A_42, %swap3A_43] : memref<8x1024xi32, #tpu.memory_space<vmem>>, vector<8x1024xi32>
    tpu.vector_store %arg4[%swap3A_42, %swap3A_43], %get3A_41 {strides = array<i32>} : memref<8x1024xi32, #tpu.memory_space<vmem>>, vector<8x1024xi32>,
    return
  }
  func.func @transform_0(%arg0: i32) -> (i32, i32) {
    %c0_i32 = arith.constant 0 : i32
    %c0_i32_0 = arith.constant 0 : i32
    %c0_i32_1 = arith.constant 0 : i32
    return %c0_i32, %c0_i32_0 : i32, i32
  }
  func.func @transform_1(%arg0: i32) -> (i32, i32) {
    %c0_i32 = arith.constant 0 : i32
    %c0_i32_0 = arith.constant 0 : i32
    return %arg0, %c0_i32 : i32, i32
  }
  func.func @transform_2(%arg0: i32) -> (i32, i32) {
    %c0_i32 = arith.constant 0 : i32
    %c0_i32_0 = arith.constant 0 : i32
    return %arg0, %c0_i32 : i32, i32
  }
  func.func @transform_3(%arg0: i32) -> (i32, i32) {
    %c0_i32 = arith.constant 0 : i32
    %c0_i32_0 = arith.constant 0 : i32
    %c0_i32_1 = arith.constant 0 : i32
    return %c0_i32, %c0_i32_0 : i32, i32
  }
}

</mosaic_0001>

<sc_bundles>
// kernel: kernel.4.cloned.1.call-start
scs
__scs_entry_jumppad:
0x0: {  	(pc) =	sbr.rel $0x88, $3  }
0x1: {  	(tag) =	ssettag $0x0;
	lr =	simm.s32 $0x1  }
0x2: {  	[smem:$0x3F9E] =	sst lr;
	_ =	strace $0xD0000000  }
0x3: {  	_ = 	snop  }
0x4: {  	_ = 	snop  }
0x5: {  	_ = 	snop  }
0x6: {  	_ = 	snop  }
0x7: {  	_ = 	snop  }
__scs_overlays_trampoline_lowered:
0x8: {  	[smem:$0x3FAD] =	sst s0  }
0x9: {  	[smem:$0x3FAE] =	sst s1  }
0xa: {  	[smem:$0x3FAF] =	sst s2  }
0xb: {  	[smem:$0x3FB0] =	sst s3  }
0xc: {  	[smem:$0x3FB1] =	sst s4  }
0xd: {  	[smem:$0x3FB2] =	sst s5  }
0xe: {  	[smem:$0x3FB3] =	sst s6  }
0xf: {  	[smem:$0x3FB4] =	sst s7  }
0x10: {  	[smem:$0x3FB5] =	sst s8  }
0x11: {  	[smem:$0x3FB6] =	sst s9;
	s0 =	simm.s32 @!p0 $0x0  }
0x12: {  	s1 =	sld [smem:$0x3F9C];
	s0 =	simm.s32 @p0 $0x1  }
0x13: {  	[smem:$0x3FB7] =	sst s0;
	s0 =	simm.s32 @!p1 $0x0  }
0x14: {  	s2 =	sld [smem:$0x3F9B];
	s0 =	simm.s32 @p1 $0x1  }
0x15: {  	[smem:$0x3FB8] =	sst s0;
	s0 =	simm.s32 @!p2 $0x0  }
0x16: {  	s3 =	sld [smem:$0x3FDB];
	s0 =	simm.s32 @p2 $0x1  }
0x17: {  	s4 =	simm.s32 $0x1BF5;
	[smem:$0x3FBA] =	sst s0  }
0x18: {  	s0 =	sld [smem:$0x3F9D];
	_ =	swait.ge [sflag:s4], $0x0  }
0x19: {  	s7 =	sld [smem:$0x3F9E]  }
0x1a: {  	s8 =	sadd.s32 $0xFFFFE003, lr  }
0x1b: {  	s9 =	sadd.s32 $0xFFFFFEF7, lr;
	s5 =	simm.s32 $0xFFFFFFFF;
	p2 =	slt.u32 s8, $0xFFFFF086  }
0x1c: {  	p1 =	slt.u32 s9, $0xF7A;
	s5 =	simm.s32 @!p2 $0x0  }
0x1d: {  	s5 =	simm.s32 @p1 $0x1;
	p0 =	seq.s32 s7, s2  }
0x1e: {  	s7 =	smul.u32 @!p0 $0xF7A, s2;
	p2 =	seq.s32 @!p0 s5, $0x0  }
0x1f: {  	s9 =	smul.u32 $0xF7A, s1;
	s8 =	simm.s32 @!p0 $0x1BF5;
	p2 =	por !p2, p0  }
0x20: {  	[sflag:s8] =	ssyncset.s32 @!p0 $0xFFFFF086;
	s6 =	sadd.s32 @!p0 s3, s7;
	s7 =	simm.s32 @!p0 $0x108  }
0x21: {  	s3 =	sadd.s32 s3, s9;
	s6 =	sadd.s32 @!p0 $0x88, s6;
	s7 =	simm.s32 @p2 $0x1082  }
0x22: {  	[simem:s7], [sflag:s8] =	dma.local @!p0 [hbm:s6], $0xF7A  }
0x23: {  	s9 =	sor.u32 $0xD0000000, s2;
	s6 =	simm.s32 $0x108;
	_ =	swait.ge @!p0 [sflag:s8], $0x0  }
0x24: {  	s3 =	sadd.s32 $0x88, s3;
	s6 =	simm.s32 @!p1 $0x1082;
	[sflag:s4] =	ssyncset.s32 $0xFFFFF086  }
0x25: {  	[simem:s6], [sflag:s4] =	dma.local [hbm:s3], $0xF7A  }
0x26: {  	[smem:$0x3F9E] =	sst s1;
	(tag) =	ssettag s2;
	_ =	strace s9  }
0x27: {  	s1 =	sld [smem:$0x3FAE]  }
0x28: {  	s2 =	sld [smem:$0x3FAF]  }
0x29: {  	s4 =	sld [smem:$0x3FB1]  }
0x2a: {  	p0 =	seq.s32 s5, $0x0;
	s5 =	sld [smem:$0x3FB2]  }
0x2b: {  	s6 =	sld [smem:$0x3FB3]  }
0x2c: {  	s7 =	sld [smem:$0x3FB4]  }
0x2d: {  	s3 =	simm.s32 $0x108;
	s8 =	sld [smem:$0x3FB5]  }
0x2e: {  	s3 =	simm.s32 @!p0 $0x1082;
	s9 =	sld [smem:$0x3FB6]  }
0x2f: {  	lr =	sadd.s32 s0, s3;
	s0 =	sld [smem:$0x3FAD]  }
0x30: {  	s3 =	sld [smem:$0x3FB0]  }
0x31: {  	[smem:$0x3FB9] =	sst s10  }
0x32: {  	s10 =	sld [smem:$0x3FB7];
	_ =	sdelay $0x3  }
0x33: {  	p0 =	seq.s32 s10, $0x1;
	s10 =	sld [smem:$0x3FB9];
	_ =	sdelay $0x3  }
0x34: {  	[smem:$0x3FB9] =	sst s10  }
0x35: {  	s10 =	sld [smem:$0x3FB8];
	_ =	sdelay $0x3  }
0x36: {  	p1 =	seq.s32 s10, $0x1;
	s10 =	sld [smem:$0x3FB9];
	_ =	sdelay $0x3  }
0x37: {  	[smem:$0x3FB9] =	sst s10  }
0x38: {  	s10 =	sld [smem:$0x3FBA]  }
0x39: {  	_ = 	snop;
	(pc) =	sbr.ind lr, $3  }
0x3a: {  	_ = 	snop  }
0x3b: {  	_ = 	snop  }
0x3c: {  	p2 =	seq.s32 s10, $0x1;
	s10 =	sld [smem:$0x3FB9]  }
0x3d: {  	_ =	shalt  }
0x3e: {  	_ =	shalt  }
0x3f: {  	_ =	shalt  }
0x40: {  	_ =	shalt  }
0x41: {  	_ =	shalt  }
0x42: {  	_ =	shalt  }
0x43: {  	_ =	shalt  }
0x44: {  	_ =	shalt  }
0x45: {  	_ =	shalt  }
0x46: {  	_ =	shalt  }
0x47: {  	_ =	shalt  }
0x48: {  	_ =	shalt  }
0x49: {  	_ =	shalt  }
0x4a: {  	_ =	shalt  }
0x4b: {  	_ =	shalt  }
0x4c: {  	_ =	shalt  }
0x4d: {  	_ =	shalt  }
0x4e: {  	_ =	shalt  }
0x4f: {  	_ =	shalt  }
0x50: {  	_ =	shalt  }
0x51: {  	_ =	shalt  }
0x52: {  	_ =	shalt  }
0x53: {  	_ =	shalt  }
0x54: {  	_ =	shalt  }
0x55: {  	_ =	shalt  }
0x56: {  	_ =	shalt  }
0x57: {  	_ =	shalt  }
0x58: {  	_ =	shalt  }
0x59: {  	_ =	shalt  }
0x5a: {  	_ =	shalt  }
0x5b: {  	_ =	shalt  }
0x5c: {  	_ =	shalt  }
0x5d: {  	_ =	shalt  }
0x5e: {  	_ =	shalt  }
0x5f: {  	_ =	shalt  }
0x60: {  	_ =	shalt  }
0x61: {  	_ =	shalt  }
0x62: {  	_ =	shalt  }
0x63: {  	_ =	shalt  }
0x64: {  	_ =	shalt  }
0x65: {  	_ =	shalt  }
0x66: {  	_ =	shalt  }
0x67: {  	_ =	shalt  }
0x68: {  	_ =	shalt  }
0x69: {  	_ =	shalt  }
0x6a: {  	_ =	shalt  }
0x6b: {  	_ =	shalt  }
0x6c: {  	_ =	shalt  }
0x6d: {  	_ =	shalt  }
0x6e: {  	_ =	shalt  }
0x6f: {  	_ =	shalt  }
0x70: {  	_ =	shalt  }
0x71: {  	_ =	shalt  }
0x72: {  	_ =	shalt  }
0x73: {  	_ =	shalt  }
0x74: {  	_ =	shalt  }
0x75: {  	_ =	shalt  }
0x76: {  	_ =	shalt  }
0x77: {  	_ =	shalt  }
0x78: {  	_ =	shalt  }
0x79: {  	_ =	shalt  }
0x7a: {  	_ =	shalt  }
0x7b: {  	_ =	shalt  }
0x7c: {  	_ =	shalt  }
0x7d: {  	_ =	shalt  }
0x7e: {  	_ =	shalt  }
0x7f: {  	_ =	shalt  }
0x80: {  	_ =	shalt  }
0x81: {  	_ =	shalt  }
0x82: {  	_ =	shalt  }
0x83: {  	_ =	shalt  }
0x84: {  	_ =	shalt  }
0x85: {  	_ =	shalt  }
0x86: {  	_ =	shalt  }
0x87: {  	_ =	shalt  }
.Lfunc_end0:
.L_simem_size_0:
called_computation_lowered:
.L_overlay_start_0:
0x88: {  	s2 =	sld [smem:$0x3FD9]  }
0x89: {  	s3 =	sld [smem:$0x3FFE];
	_ =	sdelay $0x1  }
0x8a: {  	s1 =	srdreg.scid  }
0x8b: {  	s0 =	sand.u32 $0x1, s1  }
0x8c: {  	s14 =	sshll.u32 s0, $0xA;
	s2 =	sadd.s32 s3, s2  }
0x8d: {  	s2 =	sadd.s32 s2, s14  }
0x8e: {  	[smem:$0x3FC5] =	sst s2  }
0x8f: {  	_ = 	snop  }
0x90: {  	s2 =	sld [smem:$0x3FD0];
	_ =	sdelay $0x2  }
0x91: {  	s15 =	simm.s32 $0xA;
	s4 =	simm.s32 $0x10  }
0x92: {  	[smem:s4], [sflag:s15] =	dma.local [hbm:s2], $0x1  }
0x93: {  	_ =	swait.eq [sflag:s15], $0x1  }
0x94: {  	[sflag:s15] =	ssyncset.done $0x0  }
0x95: {  	s16 =	sld [smem:$0x10];
	[sflag:s15] =	ssyncadd.s32 $0xFFFFFFFF  }
0x96: {  	s17 =	sld [smem:$0x11];
	(tm) =	ssettm $0x1  }
0x97: {  	s18 =	sld [smem:$0x3FFB];
	_ =	sdelay $0x3  }
0x98: {  	_ =	strace s18  }
0x99: {  	s4 =	sld [smem:$0x3FFC];
	_ =	sdelay $0x3  }
0x9a: {  	_ =	strace s4  }
0x9b: {  	s4 =	sld [smem:$0x3FFD];
	_ =	sdelay $0x3  }
0x9c: {  	_ =	strace s4  }
0x9d: {  	_ =	strace $0x8FFFFFFF  }
0x9e: {  	s19 =	sld [smem:$0x3FDB];
	_ =	sdelay $0x1  }
0x9f: {  	s5 =	simm.s32 $_scs_section_size  }
0xa0: {  	s6 =	simm.s32 $_size__tile_overlayer_lowered;
	s7 =	simm.s32 $_tile_overlayer_lowered  }
0xa1: {  	s22 =	simm.s32 $0x1BFF;
	s21 =	sshll.u32 s7, $0x1;
	s4 =	sadd.s32 s5, s19  }
0xa2: {  	s8 =	simm.s32 $0x0;
	s20 =	sshll.u32 s6, $0x1;
	s6 =	sadd.s32 s21, s4  }
0xa3: {  	[timem:s8], [sflag:s22] =	dma.local [hbm:s6], s20  }
0xa4: {  	_ =	swait.ge [sflag:s22], s20  }
0xa5: {  	s5 =	ssub.s32 $0x0, s20;
	[sflag:s22] =	ssyncset.done $0x0  }
0xa6: {  	[sflag:s22] =	ssyncadd.s32 s5;
	_ =	sdelay $0x1  }
0xa7: {  	s23 =	simm.s32 $0x1B8B  }
0xa8: {  	_ =	swait.ge [sflag:s23], $0x1  }
0xa9: {  	[sflag:s23] =	ssyncset.done $0x0  }
0xaa: {  	s25 =	simm.s32 $0x1B8E;
	s24 =	sld [smem:$0x3FFE];
	[sflag:s23] =	ssyncadd.s32 $0xFFFFFFFF  }
0xab: {  	s26 =	simm.s32 $execute0_lowered;
	[smem:$0x3FD2] =	sst s25  }
0xac: {  	s6 =	sshll.u32 s26, $0x1;
	_ =	strace $0x80000046;
	[dreg:$0x1] =	wrdreg $0xFFFFFFFF  }
0xad: {  	s28 =	simm.s32 $_size_execute0_lowered;
	s4 =	sadd.s32 s4, s6;
	[dreg:$0x0] =	wrdreg $0x0  }
0xae: {  	s6 =	sshll.u32 s28, $0x1;
	[dreg:$0x2] =	wrdreg s4  }
0xaf: {  	[dreg:$0x3] =	wrdreg s6  }
0xb0: {  	[dreg:$0x4] =	wrdreg $0xC0  }
0xb1: {  	_ =	task [dreg:s8], $0x5FFFF  }
0xb2: {  	[dreg:$0x1] =	wrdreg $0xFFFFFFFF  }
0xb3: {  	[dreg:$0x0] =	wrdreg $0x60  }
0xb4: {  	[dreg:$0x2] =	wrdreg s24  }
0xb5: {  	[dreg:$0x3] =	wrdreg s17  }
0xb6: {  	[dreg:$0x4] =	wrdreg s16  }
0xb7: {  	[dreg:$0x5] =	wrdreg $0x9  }
0xb8: {  	_ =	task.clear_ibuf [dreg:s8], $0x6FFFF;
	_ =	strace $0x90000046  }
0xb9: {  	s29 =	simm.s32 $0x9;
	_ =	strace $0x80000048  }
0xba: {  	_ =	swait.ge [sflag:s29], $0x1  }
0xbb: {  	[sflag:s29] =	ssyncadd.s32 $0xFFFFFFFF  }
0xbc: {  	_ =	strace $0x90000048  }
0xbd: {  	_ =	sfence  }
0xbe: {  	s30 =	sld [smem:$0x0];
	_ =	sdelay $0x2  }
0xbf: {  	s31 =	sshll.u32 s1, $0xD;
	s1 =	sshrl.u32 s1, $0x2  }
0xc0: {  	s3 =	sand.u32 $0x4000, s31;
	s1 =	sadd.s32 s1, s30  }
0xc1: {  	s0 =	sor.u32 s3, s0;
	s1 =	sshll.u32 s1, $0x11  }
0xc2: {  	s0 =	sor.u32 s1, s0  }
0xc3: {  	s0 =	sadd.s32 $0x8F2B, s0  }
0xc4: {  	[sflag:s0] =	ssyncadd.remote.s32 $0x1  }
0xc5: {  	_ =	sfence.sel $0xFFFF  }
0xc6: {  	[dreg:$0x0] =	wrdreg $0xFFFFFFFF;
	(pc) =	sbr.abs _section_cstart, $3  }
0xc7: {  	[dreg:$0x1] =	wrdreg $0xFFFFFFFF  }
0xc8: {  	_ =	task.clear_ibuf [dreg:s8], $0x2FFFF;
	_ =	strace $0x9FFFFFFF  }
0xc9: {  	(tm) =	ssettm $0x7FFFFFFF  }
tec
execute0_lowered:
.L_overlay_start_1:
0x0: {  	(tag) =	ssettag $0x1  }
0x1: {  	s5 =	rddreg [dreg:$0x0]  }
0x2: {  	s6 =	rddreg [dreg:$0x1]  }
0x3: {  	s2 =	rddreg [dreg:$0x2];
	s3 =	srdreg.scid  }
0x4: {  	s0 =	rddreg [dreg:$0x3];
	s1 =	stileid.u32  }
0x5: {  	s12 =	simm.s32 $0x840;
	s13 =	simm.s32 $0x1;
	s4 =	sand.u32 $0x1, s3  }
0x6: {  	s3 =	simm.s32 $0x0;
	s7 =	sshll.u32 s1, $0x6;
	s8 =	sshll.u32 s4, $0x5  }
0x7: {  	[smem:$0x7FF] =	sst s3;
	s9 =	ssub.s32 $0x2, s4;
	s4 =	sadd.s32 $0xA00, s5  }
0x8: {  	s7 =	sor.u32 s8, s7;
	_ =	strace $0x80000047;
	s11 =	sshrl.u32 s9, $0x1  }
0x9: {  	s8 =	sshrl.u32 s7, $0x3;
	s7 =	sshll.u32 s7, $0x3;
	s9 =	ssub.s32 s9, s11  }
0xa: {  	s11 =	simm.s32 $0x40;
	s10 =	sadd.s32 s8, s5;
	s7 =	sadd.s32 s7, s5  }
0xb: {  	s6 =	sadd.s32 s6, s8;
	s8 =	smax.u32 s9, $0x1;
	s9 =	simm.s32 $0x2  }
0xc: {  	s5 =	sadd.s32 $0x800, s10;
	s7 =	sadd.s32 $0x188400, s7;
	s10 =	simm.s32 $0x20  }
.LBB2_1:
0xd: {  	[tilespmem:s3], [sflag:$0x2] =	stream.linear.gather [hbm4b:s5+s3], $0x20, $0x38;
	[tilespmem:$0x1040] =	vst v63  }
0xe: {  	_ =	swait.ge [sflag:s9], $0x20  }
0xf: {  	[sflag:s9] =	ssyncset.done $0x0  }
0x10: {  	[sflag:s9] =	ssyncadd.s32 $0xFFFFFFE0  }
0x11: {  	[tilespmem:s10], [sflag:$0x2] =	stream.linear.gather [hbm4b:s6+s3], $0x20, $0x38;
	[tilespmem:$0x1040] =	vst v63  }
0x12: {  	_ =	swait.ge [sflag:s9], $0x20  }
0x13: {  	[sflag:s9] =	ssyncset.done $0x0  }
0x14: {  	[sflag:s9] =	ssyncadd.s32 $0xFFFFFFE0  }
0x15: {  	[tilespmem:s11], [sflag:$0x1] =	stream.indirect.gather [hbm4b:s2+s10], $0x40, s3, s10, $0xb8;
	[tilespmem:$0x1040] =	vst v63  }
0x16: {  	_ = 	snop  }
0x17: {  	[tilespmem:s12], [sflag:$0x1] =	stream.indirect.gather [hbm4b:s4+s10], $0x40, s10, s10, $0xb8;
	[tilespmem:$0x1040] =	vst v63  }
0x18: {  	_ =	swait.ge [sflag:s13], $0x800  }
0x19: {  	[sflag:s13] =	ssyncset.done $0x0  }
0x1a: {  	[sflag:s13] =	ssyncadd.s32 $0xFFFFF800  }
0x1b: {  	_ =	swait.ge [sflag:s13], $0x800  }
0x1c: {  	[sflag:s13] =	ssyncset.done $0x0  }
0x1d: {  	[sflag:s13] =	ssyncadd.s32 $0xFFFFF800  }
0x1e: {  	v3 =	vld [tilespmem:$0x40]  }
0x1f: {  	v0 =	vld [tilespmem:$0x840]  }
0x20: {  	v4 =	vld [tilespmem:$0x50]  }
0x21: {  	v1 =	vld [tilespmem:$0x850]  }
0x22: {  	v6 =	vld [tilespmem:$0x60]  }
0x23: {  	v2 =	vld [tilespmem:$0x860]  }
0x24: {  	v8 =	vld [tilespmem:$0x70]  }
0x25: {  	v5 =	vld [tilespmem:$0x870]  }
0x26: {  	v10 =	vld [tilespmem:$0x80]  }
0x27: {  	v7 =	vld [tilespmem:$0x880]  }
0x28: {  	v12 =	vld [tilespmem:$0x90]  }
0x29: {  	v9 =	vld [tilespmem:$0x890]  }
0x2a: {  	v14 =	vld [tilespmem:$0xA0]  }
0x2b: {  	v11 =	vld [tilespmem:$0x8A0]  }
0x2c: {  	v16 =	vld [tilespmem:$0xB0]  }
0x2d: {  	v13 =	vld [tilespmem:$0x8B0]  }
0x2e: {  	v18 =	vld [tilespmem:$0xC0]  }
0x2f: {  	v15 =	vld [tilespmem:$0x8C0]  }
0x30: {  	v20 =	vld [tilespmem:$0xD0]  }
0x31: {  	v17 =	vld [tilespmem:$0x8D0]  }
0x32: {  	v22 =	vld [tilespmem:$0xE0]  }
0x33: {  	v19 =	vld [tilespmem:$0x8E0]  }
0x34: {  	v24 =	vld [tilespmem:$0xF0]  }
0x35: {  	v21 =	vld [tilespmem:$0x8F0]  }
0x36: {  	v26 =	vld [tilespmem:$0x100]  }
0x37: {  	v23 =	vld [tilespmem:$0x900]  }
0x38: {  	v28 =	vld [tilespmem:$0x110]  }
0x39: {  	v25 =	vld [tilespmem:$0x910]  }
0x3a: {  	v58 =	vld [tilespmem:$0x120]  }
0x3b: {  	v27 =	vld [tilespmem:$0x920]  }
0x3c: {  	v59 =	vld [tilespmem:$0x130]  }
0x3d: {  	v29 =	vld [tilespmem:$0x930]  }
0x3e: {  	v50 =	vld [tilespmem:$0x140]  }
0x3f: {  	v30 =	vld [tilespmem:$0x940]  }
0x40: {  	v47 =	vld [tilespmem:$0x150]  }
0x41: {  	v31 =	vld [tilespmem:$0x950]  }
0x42: {  	v38 =	vld [tilespmem:$0x160]  }
0x43: {  	v32 =	vld [tilespmem:$0x960]  }
0x44: {  	v39 =	vld [tilespmem:$0x170]  }
0x45: {  	v33 =	vld [tilespmem:$0x970]  }
0x46: {  	v36 =	vld [tilespmem:$0x180]  }
0x47: {  	v34 =	vld [tilespmem:$0x980]  }
0x48: {  	v40 =	vld [tilespmem:$0x190]  }
0x49: {  	v35 =	vld [tilespmem:$0x990]  }
0x4a: {  	v42 =	vld [tilespmem:$0x1A0]  }
0x4b: {  	v37 =	vld [tilespmem:$0x9A0]  }
0x4c: {  	v43 =	vld [tilespmem:$0x1B0]  }
0x4d: {  	v41 =	vld [tilespmem:$0x9B0]  }
0x4e: {  	v46 =	vld [tilespmem:$0x1C0]  }
0x4f: {  	v44 =	vld [tilespmem:$0x9C0]  }
0x50: {  	v49 =	vld [tilespmem:$0x1D0]  }
0x51: {  	v45 =	vld [tilespmem:$0x9D0]  }
0x52: {  	v52 =	vld [tilespmem:$0x1E0]  }
0x53: {  	v48 =	vld [tilespmem:$0x9E0]  }
0x54: {  	v63 =	vld [tilespmem:$0x240];
	_ =	sdelay $0x4  }
0x55: {  	[tilespmem:$0x1FAE0] =	vst v63;
	v63 =	vld [tilespmem:$0xA40];
	_ =	sdelay $0x4  }
0x56: {  	[tilespmem:$0x1FAF0] =	vst v63;
	v63 =	vld [tilespmem:$0x250];
	_ =	sdelay $0x4  }
0x57: {  	[tilespmem:$0x1FB00] =	vst v63;
	v63 =	vld [tilespmem:$0xA50];
	_ =	sdelay $0x4  }
0x58: {  	[tilespmem:$0x1FB10] =	vst v63;
	v63 =	vld [tilespmem:$0x260];
	_ =	sdelay $0x4  }
0x59: {  	[tilespmem:$0x1FB20] =	vst v63;
	v63 =	vld [tilespmem:$0xA60];
	_ =	sdelay $0x4  }
0x5a: {  	[tilespmem:$0x1FB30] =	vst v63;
	v63 =	vld [tilespmem:$0x270];
	_ =	sdelay $0x4  }
0x5b: {  	[tilespmem:$0x1FB40] =	vst v63;
	v63 =	vld [tilespmem:$0xA70];
	_ =	sdelay $0x4  }
0x5c: {  	[tilespmem:$0x1FB50] =	vst v63;
	v63 =	vld [tilespmem:$0x280];
	_ =	sdelay $0x4  }
0x5d: {  	[tilespmem:$0x1FB60] =	vst v63;
	v63 =	vld [tilespmem:$0xA80];
	_ =	sdelay $0x4  }
0x5e: {  	[tilespmem:$0x1FB70] =	vst v63;
	v63 =	vld [tilespmem:$0x290];
	_ =	sdelay $0x4  }
0x5f: {  	[tilespmem:$0x1FB80] =	vst v63;
	v63 =	vld [tilespmem:$0xA90];
	_ =	sdelay $0x4  }
0x60: {  	[tilespmem:$0x1FB90] =	vst v63;
	v63 =	vld [tilespmem:$0x2A0];
	_ =	sdelay $0x4  }
0x61: {  	[tilespmem:$0x1FBA0] =	vst v63;
	v63 =	vld [tilespmem:$0xAA0];
	_ =	sdelay $0x4  }
0x62: {  	[tilespmem:$0x1FBB0] =	vst v63;
	v63 =	vld [tilespmem:$0x2B0];
	_ =	sdelay $0x4  }
0x63: {  	[tilespmem:$0x1FBC0] =	vst v63;
	v63 =	vld [tilespmem:$0xAB0];
	_ =	sdelay $0x4  }
0x64: {  	[tilespmem:$0x1FBD0] =	vst v63;
	v63 =	vld [tilespmem:$0x2C0];
	_ =	sdelay $0x4  }
0x65: {  	[tilespmem:$0x1FBE0] =	vst v63;
	v63 =	vld [tilespmem:$0xAC0];
	_ =	sdelay $0x4  }
0x66: {  	[tilespmem:$0x1FBF0] =	vst v63;
	v63 =	vld [tilespmem:$0x2D0];
	_ =	sdelay $0x4  }
0x67: {  	[tilespmem:$0x1FC00] =	vst v63;
	v63 =	vld [tilespmem:$0xAD0];
	_ =	sdelay $0x4  }
0x68: {  	[tilespmem:$0x1FC10] =	vst v63;
	v63 =	vld [tilespmem:$0x2E0];
	_ =	sdelay $0x4  }
0x69: {  	[tilespmem:$0x1FC20] =	vst v63;
	v63 =	vld [tilespmem:$0xAE0];
	_ =	sdelay $0x4  }
0x6a: {  	[tilespmem:$0x1FC30] =	vst v63;
	v63 =	vld [tilespmem:$0x2F0];
	_ =	sdelay $0x4  }
0x6b: {  	[tilespmem:$0x1FC40] =	vst v63;
	v63 =	vld [tilespmem:$0xAF0];
	_ =	sdelay $0x4  }
0x6c: {  	[tilespmem:$0x1FC50] =	vst v63;
	v63 =	vld [tilespmem:$0x300];
	_ =	sdelay $0x4  }
0x6d: {  	[tilespmem:$0x1FC60] =	vst v63;
	v63 =	vld [tilespmem:$0xB00];
	_ =	sdelay $0x4  }
0x6e: {  	[tilespmem:$0x1FC70] =	vst v63;
	v63 =	vld [tilespmem:$0x310];
	_ =	sdelay $0x4  }
0x6f: {  	[tilespmem:$0x1FC80] =	vst v63;
	v63 =	vld [tilespmem:$0xB10];
	_ =	sdelay $0x4  }
0x70: {  	[tilespmem:$0x1FC90] =	vst v63;
	v63 =	vld [tilespmem:$0x320];
	_ =	sdelay $0x2  }
0x71: {  	v54 =	vld [tilespmem:$0x1F0]  }
0x72: {  	v51 =	vld [tilespmem:$0x9F0]  }
0x73: {  	[tilespmem:$0x1FCA0] =	vst v63;
	v63 =	vld [tilespmem:$0xB20]  }
0x74: {  	v56 =	vld [tilespmem:$0x200]  }
0x75: {  	v53 =	vld [tilespmem:$0xA00]  }
0x76: {  	v57 =	vld [tilespmem:$0x210]  }
0x77: {  	v61 =	vld [tilespmem:$0x230]  }
0x78: {  	[tilespmem:$0x1FCB0] =	vst v63;
	v63 =	vld [tilespmem:$0x330]  }
0x79: {  	v55 =	vld [tilespmem:$0xA10]  }
0x7a: {  	v62 =	vld [tilespmem:$0x220]  }
0x7b: {  	v60 =	vld [tilespmem:$0xA20]  }
0x7c: {  	[tilespmem:$0x1FAD0] =	vst v61;
	v61 =	vld [tilespmem:$0xA30]  }
0x7d: {  	[tilespmem:$0x1FCC0] =	vst v63;
	v63 =	vld [tilespmem:$0xB30]  }
0x7e: {  	v1 =	vadd.f32 v1, v4;
	v4 =	vld [tilespmem:$0xC70]  }
0x7f: {  	v5 =	vadd.f32 v5, v8;
	v8 =	vld [tilespmem:$0xC80]  }
0x80: {  	v7 =	vadd.f32 v7, v10;
	v10 =	vld [tilespmem:$0x490]  }
0x81: {  	v9 =	vadd.f32 v9, v12;
	v12 =	vld [tilespmem:$0xC90]  }
0x82: {  	[tilespmem:$0x1FCD0] =	vst v63;
	v63 =	vld [tilespmem:$0x340]  }
0x83: {  	v11 =	vadd.f32 v11, v14;
	v14 =	vld [tilespmem:$0x4A0]  }
0x84: {  	v13 =	vadd.f32 v13, v16;
	v16 =	vld [tilespmem:$0xCA0]  }
0x85: {  	v15 =	vadd.f32 v15, v18;
	v18 =	vld [tilespmem:$0x4B0]  }
0x86: {  	v17 =	vadd.f32 v17, v20;
	v20 =	vld [tilespmem:$0xCB0]  }
0x87: {  	[tilespmem:$0x1FCE0] =	vst v63;
	v63 =	vld [tilespmem:$0xB40]  }
0x88: {  	v19 =	vadd.f32 v19, v22;
	v22 =	vld [tilespmem:$0x4C0]  }
0x89: {  	v21 =	vadd.f32 v21, v24;
	v24 =	vld [tilespmem:$0xCC0]  }
0x8a: {  	v23 =	vadd.f32 v23, v26;
	v26 =	vld [tilespmem:$0x4D0]  }
0x8b: {  	v25 =	vadd.f32 v25, v28;
	v28 =	vadd.f32 v27, v58;
	v58 =	vld [tilespmem:$0xCD0]  }
0x8c: {  	[tilespmem:$0x1FCF0] =	vst v63;
	v63 =	vld [tilespmem:$0x350]  }
0x8d: {  	v29 =	vadd.f32 v29, v59;
	v59 =	vld [tilespmem:$0x4E0]  }
0x8e: {  	v30 =	vadd.f32 v30, v50;
	v50 =	vld [tilespmem:$0xCE0]  }
0x8f: {  	v31 =	vadd.f32 v31, v47;
	v47 =	vld [tilespmem:$0x4F0]  }
0x90: {  	v32 =	vadd.f32 v32, v38;
	v38 =	vld [tilespmem:$0xCF0]  }
0x91: {  	[tilespmem:$0x1FD00] =	vst v63;
	v63 =	vld [tilespmem:$0xB50]  }
0x92: {  	v33 =	vadd.f32 v33, v39;
	v39 =	vld [tilespmem:$0x500]  }
0x93: {  	v27 =	vld [tilespmem:$0x510]  }
0x94: {  	v0 =	vadd.f32 v0, v3;
	v44 =	vadd.f32 v44, v46;
	v3 =	vld [tilespmem:$0x550]  }
0x95: {  	v46 =	vadd.f32 v45, v49;
	v49 =	vadd.f32 v51, v54;
	v54 =	vld [tilespmem:$0x1FAD0]  }
0x96: {  	[tilespmem:$0x1FD10] =	vst v63;
	v63 =	vld [tilespmem:$0x360]  }
0x97: {  	v51 =	vadd.f32 v53, v56;
	v56 =	vld [tilespmem:$0x1FAE0]  }
0x98: {  	[tilespmem:$0x40] =	vst v0;
	v0 =	vadd.f32 v2, v6;
	v6 =	vld [tilespmem:$0x480]  }
0x99: {  	[tilespmem:$0x140] =	vst v30;
	v30 =	vld [tilespmem:$0xD00]  }
0x9a: {  	[tilespmem:$0xE0] =	vst v19;
	v19 =	vld [tilespmem:$0x520]  }
0x9b: {  	[tilespmem:$0x1FD20] =	vst v63;
	v63 =	vld [tilespmem:$0xB60]  }
0x9c: {  	[tilespmem:$0x80] =	vst v7;
	v7 =	vld [tilespmem:$0x530]  }
0x9d: {  	[tilespmem:$0x50] =	vst v1;
	v1 =	vld [tilespmem:$0x540]  }
0x9e: {  	v2 =	vld [tilespmem:$0xD40]  }
0x9f: {  	[tilespmem:$0x70] =	vst v5;
	v5 =	vld [tilespmem:$0x560]  }
0xa0: {  	[tilespmem:$0x1FD30] =	vst v63;
	v63 =	vld [tilespmem:$0x370]  }
0xa1: {  	[tilespmem:$0x60] =	vst v0;
	v0 =	vld [tilespmem:$0xD30]  }
0xa2: {  	[tilespmem:$0x1FFB0] =	vst v18;
	v18 =	vld [tilespmem:$0xD10]  }
0xa3: {  	[tilespmem:$0x1FF70] =	vst v10;
	v10 =	vld [tilespmem:$0xD20]  }
0xa4: {  	v48 =	vadd.f32 v48, v52;
	v52 =	vadd.f32 v55, v57;
	v57 =	vld [tilespmem:$0x1FAF0]  }
0xa5: {  	[tilespmem:$0x1FD40] =	vst v63;
	v63 =	vld [tilespmem:$0xB70]  }
0xa6: {  	[tilespmem:$0x1FF40] =	vst v4;
	v4 =	vld [tilespmem:$0xD50]  }
0xa7: {  	[tilespmem:$0x1FF60] =	vst v8;
	v8 =	vld [tilespmem:$0x570]  }
0xa8: {  	[tilespmem:$0x1FF50] =	vst v6;
	v6 =	vld [tilespmem:$0xD60]  }
0xa9: {  	[tilespmem:$0x90] =	vst v9;
	v1 =	vadd.f32 v2, v1;
	v2 =	vld [tilespmem:$0xEE0];
	v9 =	vadd.f32 v57, v56  }
0xaa: {  	[tilespmem:$0x1FD50] =	vst v63;
	v63 =	vld [tilespmem:$0x380]  }
0xab: {  	[tilespmem:$0x240] =	vst v9;
	v9 =	vld [tilespmem:$0xD70]  }
0xac: {  	v0 =	vadd.f32 v0, v7;
	v7 =	vld [tilespmem:$0x6E0]  }
0xad: {  	v53 =	vadd.f32 v60, v62;
	[tilespmem:$0xA0] =	vst v11;
	v60 =	vld [tilespmem:$0x1FB00]  }
0xae: {  	[tilespmem:$0xB0] =	vst v13;
	v55 =	vadd.f32 v61, v54;
	v10 =	vadd.f32 v10, v19;
	v61 =	vld [tilespmem:$0x1FB10]  }
0xaf: {  	[tilespmem:$0x1FD60] =	vst v63;
	v63 =	vld [tilespmem:$0xB80]  }
0xb0: {  	[tilespmem:$0x520] =	vst v10;
	v10 =	vadd.f32 v9, v8;
	v8 =	vld [tilespmem:$0x710]  }
0xb1: {  	[tilespmem:$0xD0] =	vst v17;
	v9 =	vld [tilespmem:$0xF10]  }
0xb2: {  	[tilespmem:$0xF0] =	vst v21;
	v62 =	vld [tilespmem:$0x1FB20]  }
0xb3: {  	[tilespmem:$0x1FFA0] =	vst v16;
	v16 =	vld [tilespmem:$0x1FB30]  }
0xb4: {  	[tilespmem:$0x1FD70] =	vst v63;
	v63 =	vld [tilespmem:$0x390]  }
0xb5: {  	[tilespmem:$0x1FF80] =	vst v12;
	v17 =	vld [tilespmem:$0x1FB40]  }
0xb6: {  	[tilespmem:$0x1FFC0] =	vst v20;
	v20 =	vld [tilespmem:$0x1FB50]  }
0xb7: {  	[tilespmem:$0x1FF90] =	vst v14;
	v21 =	vld [tilespmem:$0x1FB60]  }
0xb8: {  	[tilespmem:$0x1FFD0] =	vst v22;
	v22 =	vld [tilespmem:$0x1FB70]  }
0xb9: {  	v11 =	vadd.f32 v61, v60;
	[tilespmem:$0x1FD80] =	vst v63;
	v63 =	vld [tilespmem:$0xB90]  }
0xba: {  	[tilespmem:$0x570] =	vst v10;
	v10 =	vld [tilespmem:$0x720];
	v12 =	vadd.f32 v16, v62  }
0xbb: {  	[tilespmem:$0x250] =	vst v11;
	v11 =	vld [tilespmem:$0x580];
	v13 =	vadd.f32 v20, v17  }
0xbc: {  	[tilespmem:$0x260] =	vst v12;
	v12 =	vld [tilespmem:$0xD80]  }
0xbd: {  	[tilespmem:$0x270] =	vst v13;
	v13 =	vld [tilespmem:$0x590]  }
0xbe: {  	v14 =	vadd.f32 v22, v21;
	[tilespmem:$0x1FD90] =	vst v63;
	v63 =	vld [tilespmem:$0x3A0]  }
0xbf: {  	[tilespmem:$0x100] =	vst v23;
	v23 =	vld [tilespmem:$0x1FB80]  }
0xc0: {  	[tilespmem:$0x280] =	vst v14;
	v14 =	vld [tilespmem:$0xD90]  }
0xc1: {  	[tilespmem:$0x1FFE0] =	vst v24;
	v24 =	vld [tilespmem:$0x1FB90]  }
0xc2: {  	[tilespmem:$0x110] =	vst v25;
	v25 =	vld [tilespmem:$0x1FBA0]  }
0xc3: {  	[tilespmem:$0x1FDA0] =	vst v63;
	v63 =	vld [tilespmem:$0xBA0]  }
0xc4: {  	[tilespmem:$0x1FFF0] =	vst v26;
	v12 =	vadd.f32 v12, v11;
	v26 =	vld [tilespmem:$0x1FBB0]  }
0xc5: {  	v11 =	vld [tilespmem:$0xF20]  }
0xc6: {  	[tilespmem:$0x580] =	vst v12;
	v12 =	vld [tilespmem:$0x730]  }
0xc7: {  	[tilespmem:$0xC0] =	vst v15;
	v14 =	vadd.f32 v14, v13;
	v13 =	vld [tilespmem:$0xF30]  }
0xc8: {  	v15 =	vadd.f32 v24, v23;
	[tilespmem:$0x1FDB0] =	vst v63;
	v63 =	vld [tilespmem:$0x3B0]  }
0xc9: {  	[tilespmem:$0x590] =	vst v14;
	v14 =	vld [tilespmem:$0x740];
	v16 =	vadd.f32 v26, v25  }
0xca: {  	[tilespmem:$0x290] =	vst v15;
	v15 =	vld [tilespmem:$0x5A0]  }
0xcb: {  	[tilespmem:$0x2A0] =	vst v16;
	v16 =	vld [tilespmem:$0xDA0]  }
0xcc: {  	[tilespmem:$0x120] =	vst v28;
	v28 =	vld [tilespmem:$0x1FBC0]  }
0xcd: {  	[tilespmem:$0x1FDC0] =	vst v63;
	v63 =	vld [tilespmem:$0xBB0]  }
0xce: {  	v18 =	vadd.f32 v18, v27;
	v26 =	vld [tilespmem:$0xDD0]  }
0xcf: {  	[tilespmem:$0x130] =	vst v29;
	v29 =	vld [tilespmem:$0x1FBD0]  }
0xd0: {  	[tilespmem:$0x510] =	vst v18;
	v18 =	vadd.f32 v16, v15;
	v15 =	vld [tilespmem:$0xF40]  }
0xd1: {  	v16 =	vld [tilespmem:$0x750]  }
0xd2: {  	[tilespmem:$0x1FDD0] =	vst v63;
	v63 =	vld [tilespmem:$0x3C0]  }
0xd3: {  	[tilespmem:$0x150] =	vst v31;
	v31 =	vld [tilespmem:$0x1FBE0]  }
0xd4: {  	[tilespmem:$0x160] =	vst v32;
	v32 =	vld [tilespmem:$0x1FBF0]  }
0xd5: {  	[tilespmem:$0x5A0] =	vst v18;
	v18 =	vld [tilespmem:$0x760]  }
0xd6: {  	v17 =	vadd.f32 v29, v28;
	v28 =	vld [tilespmem:$0x5E0]  }
0xd7: {  	[tilespmem:$0x1FDE0] =	vst v63;
	v63 =	vld [tilespmem:$0xBC0]  }
0xd8: {  	[tilespmem:$0x2B0] =	vst v17;
	v17 =	vld [tilespmem:$0x5B0]  }
0xd9: {  	v20 =	vadd.f32 v32, v31;
	v31 =	vld [tilespmem:$0x5F0]  }
0xda: {  	v32 =	vld [tilespmem:$0xDF0]  }
0xdb: {  	[tilespmem:$0x2C0] =	vst v20;
	v20 =	vld [tilespmem:$0xDB0]  }
0xdc: {  	[tilespmem:$0x1FDF0] =	vst v63;
	v63 =	vld [tilespmem:$0x3D0]  }
0xdd: {  	v29 =	vld [tilespmem:$0xDE0]  }
0xde: {  	[tilespmem:$0x170] =	vst v33;
	v33 =	vld [tilespmem:$0x1FC00]  }
0xdf: {  	v36 =	vadd.f32 v34, v36;
	v34 =	vld [tilespmem:$0x1FC10]  }
0xe0: {  	v32 =	vadd.f32 v32, v31;
	v20 =	vadd.f32 v20, v17;
	v17 =	vld [tilespmem:$0xF50]  }
0xe1: {  	[tilespmem:$0x1FE00] =	vst v63;
	v63 =	vld [tilespmem:$0xBD0]  }
0xe2: {  	[tilespmem:$0x5F0] =	vst v32;
	v32 =	vld [tilespmem:$0x7D0]  }
0xe3: {  	v40 =	vadd.f32 v35, v40;
	v35 =	vld [tilespmem:$0x1FC20]  }
0xe4: {  	v21 =	vadd.f32 v34, v33;
	v33 =	vld [tilespmem:$0x600]  }
0xe5: {  	v34 =	vld [tilespmem:$0xE00]  }
0xe6: {  	[tilespmem:$0x1FE10] =	vst v63;
	v63 =	vld [tilespmem:$0x3E0]  }
0xe7: {  	[tilespmem:$0x180] =	vst v36;
	v36 =	vld [tilespmem:$0x1FC30]  }
0xe8: {  	[tilespmem:$0x2D0] =	vst v21;
	v21 =	vld [tilespmem:$0x5C0]  }
0xe9: {  	v42 =	vadd.f32 v37, v42;
	v37 =	vld [tilespmem:$0x1FC40]  }
0xea: {  	[tilespmem:$0x190] =	vst v40;
	v34 =	vadd.f32 v34, v33;
	v40 =	vld [tilespmem:$0x1FC50]  }
0xeb: {  	[tilespmem:$0x1FE20] =	vst v63;
	v63 =	vld [tilespmem:$0xBE0]  }
0xec: {  	[tilespmem:$0x600] =	vst v34;
	v34 =	vld [tilespmem:$0xFD0];
	v22 =	vadd.f32 v36, v35  }
0xed: {  	v35 =	vld [tilespmem:$0x610]  }
0xee: {  	[tilespmem:$0x2E0] =	vst v22;
	v22 =	vld [tilespmem:$0xDC0]  }
0xef: {  	v43 =	vadd.f32 v41, v43;
	v23 =	vadd.f32 v40, v37;
	v41 =	vld [tilespmem:$0x1FC60]  }
0xf0: {  	[tilespmem:$0x1FE30] =	vst v63;
	v63 =	vld [tilespmem:$0x3F0]  }
0xf1: {  	[tilespmem:$0x2F0] =	vst v23;
	v23 =	vld [tilespmem:$0x5D0]  }
0xf2: {  	[tilespmem:$0x1A0] =	vst v42;
	v42 =	vld [tilespmem:$0x1FC70]  }
0xf3: {  	[tilespmem:$0x1B0] =	vst v43;
	v43 =	vld [tilespmem:$0x1FC80]  }
0xf4: {  	[tilespmem:$0x1C0] =	vst v44;
	v44 =	vld [tilespmem:$0x1FC90]  }
0xf5: {  	[tilespmem:$0x1FE40] =	vst v63;
	v63 =	vld [tilespmem:$0xBF0]  }
0xf6: {  	v45 =	vld [tilespmem:$0x1FCA0]  }
0xf7: {  	[tilespmem:$0x1D0] =	vst v46;
	v46 =	vld [tilespmem:$0x1FCB0]  }
0xf8: {  	[tilespmem:$0x1E0] =	vst v48;
	v48 =	vld [tilespmem:$0x1FCC0]  }
0xf9: {  	[tilespmem:$0x1F0] =	vst v49;
	v49 =	vld [tilespmem:$0x1FCD0]  }
0xfa: {  	[tilespmem:$0x1FE50] =	vst v63;
	v63 =	vld [tilespmem:$0x400]  }
0xfb: {  	[tilespmem:$0x200] =	vst v51;
	v51 =	vld [tilespmem:$0x1FCE0]  }
0xfc: {  	[tilespmem:$0x210] =	vst v52;
	v52 =	vld [tilespmem:$0x1FCF0]  }
0xfd: {  	[tilespmem:$0x220] =	vst v53;
	v53 =	vld [tilespmem:$0x1FD00]  }
0xfe: {  	v54 =	vld [tilespmem:$0x1FD10]  }
0xff: {  	v25 =	vadd.f32 v44, v43;
	[tilespmem:$0x1FE60] =	vst v63;
	v63 =	vld [tilespmem:$0xC00]  }
0x100: {  	v57 =	vld [tilespmem:$0x1FD40]  }
0x101: {  	[tilespmem:$0x310] =	vst v25;
	v25 =	vadd.f32 v49, v48;
	v60 =	vld [tilespmem:$0x1FD50]  }
0x102: {  	v36 =	vld [tilespmem:$0x1FD80]  }
0x103: {  	[tilespmem:$0x330] =	vst v25;
	v37 =	vld [tilespmem:$0x1FD90]  }
0x104: {  	v25 =	vadd.f32 v54, v53;
	[tilespmem:$0x1FE70] =	vst v63;
	v63 =	vld [tilespmem:$0x410]  }
0x105: {  	[tilespmem:$0x230] =	vst v55;
	v55 =	vld [tilespmem:$0x1FD20]  }
0x106: {  	[tilespmem:$0x350] =	vst v25;
	v56 =	vld [tilespmem:$0x1FD30];
	v25 =	vadd.f32 v60, v57  }
0x107: {  	v61 =	vld [tilespmem:$0x1FD60]  }
0x108: {  	[tilespmem:$0x370] =	vst v25;
	v25 =	vadd.f32 v37, v36;
	v36 =	vld [tilespmem:$0xE10]  }
0x109: {  	v24 =	vadd.f32 v42, v41;
	[tilespmem:$0x1FE80] =	vst v63;
	v63 =	vld [tilespmem:$0xC10]  }
0x10a: {  	v62 =	vld [tilespmem:$0x1FD70]  }
0x10b: {  	[tilespmem:$0x300] =	vst v24;
	v24 =	vadd.f32 v46, v45;
	v40 =	vld [tilespmem:$0x1FDA0]  }
0x10c: {  	v37 =	vld [tilespmem:$0x620]  }
0x10d: {  	[tilespmem:$0x320] =	vst v24;
	v41 =	vld [tilespmem:$0x1FDB0];
	v36 =	vadd.f32 v36, v35  }
0x10e: {  	v24 =	vadd.f32 v52, v51;
	[tilespmem:$0x1FE90] =	vst v63;
	v63 =	vld [tilespmem:$0x420]  }
0x10f: {  	[tilespmem:$0x610] =	vst v36;
	v36 =	vld [tilespmem:$0x7E0]  }
0x110: {  	[tilespmem:$0x340] =	vst v24;
	v24 =	vadd.f32 v56, v55;
	v42 =	vld [tilespmem:$0x1FDC0]  }
0x111: {  	v43 =	vld [tilespmem:$0x1FDD0]  }
0x112: {  	[tilespmem:$0x360] =	vst v24;
	v44 =	vld [tilespmem:$0x1FDE0]  }
0x113: {  	v24 =	vadd.f32 v62, v61;
	[tilespmem:$0x1FEA0] =	vst v63;
	v63 =	vld [tilespmem:$0xC20]  }
0x114: {  	v45 =	vld [tilespmem:$0x1FDF0]  }
0x115: {  	[tilespmem:$0x380] =	vst v24;
	v24 =	vadd.f32 v41, v40;
	v40 =	vld [tilespmem:$0xE20]  }
0x116: {  	v41 =	vld [tilespmem:$0x630]  }
0x117: {  	[tilespmem:$0x390] =	vst v25;
	v25 =	vadd.f32 v43, v42;
	v43 =	vld [tilespmem:$0x640]  }
0x118: {  	[tilespmem:$0x1FEB0] =	vst v63;
	v63 =	vld [tilespmem:$0x430]  }
0x119: {  	[tilespmem:$0x3A0] =	vst v24;
	v24 =	vadd.f32 v45, v44;
	v44 =	vld [tilespmem:$0xE40]  }
0x11a: {  	v42 =	vld [tilespmem:$0xE30]  }
0x11b: {  	v46 =	vld [tilespmem:$0x1FE00]  }
0x11c: {  	v45 =	vld [tilespmem:$0x650]  }
0x11d: {  	[tilespmem:$0x1FEC0] =	vst v63;
	v63 =	vld [tilespmem:$0xC30]  }
0x11e: {  	v37 =	vadd.f32 v40, v37;
	v48 =	vld [tilespmem:$0x1FE10];
	v40 =	vadd.f32 v44, v43  }
0x11f: {  	v44 =	vld [tilespmem:$0xF70]  }
0x120: {  	[tilespmem:$0x640] =	vst v40;
	v40 =	vld [tilespmem:$0x7F0]  }
0x121: {  	v49 =	vld [tilespmem:$0x1FE20]  }
0x122: {  	[tilespmem:$0x1FED0] =	vst v63;
	v63 =	vld [tilespmem:$0x440]  }
0x123: {  	v51 =	vld [tilespmem:$0x1FE30]  }
0x124: {  	[tilespmem:$0x3B0] =	vst v25;
	v25 =	vadd.f32 v48, v46;
	v46 =	vld [tilespmem:$0xE50]  }
0x125: {  	v48 =	vld [tilespmem:$0x660]  }
0x126: {  	v52 =	vld [tilespmem:$0x1FE40]  }
0x127: {  	[tilespmem:$0x1FEE0] =	vst v63;
	v63 =	vld [tilespmem:$0xC40]  }
0x128: {  	[tilespmem:$0x3C0] =	vst v24;
	v24 =	vadd.f32 v51, v49;
	v49 =	vld [tilespmem:$0xE60]  }
0x129: {  	v51 =	vld [tilespmem:$0x670]  }
0x12a: {  	v53 =	vld [tilespmem:$0x1FE50]  }
0x12b: {  	v54 =	vld [tilespmem:$0x1FE60]  }
0x12c: {  	[tilespmem:$0x1FEF0] =	vst v63;
	v63 =	vld [tilespmem:$0x450]  }
0x12d: {  	v55 =	vld [tilespmem:$0x1FE70]  }
0x12e: {  	v56 =	vld [tilespmem:$0x1FE80]  }
0x12f: {  	v57 =	vld [tilespmem:$0x1FE90]  }
0x130: {  	v60 =	vld [tilespmem:$0x1FEA0]  }
0x131: {  	[tilespmem:$0x1FF00] =	vst v63;
	v63 =	vld [tilespmem:$0xC50]  }
0x132: {  	v61 =	vld [tilespmem:$0x1FEB0]  }
0x133: {  	[tilespmem:$0x3D0] =	vst v25;
	v25 =	vadd.f32 v53, v52;
	v62 =	vld [tilespmem:$0x1FEC0]  }
0x134: {  	[tilespmem:$0x3E0] =	vst v24;
	v52 =	vld [tilespmem:$0x1FED0]  }
0x135: {  	v43 =	vadd.f32 v49, v48;
	v48 =	vld [tilespmem:$0xF80];
	[tilespmem:$0x3F0] =	vst v25;
	v24 =	vadd.f32 v55, v54  }
0x136: {  	[tilespmem:$0x1FF10] =	vst v63;
	v63 =	vld [tilespmem:$0x460]  }
0x137: {  	[tilespmem:$0x400] =	vst v24;
	v25 =	vadd.f32 v57, v56;
	v24 =	vadd.f32 v61, v60;
	v61 =	vld [tilespmem:$0x1FF40]  }
0x138: {  	v53 =	vld [tilespmem:$0x1FEE0]  }
0x139: {  	[tilespmem:$0x410] =	vst v25;
	v25 =	vadd.f32 v52, v62;
	v52 =	vld [tilespmem:$0xE70]  }
0x13a: {  	v54 =	vld [tilespmem:$0x1FEF0]  }
0x13b: {  	[tilespmem:$0x1FF20] =	vst v63;
	v63 =	vld [tilespmem:$0xC60]  }
0x13c: {  	v62 =	vld [tilespmem:$0x1FF50]  }
0x13d: {  	v55 =	vld [tilespmem:$0x1FF00]  }
0x13e: {  	v56 =	vld [tilespmem:$0x1FF10]  }
0x13f: {  	[tilespmem:$0x420] =	vst v24;
	v24 =	vadd.f32 v54, v53;
	v53 =	vld [tilespmem:$0x680]  }
0x140: {  	[tilespmem:$0x1FF30] =	vst v63;
	v63 =	vld [tilespmem:$0x470]  }
0x141: {  	[tilespmem:$0x540] =	vst v1;
	v57 =	vld [tilespmem:$0x1FF20]  }
0x142: {  	[tilespmem:$0x530] =	vst v0;
	v29 =	vadd.f32 v29, v28;
	v60 =	vld [tilespmem:$0x1FF30]  }
0x143: {  	[tilespmem:$0x430] =	vst v25;
	v54 =	vld [tilespmem:$0xE80];
	v25 =	vadd.f32 v56, v55  }
0x144: {  	[tilespmem:$0x5E0] =	vst v29;
	v31 =	vadd.f32 v9, v8;
	v55 =	vld [tilespmem:$0x690]  }
0x145: {  	[tilespmem:$0x450] =	vst v25;
	v25 =	vadd.f32 v61, v63;
	v63 =	vld [tilespmem:$0x1FF60]  }
0x146: {  	[tilespmem:$0x710] =	vst v31;
	v56 =	vld [tilespmem:$0xE90]  }
0x147: {  	v33 =	vadd.f32 v11, v10;
	[tilespmem:$0x440] =	vst v24;
	v24 =	vadd.f32 v60, v57;
	v57 =	vld [tilespmem:$0x1FF70]  }
0x148: {  	[tilespmem:$0x5B0] =	vst v20;
	v60 =	vld [tilespmem:$0x1FF80]  }
0x149: {  	[tilespmem:$0x720] =	vst v33;
	v27 =	vadd.f32 v26, v23;
	v61 =	vld [tilespmem:$0x1FF90]  }
0x14a: {  	v35 =	vadd.f32 v13, v12;
	[tilespmem:$0x460] =	vst v24;
	v24 =	vadd.f32 v63, v62;
	v62 =	vld [tilespmem:$0x1FFA0]  }
0x14b: {  	[tilespmem:$0x5D0] =	vst v27;
	v49 =	vadd.f32 v56, v55;
	v55 =	vld [tilespmem:$0x7A0]  }
0x14c: {  	[tilespmem:$0x730] =	vst v35;
	v63 =	vld [tilespmem:$0x1FFB0]  }
0x14d: {  	[tilespmem:$0x470] =	vst v25;
	v25 =	vadd.f32 v60, v57;
	v60 =	vld [tilespmem:$0x1FFC0]  }
0x14e: {  	[tilespmem:$0x620] =	vst v37;
	v37 =	vadd.f32 v15, v14;
	v57 =	vld [tilespmem:$0x6A0]  }
0x14f: {  	[tilespmem:$0x480] =	vst v24;
	v24 =	vadd.f32 v62, v61;
	v61 =	vld [tilespmem:$0x1FFF0]  }
0x150: {  	[tilespmem:$0x740] =	vst v37;
	v62 =	vadd.f32 v50, v59;
	v50 =	vld [tilespmem:$0xEB0]  }
0x151: {  	[tilespmem:$0x660] =	vst v43;
	v59 =	vld [tilespmem:$0xED0]  }
0x152: {  	[tilespmem:$0x490] =	vst v25;
	v25 =	vadd.f32 v60, v63;
	v60 =	vld [tilespmem:$0x1FFE0]  }
0x153: {  	[tilespmem:$0x690] =	vst v49;
	v63 =	vadd.f32 v38, v47;
	v38 =	vld [tilespmem:$0x6C0]  }
0x154: {  	v47 =	vadd.f32 v30, v39;
	v30 =	vld [tilespmem:$0xEC0];
	[tilespmem:$0x4A0] =	vst v24  }
0x155: {  	v39 =	vadd.f32 v42, v41;
	v41 =	vld [tilespmem:$0xF60];
	[tilespmem:$0x4E0] =	vst v62  }
0x156: {  	v42 =	vadd.f32 v46, v45;
	v46 =	vld [tilespmem:$0x780];
	[tilespmem:$0x4B0] =	vst v25  }
0x157: {  	v45 =	vadd.f32 v52, v51;
	v51 =	vld [tilespmem:$0x790];
	[tilespmem:$0x4F0] =	vst v63  }
0x158: {  	v24 =	vld [tilespmem:$0x1FFD0];
	[tilespmem:$0x500] =	vst v47  }
0x159: {  	v62 =	vadd.f32 v6, v5;
	v5 =	vld [tilespmem:$0x700];
	[tilespmem:$0x630] =	vst v39  }
0x15a: {  	v6 =	vld [tilespmem:$0xF00];
	[tilespmem:$0x650] =	vst v42  }
0x15b: {  	v63 =	vld [tilespmem:$0xEF0];
	v47 =	vadd.f32 v54, v53;
	[tilespmem:$0x670] =	vst v45  }
0x15c: {  	v53 =	vld [tilespmem:$0xF90];
	v39 =	vadd.f32 v17, v16;
	[tilespmem:$0x560] =	vst v62  }
0x15d: {  	v42 =	vld [tilespmem:$0xFF0];
	v25 =	vadd.f32 v58, v61;
	[tilespmem:$0x680] =	vst v47  }
0x15e: {  	v58 =	vld [tilespmem:$0x6B0];
	v61 =	vadd.f32 v4, v3;
	[tilespmem:$0x750] =	vst v39  }
0x15f: {  	v3 =	vld [tilespmem:$0x6F0];
	v56 =	vadd.f32 v30, v38;
	[tilespmem:$0x4D0] =	vst v25  }
0x160: {  	v30 =	vld [tilespmem:$0xFC0];
	v41 =	vadd.f32 v41, v18;
	[tilespmem:$0x550] =	vst v61  }
0x161: {  	v38 =	vld [tilespmem:$0xFE0];
	v45 =	vadd.f32 v48, v46;
	[tilespmem:$0x6C0] =	vst v56  }
0x162: {  	v24 =	vadd.f32 v60, v24;
	v60 =	vld [tilespmem:$0xEA0];
	[tilespmem:$0x760] =	vst v41  }
0x163: {  	v25 =	vld [tilespmem:$0x6D0];
	v47 =	vadd.f32 v53, v51;
	[tilespmem:$0x780] =	vst v45  }
0x164: {  	v46 =	vld [tilespmem:$0x1000];
	[tilespmem:$0x4C0] =	vst v24;
	v24 =	vadd.f32 v22, v21  }
0x165: {  	v61 =	vld [tilespmem:$0xFB0];
	v54 =	vadd.f32 v50, v58;
	[tilespmem:$0x790] =	vst v47  }
0x166: {  	v21 =	vld [tilespmem:$0x770];
	v62 =	vadd.f32 v63, v3;
	[tilespmem:$0x5C0] =	vst v24  }
0x167: {  	v63 =	vld [tilespmem:$0x7C0];
	v52 =	vadd.f32 v60, v57;
	[tilespmem:$0x6B0] =	vst v54  }
0x168: {  	v57 =	vld [tilespmem:$0xFA0];
	v58 =	vadd.f32 v59, v25;
	[tilespmem:$0x6F0] =	vst v62  }
0x169: {  	v59 =	vld [tilespmem:$0x7B0];
	v60 =	vadd.f32 v2, v7;
	[tilespmem:$0x6A0] =	vst v52  }
0x16a: {  	v48 =	vld [tilespmem:$0x810];
	v25 =	vadd.f32 v6, v5;
	[tilespmem:$0x6D0] =	vst v58  }
0x16b: {  	v56 =	vld [tilespmem:$0x830];
	[tilespmem:$0x6E0] =	vst v60;
	v43 =	vadd.f32 v44, v21  }
0x16c: {  	v50 =	vld [tilespmem:$0x1010];
	[tilespmem:$0x700] =	vst v25;
	v53 =	vadd.f32 v30, v63  }
0x16d: {  	v54 =	vld [tilespmem:$0x1020];
	[tilespmem:$0x770] =	vst v43;
	v49 =	vadd.f32 v57, v55  }
0x16e: {  	v44 =	vld [tilespmem:$0x800];
	v51 =	vadd.f32 v61, v59;
	[tilespmem:$0x7C0] =	vst v53  }
0x16f: {  	v52 =	vld [tilespmem:$0x820];
	v55 =	vadd.f32 v34, v32;
	[tilespmem:$0x7A0] =	vst v49  }
0x170: {  	v58 =	vld [tilespmem:$0x1030];
	v57 =	vadd.f32 v38, v36;
	[tilespmem:$0x7B0] =	vst v51  }
0x171: {  	v59 =	vadd.f32 v42, v40;
	[tilespmem:$0x7D0] =	vst v55  }
0x172: {  	v61 =	vadd.f32 v50, v48;
	[tilespmem:$0x7E0] =	vst v57  }
0x173: {  	v60 =	vadd.f32 v46, v44;
	[tilespmem:$0x7F0] =	vst v59  }
0x174: {  	v62 =	vadd.f32 v54, v52;
	[tilespmem:$0x810] =	vst v61  }
0x175: {  	v63 =	vadd.f32 v58, v56;
	[tilespmem:$0x800] =	vst v60  }
0x176: {  	p0 =	sne.s32 s8, $0x1;
	[tilespmem:$0x820] =	vst v62  }
.Ltmp0:
0x177: {  	[tilespmem:$0x830] =	vst v63;
	(pc) =	sbr.rel @p0 .LBB2_1-.Ltmp0, $4  }
0x178: {  	[hbm4b:s7+s3] =	stream.linear.scatter [tilespmem:s11], [sflag:$0x2], $0x800, $0x38;
	[tilespmem:$0x1040] =	vst v63  }
0x179: {  	_ =	swait.ge [sflag:s9], $0x800  }
0x17a: {  	[sflag:s9] =	ssyncset.done $0x0  }
0x17b: {  	s8 =	sadd.s32 $0xFFFFFFFF, s8;
	[sflag:s9] =	ssyncadd.s32 $0xFFFFF800  }
0x17c: {  	_ =	sfence.sel $0x180000  }
0x17d: {  	[bflag:$0x0] =	sbarrier.arrive $0xFFFF  }
0x17e: {  	p0 =	sne.s32 s1, $0x0;
	_ =	strace $0x90000047  }
0x17f: {  	s0 =	sadd.s32 @!p0 $0x100000, s0;
	[bflag:$0x2] =	sbarrier.arrive $0xFFFF  }
0x180: {  	[sflag:s0] =	ssyncadd.tile.s32 @!p0 $0x1;
	_ =	shalt  }
.Lfunc_end2:
_tile_overlayer_lowered:
.L_overlay_start_2:
0x181: {  	(tag) =	ssettag $0x2  }
0x182: {  	s0 =	rddreg [dreg:$0x0];
	s2 =	stileid.u32  }
0x183: {  	s1 =	rddreg [dreg:$0x1];
	p0 =	sne.s32 s2, $0x0  }
0x184: {  	s3 =	rddreg [dreg:$0x2];
	[bflag:$0x3] =	sbarrier.arrive $0xFFFF;
	s2 =	simm.s32 @!p0 $0x1C02  }
0x185: {  	[timem:s3], [sflag:s2] =	dma.local @!p0 [hbm:s0], s1  }
0x186: {  	s0 =	simm.s32 @!p0 $0x2  }
0x187: {  	_ =	swait.ge @!p0 [sflag:s0], s1  }
0x188: {  	s1 =	ssub.s32 @!p0 $0x0, s1;
	[sflag:s0] =	ssyncset.done @!p0 $0x0  }
0x189: {  	[sflag:s0] =	ssyncadd.s32 @!p0 s1  }
0x18a: {  	[bflag:$0x3] =	sbarrier.arrive $0xFFFF  }
0x18b: {  	_ =	shalt  }

</sc_bundles>
